<compile_context>
chip_gen: v7x
topology: tpu7x:2x2x1
jax: 0.10.2.dev20260603
libtpu: 0.0.44.dev20260713+nightly
codegen_flags: <defaults>
</compile_context>

<pallas_src>
import functools

import jax
import jax.numpy as jnp
from jax import lax
from jax.experimental import pallas as pl
from jax.experimental.pallas import tpu as pltpu
from jax.experimental.pallas import tpu_sc as plsc

N = 10000
E = 320000
H = 128
G = 64

NC = 2
NS = 16
NW = NC * NS
E_PER_W = E // NW
CH = 128
N_FULL = E_PER_W // CH
TAIL = E_PER_W - N_FULL * CH
N_PAD = 10240
ROWS_PER_TILE = N_PAD // NS

_mesh = plsc.VectorSubcoreMesh(core_axis_name="c", subcore_axis_name="s")



DW = 16


@functools.partial(
    pl.kernel,
    out_type=jax.ShapeDtypeStruct((NC, N_PAD, DW), jnp.float32),
    mesh=_mesh,
    scratch_types=[
        pltpu.VMEM((CH,), jnp.int32),
        pltpu.VMEM((CH, DW), jnp.float32),
        pltpu.VMEM((TAIL,), jnp.int32),
        pltpu.VMEM_SHARED((N_PAD, DW), jnp.float32),
    ],
)
def _deg_kernel(dst_hbm, out_hbm, dst_v, ones_v, dst_t, acc):
    cid = lax.axis_index("c")
    sid = lax.axis_index("s")
    w = sid * NC + cid
    z16 = jnp.zeros((16,), jnp.float32)

    def zrow(i, _):
        ones_v[i, :] = z16
        return ()

    lax.fori_loop(0, CH, zrow, ())
    r0 = sid * ROWS_PER_TILE
    for k in range(ROWS_PER_TILE // CH):
        pltpu.sync_copy(ones_v, acc.at[pl.ds(r0 + k * CH, CH)])

    one16 = jnp.ones((16,), jnp.float32)

    def orow(i, _):
        ones_v[i, :] = one16
        return ()

    lax.fori_loop(0, CH, orow, ())
    plsc.subcore_barrier()

    base_w = w * E_PER_W

    def chunk(j, _):
        base = base_w + j * CH
        pltpu.sync_copy(dst_hbm.at[pl.ds(base, CH)], dst_v)
        pltpu.sync_copy(ones_v, acc.at[dst_v], add=True)
        return ()

    lax.fori_loop(0, N_FULL, chunk, ())

    tbase = base_w + N_FULL * CH
    pltpu.sync_copy(dst_hbm.at[pl.ds(tbase, TAIL)], dst_t)
    pltpu.sync_copy(ones_v.at[pl.ds(0, TAIL)], acc.at[dst_t], add=True)

    plsc.subcore_barrier()
    pltpu.sync_copy(acc.at[pl.ds(r0, ROWS_PER_TILE)],
                    out_hbm.at[cid, pl.ds(r0, ROWS_PER_TILE)])


@functools.partial(
    pl.kernel,
    out_type=jax.ShapeDtypeStruct((NC, N_PAD, H), jnp.float32),
    mesh=_mesh,
    scratch_types=[
        pltpu.VMEM((CH,), jnp.int32),
        pltpu.VMEM((CH,), jnp.int32),
        pltpu.VMEM((CH,), jnp.int32),
        pltpu.VMEM((CH,), jnp.int32),
        pltpu.VMEM((CH, H), jnp.float32),
        pltpu.VMEM((CH, H), jnp.float32),
        pltpu.VMEM((TAIL,), jnp.int32),
        pltpu.VMEM((TAIL,), jnp.int32),
        pltpu.VMEM((TAIL, H), jnp.float32),
        pltpu.VMEM_SHARED((N_PAD, H), jnp.float32),
        pltpu.SemaphoreType.DMA,
        pltpu.SemaphoreType.DMA,
        pltpu.SemaphoreType.DMA,
        pltpu.SemaphoreType.DMA,
    ],
)
def _agg_kernel(src_hbm, dst_hbm, y_hbm, out_hbm,
                src_a, src_b, dst_a, dst_b, rows_a, rows_b,
                src_t, dst_t, rows_t, acc,
                sem_ia, sem_ib, sem_ga, sem_gb):
    cid = lax.axis_index("c")
    sid = lax.axis_index("s")
    w = sid * NC + cid
    z16 = jnp.zeros((16,), jnp.float32)

    def zrow(i, _):
        for t in range(H // 16):
            rows_a[i, pl.ds(t * 16, 16)] = z16
        return ()

    lax.fori_loop(0, CH, zrow, ())
    r0 = sid * ROWS_PER_TILE
    for k in range(ROWS_PER_TILE // CH):
        pltpu.sync_copy(rows_a, acc.at[pl.ds(r0 + k * CH, CH)])
    plsc.subcore_barrier()

    base_w = w * E_PER_W

    pltpu.async_copy(src_hbm.at[pl.ds(base_w, CH)], src_a, sem_ia)
    pltpu.async_copy(dst_hbm.at[pl.ds(base_w, CH)], dst_a, sem_ia)
    pltpu.async_copy(src_hbm.at[pl.ds(base_w + CH, CH)], src_b, sem_ib)
    pltpu.async_copy(dst_hbm.at[pl.ds(base_w + CH, CH)], dst_b, sem_ib)
    pltpu.make_async_copy(src_hbm.at[pl.ds(base_w, CH)], src_a, sem_ia).wait()
    pltpu.async_copy(y_hbm.at[src_a], rows_a, sem_ga)
    pltpu.make_async_copy(src_hbm.at[pl.ds(base_w, CH)], src_b, sem_ib).wait()
    pltpu.async_copy(y_hbm.at[src_b], rows_b, sem_gb)

    NPAIR = N_FULL // 2

    def pair(i, _):
        j0 = 2 * i
        more = i < NPAIR - 1
        pltpu.make_async_copy(y_hbm.at[src_a], rows_a, sem_ga).wait()

        @pl.when(more)
        def _():
            pltpu.async_copy(src_hbm.at[pl.ds(base_w + (j0 + 2) * CH, CH)],
                             src_a, sem_ia)

        pltpu.make_async_copy(dst_hbm.at[pl.ds(base_w, CH)], dst_a,
                              sem_ia).wait()
        pltpu.sync_copy(rows_a, acc.at[dst_a], add=True)

        @pl.when(more)
        def _():
            pltpu.async_copy(dst_hbm.at[pl.ds(base_w + (j0 + 2) * CH, CH)],
                             dst_a, sem_ia)

        pltpu.make_async_copy(y_hbm.at[src_b], rows_b, sem_gb).wait()

        @pl.when(more)
        def _():
            pltpu.async_copy(src_hbm.at[pl.ds(base_w + (j0 + 3) * CH, CH)],
                             src_b, sem_ib)

        pltpu.make_async_copy(dst_hbm.at[pl.ds(base_w, CH)], dst_b,
                              sem_ib).wait()
        pltpu.sync_copy(rows_b, acc.at[dst_b], add=True)

        @pl.when(more)
        def _():
            pltpu.async_copy(dst_hbm.at[pl.ds(base_w + (j0 + 3) * CH, CH)],
                             dst_b, sem_ib)
            pltpu.make_async_copy(src_hbm.at[pl.ds(base_w, CH)], src_a,
                                  sem_ia).wait()
            pltpu.async_copy(y_hbm.at[src_a], rows_a, sem_ga)
            pltpu.make_async_copy(src_hbm.at[pl.ds(base_w, CH)], src_b,
                                  sem_ib).wait()
            pltpu.async_copy(y_hbm.at[src_b], rows_b, sem_gb)

        return ()

    lax.fori_loop(0, NPAIR, pair, ())

    tbase = base_w + N_FULL * CH
    pltpu.sync_copy(src_hbm.at[pl.ds(tbase, TAIL)], src_t)
    pltpu.sync_copy(dst_hbm.at[pl.ds(tbase, TAIL)], dst_t)
    pltpu.async_copy(y_hbm.at[src_t], rows_t, sem_ga).wait()
    pltpu.sync_copy(rows_t, acc.at[dst_t], add=True)

    plsc.subcore_barrier()
    pltpu.sync_copy(acc.at[pl.ds(r0, ROWS_PER_TILE)],
                    out_hbm.at[cid, pl.ds(r0, ROWS_PER_TILE)])



_BLK = 1000
_NBLK = N // _BLK


def _pre1_body(degp_ref, x_ref, w_ref, y_ref, dinv_ref):
    deg = jnp.sum(degp_ref[...], axis=1) * (1.0 / DW) + 1.0
    dinv = lax.rsqrt(deg)
    xw = jnp.dot(x_ref[...], w_ref[...], preferred_element_type=jnp.float32)
    y_ref[...] = dinv[:, None] * xw
    dinv_ref[...] = dinv[:, None]


_pre1 = pl.pallas_call(
    _pre1_body,
    grid=(_NBLK,),
    in_specs=[
        pl.BlockSpec((_BLK, NC * DW), lambda i: (i, 0)),
        pl.BlockSpec((_BLK, H), lambda i: (i, 0)),
        pl.BlockSpec((H, H), lambda i: (0, 0)),
    ],
    out_specs=(
        pl.BlockSpec((_BLK, H), lambda i: (i, 0)),
        pl.BlockSpec((_BLK, 1), lambda i: (i, 0)),
    ),
    out_shape=(
        jax.ShapeDtypeStruct((N, H), jnp.float32),
        jax.ShapeDtypeStruct((N, 1), jnp.float32),
    ),
)


def _trans_body(aggp_ref, y_ref, dinv_ref, b_ref, w_ref, out_ref):
    a = aggp_ref[0] + aggp_ref[1] + y_ref[...]
    h = jnp.tanh(dinv_ref[...] * a + b_ref[...])
    out_ref[...] = dinv_ref[...] * jnp.dot(
        h, w_ref[...], preferred_element_type=jnp.float32)


_trans = pl.pallas_call(
    _trans_body,
    grid=(_NBLK,),
    in_specs=[
        pl.BlockSpec((NC, _BLK, H), lambda i: (0, i, 0)),
        pl.BlockSpec((_BLK, H), lambda i: (i, 0)),
        pl.BlockSpec((_BLK, 1), lambda i: (i, 0)),
        pl.BlockSpec((1, H), lambda i: (0, 0)),
        pl.BlockSpec((H, H), lambda i: (0, 0)),
    ],
    out_specs=pl.BlockSpec((_BLK, H), lambda i: (i, 0)),
    out_shape=jax.ShapeDtypeStruct((N, H), jnp.float32),
)


def _final_body(aggp_ref, y_ref, dinv_ref, b_ref, batch_ref, wl_ref, bl_ref,
                out_ref, seg_ref, cnt_ref):
    i = pl.program_id(0)

    @pl.when(i == 0)
    def _():
        seg_ref[...] = jnp.zeros_like(seg_ref)
        cnt_ref[...] = jnp.zeros_like(cnt_ref)

    a = aggp_ref[0] + aggp_ref[1] + y_ref[...]
    h = dinv_ref[...] * a + b_ref[...]
    bt = batch_ref[...].reshape(1, _BLK)
    oh = (lax.broadcasted_iota(jnp.int32, (G, _BLK), 0)
          == jnp.broadcast_to(bt, (G, _BLK))).astype(jnp.float32)
    seg_ref[...] += jnp.dot(oh, h, preferred_element_type=jnp.float32)
    cnt_ref[...] += jnp.sum(oh, axis=1, keepdims=True)

    @pl.when(i == _NBLK - 1)
    def _():
        cnt = cnt_ref[...]
        mean = jnp.where(cnt > 0, seg_ref[...] / jnp.maximum(cnt, 1.0), 0.0)
        out_ref[...] = jnp.dot(
            mean, wl_ref[...], preferred_element_type=jnp.float32) + bl_ref[...]


_final = pl.pallas_call(
    _final_body,
    grid=(_NBLK,),
    in_specs=[
        pl.BlockSpec((NC, _BLK, H), lambda i: (0, i, 0)),
        pl.BlockSpec((_BLK, H), lambda i: (i, 0)),
        pl.BlockSpec((_BLK, 1), lambda i: (i, 0)),
        pl.BlockSpec((1, H), lambda i: (0, 0)),
        pl.BlockSpec((1, 1, _BLK), lambda i: (i, 0, 0)),
        pl.BlockSpec((H, 1), lambda i: (0, 0)),
        pl.BlockSpec((1, 1), lambda i: (0, 0)),
    ],
    out_specs=pl.BlockSpec((G, 1), lambda i: (0, 0)),
    out_shape=jax.ShapeDtypeStruct((G, 1), jnp.float32),
    scratch_shapes=[
        pltpu.VMEM((G, H), jnp.float32),
        pltpu.VMEM((G, 1), jnp.float32),
    ],
)


def kernel(x, edge_index, batch, W1, b1, W2, b2, W3, b3, Wl, bl):
    src = edge_index[0]
    dst = edge_index[1]
    deg_p = _deg_kernel(dst)
    y1, dinv = _pre1(deg_p.transpose(1, 0, 2).reshape(N_PAD, NC * DW), x, W1)
    agg1 = _agg_kernel(src, dst, y1)
    y2 = _trans(agg1, y1, dinv, b1.reshape(1, H), W2)
    agg2 = _agg_kernel(src, dst, y2)
    y3 = _trans(agg2, y2, dinv, b2.reshape(1, H), W3)
    agg3 = _agg_kernel(src, dst, y3)
    out = _final(agg3, y3, dinv, b3.reshape(1, H),
                 batch.reshape(_NBLK, 1, _BLK), Wl, bl.reshape(1, 1))
    return out

# --- scband reference (transcript-rebuilt; emitter-appended) ---
"""Pipeline reference for scband-gcn-8985071583995 (READ-ONLY COPY).

The authoritative reference and input builder live on the scoring server;
editing this copy changes nothing except your own understanding.
"""

import jax, jax.numpy as jnp
import numpy as np

N = 10000
E = 320000
F_IN = 128
H = 128
G = 64


def gcn_conv(x, src, dst, W, b, num_nodes):
    # add self loops
    loop = jnp.arange(num_nodes, dtype=src.dtype)
    src2 = jnp.concatenate([src, loop])
    dst2 = jnp.concatenate([dst, loop])
    deg = jnp.zeros((num_nodes,), dtype=x.dtype).at[dst2].add(1.0)
    dinv = jnp.where(deg > 0, jax.lax.rsqrt(deg), 0.0)
    xw = x @ W
    norm = dinv[src2] * dinv[dst2]
    msg = xw[src2] * norm[:, None]
    out = jnp.zeros((num_nodes, W.shape[1]), dtype=x.dtype).at[dst2].add(msg)
    return out + b


def global_mean_pool(x, batch, num_graphs):
    s = jax.ops.segment_sum(x, batch, num_segments=num_graphs)
    cnt = jax.ops.segment_sum(jnp.ones((x.shape[0],), dtype=x.dtype), batch, num_segments=num_graphs)
    return jnp.where(cnt[:, None] > 0, s / jnp.maximum(cnt, 1.0)[:, None], 0.0)


def setup_inputs(seed: int = 0) -> dict:
    key = jax.random.key(seed)
    ks = jax.random.split(key, 12)
    x = jax.random.normal(ks[0], (N, F_IN), dtype=jnp.float32)
    edge_index = jax.random.randint(ks[1], (2, E), 0, N, dtype=jnp.int32)
    batch = jnp.sort(jax.random.randint(ks[2], (N,), 0, G, dtype=jnp.int32))
    W1 = jax.random.normal(ks[3], (F_IN, H), dtype=jnp.float32) * (1.0 / np.sqrt(F_IN))
    b1 = jnp.zeros((H,), dtype=jnp.float32)
    W2 = jax.random.normal(ks[4], (H, H), dtype=jnp.float32) * (1.0 / np.sqrt(H))
    b2 = jnp.zeros((H,), dtype=jnp.float32)
    W3 = jax.random.normal(ks[5], (H, H), dtype=jnp.float32) * (1.0 / np.sqrt(H))
    b3 = jnp.zeros((H,), dtype=jnp.float32)
    Wl = jax.random.normal(ks[6], (H, 1), dtype=jnp.float32) * (1.0 / np.sqrt(H))
    bl = jnp.zeros((1,), dtype=jnp.float32)
    return {"x": x, "edge_index": edge_index, "batch": batch,
            "W1": W1, "b1": b1, "W2": W2, "b2": b2, "W3": W3, "b3": b3,
            "Wl": Wl, "bl": bl}


def reference(x, edge_index, batch, W1, b1, W2, b2, W3, b3, Wl, bl):
    src, dst = edge_index[0], edge_index[1]
    h = gcn_conv(x, src, dst, W1, b1, N)
    h = jnp.tanh(h)
    h = gcn_conv(h, src, dst, W2, b2, N)
    h = jnp.tanh(h)
    h = gcn_conv(h, src, dst, W3, b3, N)
    h = global_mean_pool(h, batch, G)
    out = h @ Wl + bl
    return out

if __name__ == "__main__":
    import jax
    _d = setup_inputs()
    print(jax.jit(kernel)(*tuple(_d.values())))

</pallas_src>

<mosaic_0001>
#map = affine_map<(d0, d1) -> (0)>
#map1 = affine_map<(d0, d1) -> (0, 0)>
#map2 = affine_map<(d0, d1) -> (0, 0, 0)>
module attributes {stable_mosaic.version = 14 : i64} {
  func.func @_agg_kernel(%arg0: i32, %arg1: i32, %arg2: memref<320000xi32, #tpu.memory_space<hbm>>, %arg3: memref<320000xi32, #tpu.memory_space<hbm>>, %arg4: memref<10000x128xf32, #tpu.memory_space<hbm>>, %arg5: memref<2x10240x128xf32, #tpu.memory_space<hbm>>, %arg6: memref<128xi32, #tpu.memory_space<vmem>>, %arg7: memref<128xi32, #tpu.memory_space<vmem>>, %arg8: memref<128xi32, #tpu.memory_space<vmem>>, %arg9: memref<128xi32, #tpu.memory_space<vmem>>, %arg10: memref<128x128xf32, #tpu.memory_space<vmem>>, %arg11: memref<128x128xf32, #tpu.memory_space<vmem>>, %arg12: memref<16xi32, #tpu.memory_space<vmem>>, %arg13: memref<16xi32, #tpu.memory_space<vmem>>, %arg14: memref<16x128xf32, #tpu.memory_space<vmem>>, %arg15: memref<10240x128xf32, #tpu.memory_space<vmem_shared>>, %arg16: memref<!tpu.dma_semaphore, #tpu.memory_space<semaphore_mem>>, %arg17: memref<!tpu.dma_semaphore, #tpu.memory_space<semaphore_mem>>, %arg18: memref<!tpu.dma_semaphore, #tpu.memory_space<semaphore_mem>>, %arg19: memref<!tpu.dma_semaphore, #tpu.memory_space<semaphore_mem>>) attributes {dimension_semantics = [#tpu.dimension_semantics<core_parallel>, #tpu.dimension_semantics<subcore_parallel>], iteration_bounds = array<i64: 2, 16>, scalar_prefetch = 0 : i64, scratch_operands = 14 : i64, tpu.core_type = #tpu.core_type<sc_vector_subcore>, window_params = [{transform_indices = #map}, {transform_indices = #map}, {transform_indices = #map1}, {transform_indices = #map2}]} {
    %mul3A = arith.constant 2 : i32
    %mul3A_0 = arith.muli %arg1, %mul3A : i32
    %add3A = arith.addi %mul3A_0, %arg0 : i32
    %broadcast_in_dim3A = arith.constant 0.000000e+00 : f32
    %broadcast_in_dim3A_1 = vector.broadcast %broadcast_in_dim3A : f32 to vector<16xf32>
    %scan3A = arith.constant 0 : i32
    %scan3A_2 = arith.constant 128 : i32
    %scan3A_3 = arith.addi %scan3A, %scan3A_2 : i32
    %scan3A_4 = arith.constant 1 : i32
    scf.for %scan3A_54 = %scan3A to %scan3A_3 step %scan3A_4  : i32 {
      %swap3A = arith.index_cast %scan3A_54 : i32 to index
      %swap3A_55 = arith.constant 0 : index
      %swap3A_56 = tpu.vector_load %arg10[%swap3A, %swap3A_55] {strides = array<i32>} : memref<128x128xf32, #tpu.memory_space<vmem>>, vector<1x16xf32>,
      %swap3A_57 = vector.shape_cast %swap3A_56 : vector<1x16xf32> to vector<16xf32>
      %swap3A_58 = vector.shape_cast %broadcast_in_dim3A_1 : vector<16xf32> to vector<1x16xf32>
      tpu.vector_store %arg10[%swap3A, %swap3A_55], %swap3A_58 {strides = array<i32>} : memref<128x128xf32, #tpu.memory_space<vmem>>, vector<1x16xf32>,
      %swap3A_59 = arith.index_cast %scan3A_54 : i32 to index
      %swap3A_60 = arith.constant 16 : index
      %swap3A_61 = tpu.vector_load %arg10[%swap3A_59, %swap3A_60] {strides = array<i32>} : memref<128x128xf32, #tpu.memory_space<vmem>>, vector<1x16xf32>,
      %swap3A_62 = vector.shape_cast %swap3A_61 : vector<1x16xf32> to vector<16xf32>
      %swap3A_63 = vector.shape_cast %broadcast_in_dim3A_1 : vector<16xf32> to vector<1x16xf32>
      tpu.vector_store %arg10[%swap3A_59, %swap3A_60], %swap3A_63 {strides = array<i32>} : memref<128x128xf32, #tpu.memory_space<vmem>>, vector<1x16xf32>,
      %swap3A_64 = arith.index_cast %scan3A_54 : i32 to index
      %swap3A_65 = arith.constant 32 : index
      %swap3A_66 = tpu.vector_load %arg10[%swap3A_64, %swap3A_65] {strides = array<i32>} : memref<128x128xf32, #tpu.memory_space<vmem>>, vector<1x16xf32>,
      %swap3A_67 = vector.shape_cast %swap3A_66 : vector<1x16xf32> to vector<16xf32>
      %swap3A_68 = vector.shape_cast %broadcast_in_dim3A_1 : vector<16xf32> to vector<1x16xf32>
      tpu.vector_store %arg10[%swap3A_64, %swap3A_65], %swap3A_68 {strides = array<i32>} : memref<128x128xf32, #tpu.memory_space<vmem>>, vector<1x16xf32>,
      %swap3A_69 = arith.index_cast %scan3A_54 : i32 to index
      %swap3A_70 = arith.constant 48 : index
      %swap3A_71 = tpu.vector_load %arg10[%swap3A_69, %swap3A_70] {strides = array<i32>} : memref<128x128xf32, #tpu.memory_space<vmem>>, vector<1x16xf32>,
      %swap3A_72 = vector.shape_cast %swap3A_71 : vector<1x16xf32> to vector<16xf32>
      %swap3A_73 = vector.shape_cast %broadcast_in_dim3A_1 : vector<16xf32> to vector<1x16xf32>
      tpu.vector_store %arg10[%swap3A_69, %swap3A_70], %swap3A_73 {strides = array<i32>} : memref<128x128xf32, #tpu.memory_space<vmem>>, vector<1x16xf32>,
      %swap3A_74 = arith.index_cast %scan3A_54 : i32 to index
      %swap3A_75 = arith.constant 64 : index
      %swap3A_76 = tpu.vector_load %arg10[%swap3A_74, %swap3A_75] {strides = array<i32>} : memref<128x128xf32, #tpu.memory_space<vmem>>, vector<1x16xf32>,
      %swap3A_77 = vector.shape_cast %swap3A_76 : vector<1x16xf32> to vector<16xf32>
      %swap3A_78 = vector.shape_cast %broadcast_in_dim3A_1 : vector<16xf32> to vector<1x16xf32>
      tpu.vector_store %arg10[%swap3A_74, %swap3A_75], %swap3A_78 {strides = array<i32>} : memref<128x128xf32, #tpu.memory_space<vmem>>, vector<1x16xf32>,
      %swap3A_79 = arith.index_cast %scan3A_54 : i32 to index
      %swap3A_80 = arith.constant 80 : index
      %swap3A_81 = tpu.vector_load %arg10[%swap3A_79, %swap3A_80] {strides = array<i32>} : memref<128x128xf32, #tpu.memory_space<vmem>>, vector<1x16xf32>,
      %swap3A_82 = vector.shape_cast %swap3A_81 : vector<1x16xf32> to vector<16xf32>
      %swap3A_83 = vector.shape_cast %broadcast_in_dim3A_1 : vector<16xf32> to vector<1x16xf32>
      tpu.vector_store %arg10[%swap3A_79, %swap3A_80], %swap3A_83 {strides = array<i32>} : memref<128x128xf32, #tpu.memory_space<vmem>>, vector<1x16xf32>,
      %swap3A_84 = arith.index_cast %scan3A_54 : i32 to index
      %swap3A_85 = arith.constant 96 : index
      %swap3A_86 = tpu.vector_load %arg10[%swap3A_84, %swap3A_85] {strides = array<i32>} : memref<128x128xf32, #tpu.memory_space<vmem>>, vector<1x16xf32>,
      %swap3A_87 = vector.shape_cast %swap3A_86 : vector<1x16xf32> to vector<16xf32>
      %swap3A_88 = vector.shape_cast %broadcast_in_dim3A_1 : vector<16xf32> to vector<1x16xf32>
      tpu.vector_store %arg10[%swap3A_84, %swap3A_85], %swap3A_88 {strides = array<i32>} : memref<128x128xf32, #tpu.memory_space<vmem>>, vector<1x16xf32>,
      %swap3A_89 = arith.index_cast %scan3A_54 : i32 to index
      %swap3A_90 = arith.constant 112 : index
      %swap3A_91 = tpu.vector_load %arg10[%swap3A_89, %swap3A_90] {strides = array<i32>} : memref<128x128xf32, #tpu.memory_space<vmem>>, vector<1x16xf32>,
      %swap3A_92 = vector.shape_cast %swap3A_91 : vector<1x16xf32> to vector<16xf32>
      %swap3A_93 = vector.shape_cast %broadcast_in_dim3A_1 : vector<16xf32> to vector<1x16xf32>
      tpu.vector_store %arg10[%swap3A_89, %swap3A_90], %swap3A_93 {strides = array<i32>} : memref<128x128xf32, #tpu.memory_space<vmem>>, vector<1x16xf32>,
    }
    %scan3A_5 = arith.constant 128 : i32
    %mul3A_6 = arith.constant 640 : i32
    %mul3A_7 = arith.muli %arg1, %mul3A_6 : i32
    %add3A_8 = arith.constant 0 : i32
    %add3A_9 = arith.addi %mul3A_7, %add3A_8 : i32
    "tpu.region"() ({
      %run_scoped3A = tpu.sem_alloc : memref<!tpu.dma_semaphore, #tpu.memory_space<semaphore_mem>>
      %dma_start3A_54 = arith.constant 0 : i32
      %dma_start3A_55 = tpu.memref_slice %arg15[%add3A_9, %dma_start3A_54] : memref<10240x128xf32, #tpu.memory_space<vmem_shared>> -> memref<128x128xf32, #tpu.memory_space<vmem_shared>>
      %dma_start3A_56 = arith.constant 0 : i32
      %dma_start3A_57 = tpu.memref_slice %arg15[%add3A_9, %dma_start3A_56] : memref<10240x128xf32, #tpu.memory_space<vmem_shared>> -> memref<128x128xf32, #tpu.memory_space<vmem_shared>>
      tpu.enqueue_dma source(%arg10 : memref<128x128xf32, #tpu.memory_space<vmem>>) target(%dma_start3A_57 : memref<128x128xf32, #tpu.memory_space<vmem_shared>>) target_semaphore(%run_scoped3A : memref<!tpu.dma_semaphore, #tpu.memory_space<semaphore_mem>>)
      %dma_wait3A_58 = arith.constant 0 : i32
      %dma_wait3A_59 = tpu.memref_slice %arg15[%add3A_9, %dma_wait3A_58] : memref<10240x128xf32, #tpu.memory_space<vmem_shared>> -> memref<128x128xf32, #tpu.memory_space<vmem_shared>>
      %dma_wait3A_60 = arith.constant 0 : i32
      %dma_wait3A_61 = tpu.memref_slice %arg15[%add3A_9, %dma_wait3A_60] : memref<10240x128xf32, #tpu.memory_space<vmem_shared>> -> memref<128x128xf32, #tpu.memory_space<vmem_shared>>
      tpu.wait_dma2 semaphore(%run_scoped3A : memref<!tpu.dma_semaphore, #tpu.memory_space<semaphore_mem>>) src(%arg10 : memref<128x128xf32, #tpu.memory_space<vmem>>) dst(%dma_wait3A_61 : memref<128x128xf32, #tpu.memory_space<vmem_shared>>)
      tpu.yield
    }) : () -> ()
    %add3A_10 = arith.constant 128 : i32
    %add3A_11 = arith.addi %mul3A_7, %add3A_10 : i32
    "tpu.region"() ({
      %run_scoped3A = tpu.sem_alloc : memref<!tpu.dma_semaphore, #tpu.memory_space<semaphore_mem>>
      %dma_start3A_54 = arith.constant 0 : i32
      %dma_start3A_55 = tpu.memref_slice %arg15[%add3A_11, %dma_start3A_54] : memref<10240x128xf32, #tpu.memory_space<vmem_shared>> -> memref<128x128xf32, #tpu.memory_space<vmem_shared>>
      %dma_start3A_56 = arith.constant 0 : i32
      %dma_start3A_57 = tpu.memref_slice %arg15[%add3A_11, %dma_start3A_56] : memref<10240x128xf32, #tpu.memory_space<vmem_shared>> -> memref<128x128xf32, #tpu.memory_space<vmem_shared>>
      tpu.enqueue_dma source(%arg10 : memref<128x128xf32, #tpu.memory_space<vmem>>) target(%dma_start3A_57 : memref<128x128xf32, #tpu.memory_space<vmem_shared>>) target_semaphore(%run_scoped3A : memref<!tpu.dma_semaphore, #tpu.memory_space<semaphore_mem>>)
      %dma_wait3A_58 = arith.constant 0 : i32
      %dma_wait3A_59 = tpu.memref_slice %arg15[%add3A_11, %dma_wait3A_58] : memref<10240x128xf32, #tpu.memory_space<vmem_shared>> -> memref<128x128xf32, #tpu.memory_space<vmem_shared>>
      %dma_wait3A_60 = arith.constant 0 : i32
      %dma_wait3A_61 = tpu.memref_slice %arg15[%add3A_11, %dma_wait3A_60] : memref<10240x128xf32, #tpu.memory_space<vmem_shared>> -> memref<128x128xf32, #tpu.memory_space<vmem_shared>>
      tpu.wait_dma2 semaphore(%run_scoped3A : memref<!tpu.dma_semaphore, #tpu.memory_space<semaphore_mem>>) src(%arg10 : memref<128x128xf32, #tpu.memory_space<vmem>>) dst(%dma_wait3A_61 : memref<128x128xf32, #tpu.memory_space<vmem_shared>>)
      tpu.yield
    }) : () -> ()
    %add3A_12 = arith.constant 256 : i32
    %add3A_13 = arith.addi %mul3A_7, %add3A_12 : i32
    "tpu.region"() ({
      %run_scoped3A = tpu.sem_alloc : memref<!tpu.dma_semaphore, #tpu.memory_space<semaphore_mem>>
      %dma_start3A_54 = arith.constant 0 : i32
      %dma_start3A_55 = tpu.memref_slice %arg15[%add3A_13, %dma_start3A_54] : memref<10240x128xf32, #tpu.memory_space<vmem_shared>> -> memref<128x128xf32, #tpu.memory_space<vmem_shared>>
      %dma_start3A_56 = arith.constant 0 : i32
      %dma_start3A_57 = tpu.memref_slice %arg15[%add3A_13, %dma_start3A_56] : memref<10240x128xf32, #tpu.memory_space<vmem_shared>> -> memref<128x128xf32, #tpu.memory_space<vmem_shared>>
      tpu.enqueue_dma source(%arg10 : memref<128x128xf32, #tpu.memory_space<vmem>>) target(%dma_start3A_57 : memref<128x128xf32, #tpu.memory_space<vmem_shared>>) target_semaphore(%run_scoped3A : memref<!tpu.dma_semaphore, #tpu.memory_space<semaphore_mem>>)
      %dma_wait3A_58 = arith.constant 0 : i32
      %dma_wait3A_59 = tpu.memref_slice %arg15[%add3A_13, %dma_wait3A_58] : memref<10240x128xf32, #tpu.memory_space<vmem_shared>> -> memref<128x128xf32, #tpu.memory_space<vmem_shared>>
      %dma_wait3A_60 = arith.constant 0 : i32
      %dma_wait3A_61 = tpu.memref_slice %arg15[%add3A_13, %dma_wait3A_60] : memref<10240x128xf32, #tpu.memory_space<vmem_shared>> -> memref<128x128xf32, #tpu.memory_space<vmem_shared>>
      tpu.wait_dma2 semaphore(%run_scoped3A : memref<!tpu.dma_semaphore, #tpu.memory_space<semaphore_mem>>) src(%arg10 : memref<128x128xf32, #tpu.memory_space<vmem>>) dst(%dma_wait3A_61 : memref<128x128xf32, #tpu.memory_space<vmem_shared>>)
      tpu.yield
    }) : () -> ()
    %add3A_14 = arith.constant 384 : i32
    %add3A_15 = arith.addi %mul3A_7, %add3A_14 : i32
    "tpu.region"() ({
      %run_scoped3A = tpu.sem_alloc : memref<!tpu.dma_semaphore, #tpu.memory_space<semaphore_mem>>
      %dma_start3A_54 = arith.constant 0 : i32
      %dma_start3A_55 = tpu.memref_slice %arg15[%add3A_15, %dma_start3A_54] : memref<10240x128xf32, #tpu.memory_space<vmem_shared>> -> memref<128x128xf32, #tpu.memory_space<vmem_shared>>
      %dma_start3A_56 = arith.constant 0 : i32
      %dma_start3A_57 = tpu.memref_slice %arg15[%add3A_15, %dma_start3A_56] : memref<10240x128xf32, #tpu.memory_space<vmem_shared>> -> memref<128x128xf32, #tpu.memory_space<vmem_shared>>
      tpu.enqueue_dma source(%arg10 : memref<128x128xf32, #tpu.memory_space<vmem>>) target(%dma_start3A_57 : memref<128x128xf32, #tpu.memory_space<vmem_shared>>) target_semaphore(%run_scoped3A : memref<!tpu.dma_semaphore, #tpu.memory_space<semaphore_mem>>)
      %dma_wait3A_58 = arith.constant 0 : i32
      %dma_wait3A_59 = tpu.memref_slice %arg15[%add3A_15, %dma_wait3A_58] : memref<10240x128xf32, #tpu.memory_space<vmem_shared>> -> memref<128x128xf32, #tpu.memory_space<vmem_shared>>
      %dma_wait3A_60 = arith.constant 0 : i32
      %dma_wait3A_61 = tpu.memref_slice %arg15[%add3A_15, %dma_wait3A_60] : memref<10240x128xf32, #tpu.memory_space<vmem_shared>> -> memref<128x128xf32, #tpu.memory_space<vmem_shared>>
      tpu.wait_dma2 semaphore(%run_scoped3A : memref<!tpu.dma_semaphore, #tpu.memory_space<semaphore_mem>>) src(%arg10 : memref<128x128xf32, #tpu.memory_space<vmem>>) dst(%dma_wait3A_61 : memref<128x128xf32, #tpu.memory_space<vmem_shared>>)
      tpu.yield
    }) : () -> ()
    %add3A_16 = arith.constant 512 : i32
    %add3A_17 = arith.addi %mul3A_7, %add3A_16 : i32
    "tpu.region"() ({
      %run_scoped3A = tpu.sem_alloc : memref<!tpu.dma_semaphore, #tpu.memory_space<semaphore_mem>>
      %dma_start3A_54 = arith.constant 0 : i32
      %dma_start3A_55 = tpu.memref_slice %arg15[%add3A_17, %dma_start3A_54] : memref<10240x128xf32, #tpu.memory_space<vmem_shared>> -> memref<128x128xf32, #tpu.memory_space<vmem_shared>>
      %dma_start3A_56 = arith.constant 0 : i32
      %dma_start3A_57 = tpu.memref_slice %arg15[%add3A_17, %dma_start3A_56] : memref<10240x128xf32, #tpu.memory_space<vmem_shared>> -> memref<128x128xf32, #tpu.memory_space<vmem_shared>>
      tpu.enqueue_dma source(%arg10 : memref<128x128xf32, #tpu.memory_space<vmem>>) target(%dma_start3A_57 : memref<128x128xf32, #tpu.memory_space<vmem_shared>>) target_semaphore(%run_scoped3A : memref<!tpu.dma_semaphore, #tpu.memory_space<semaphore_mem>>)
      %dma_wait3A_58 = arith.constant 0 : i32
      %dma_wait3A_59 = tpu.memref_slice %arg15[%add3A_17, %dma_wait3A_58] : memref<10240x128xf32, #tpu.memory_space<vmem_shared>> -> memref<128x128xf32, #tpu.memory_space<vmem_shared>>
      %dma_wait3A_60 = arith.constant 0 : i32
      %dma_wait3A_61 = tpu.memref_slice %arg15[%add3A_17, %dma_wait3A_60] : memref<10240x128xf32, #tpu.memory_space<vmem_shared>> -> memref<128x128xf32, #tpu.memory_space<vmem_shared>>
      tpu.wait_dma2 semaphore(%run_scoped3A : memref<!tpu.dma_semaphore, #tpu.memory_space<semaphore_mem>>) src(%arg10 : memref<128x128xf32, #tpu.memory_space<vmem>>) dst(%dma_wait3A_61 : memref<128x128xf32, #tpu.memory_space<vmem_shared>>)
      tpu.yield
    }) : () -> ()
    %barrier3A = arith.constant 0 : index
    tpu.barrier barrier_id(%barrier3A)
    %mul3A_18 = arith.constant 10000 : i32
    %mul3A_19 = arith.muli %add3A, %mul3A_18 : i32
    %dma_start3A = tpu.memref_slice %arg2[%mul3A_19] : memref<320000xi32, #tpu.memory_space<hbm>> -> memref<128xi32, #tpu.memory_space<hbm>>
    %dma_start3A_20 = tpu.memref_slice %arg2[%mul3A_19] : memref<320000xi32, #tpu.memory_space<hbm>> -> memref<128xi32, #tpu.memory_space<hbm>>
    tpu.enqueue_dma source(%dma_start3A_20 : memref<128xi32, #tpu.memory_space<hbm>>) target(%arg6 : memref<128xi32, #tpu.memory_space<vmem>>) target_semaphore(%arg16 : memref<!tpu.dma_semaphore, #tpu.memory_space<semaphore_mem>>)
    %dma_start3A_21 = tpu.memref_slice %arg3[%mul3A_19] : memref<320000xi32, #tpu.memory_space<hbm>> -> memref<128xi32, #tpu.memory_space<hbm>>
    %dma_start3A_22 = tpu.memref_slice %arg3[%mul3A_19] : memref<320000xi32, #tpu.memory_space<hbm>> -> memref<128xi32, #tpu.memory_space<hbm>>
    tpu.enqueue_dma source(%dma_start3A_22 : memref<128xi32, #tpu.memory_space<hbm>>) target(%arg8 : memref<128xi32, #tpu.memory_space<vmem>>) target_semaphore(%arg16 : memref<!tpu.dma_semaphore, #tpu.memory_space<semaphore_mem>>)
    %add3A_23 = arith.constant 128 : i32
    %add3A_24 = arith.addi %mul3A_19, %add3A_23 : i32
    %dma_start3A_25 = tpu.memref_slice %arg2[%add3A_24] : memref<320000xi32, #tpu.memory_space<hbm>> -> memref<128xi32, #tpu.memory_space<hbm>>
    %dma_start3A_26 = tpu.memref_slice %arg2[%add3A_24] : memref<320000xi32, #tpu.memory_space<hbm>> -> memref<128xi32, #tpu.memory_space<hbm>>
    tpu.enqueue_dma source(%dma_start3A_26 : memref<128xi32, #tpu.memory_space<hbm>>) target(%arg7 : memref<128xi32, #tpu.memory_space<vmem>>) target_semaphore(%arg17 : memref<!tpu.dma_semaphore, #tpu.memory_space<semaphore_mem>>)
    %add3A_27 = arith.constant 128 : i32
    %add3A_28 = arith.addi %mul3A_19, %add3A_27 : i32
    %dma_start3A_29 = tpu.memref_slice %arg3[%add3A_28] : memref<320000xi32, #tpu.memory_space<hbm>> -> memref<128xi32, #tpu.memory_space<hbm>>
    %dma_start3A_30 = tpu.memref_slice %arg3[%add3A_28] : memref<320000xi32, #tpu.memory_space<hbm>> -> memref<128xi32, #tpu.memory_space<hbm>>
    tpu.enqueue_dma source(%dma_start3A_30 : memref<128xi32, #tpu.memory_space<hbm>>) target(%arg9 : memref<128xi32, #tpu.memory_space<vmem>>) target_semaphore(%arg17 : memref<!tpu.dma_semaphore, #tpu.memory_space<semaphore_mem>>)
    %dma_wait3A = tpu.memref_slice %arg2[%mul3A_19] : memref<320000xi32, #tpu.memory_space<hbm>> -> memref<128xi32, #tpu.memory_space<hbm>>
    %dma_wait3A_31 = tpu.memref_slice %arg2[%mul3A_19] : memref<320000xi32, #tpu.memory_space<hbm>> -> memref<128xi32, #tpu.memory_space<hbm>>
    tpu.wait_dma2 semaphore(%arg16 : memref<!tpu.dma_semaphore, #tpu.memory_space<semaphore_mem>>) src(%dma_wait3A_31 : memref<128xi32, #tpu.memory_space<hbm>>) dst(%arg6 : memref<128xi32, #tpu.memory_space<vmem>>)
    %dma_start3A_32 = arith.constant 0 : i32
    %dma_start3A_33 = arith.constant 0 : i32
    %dma_start3A_34 = tpu.memref_slice %arg4[%dma_start3A_32, %dma_start3A_33] : memref<10000x128xf32, #tpu.memory_space<hbm>> -> memref<10000x128xf32, #tpu.memory_space<hbm>>
    tpu.enqueue_indirect_dma source(%dma_start3A_34 : memref<10000x128xf32, #tpu.memory_space<hbm>>) target(%arg10 : memref<128x128xf32, #tpu.memory_space<vmem>>) offsets(%arg6 : memref<128xi32, #tpu.memory_space<vmem>>) semaphore(%arg18 : memref<!tpu.dma_semaphore, #tpu.memory_space<semaphore_mem>>)
    %dma_wait3A_35 = tpu.memref_slice %arg2[%mul3A_19] : memref<320000xi32, #tpu.memory_space<hbm>> -> memref<128xi32, #tpu.memory_space<hbm>>
    %dma_wait3A_36 = tpu.memref_slice %arg2[%mul3A_19] : memref<320000xi32, #tpu.memory_space<hbm>> -> memref<128xi32, #tpu.memory_space<hbm>>
    tpu.wait_dma2 semaphore(%arg17 : memref<!tpu.dma_semaphore, #tpu.memory_space<semaphore_mem>>) src(%dma_wait3A_36 : memref<128xi32, #tpu.memory_space<hbm>>) dst(%arg7 : memref<128xi32, #tpu.memory_space<vmem>>)
    %dma_start3A_37 = arith.constant 0 : i32
    %dma_start3A_38 = arith.constant 0 : i32
    %dma_start3A_39 = tpu.memref_slice %arg4[%dma_start3A_37, %dma_start3A_38] : memref<10000x128xf32, #tpu.memory_space<hbm>> -> memref<10000x128xf32, #tpu.memory_space<hbm>>
    tpu.enqueue_indirect_dma source(%dma_start3A_39 : memref<10000x128xf32, #tpu.memory_space<hbm>>) target(%arg11 : memref<128x128xf32, #tpu.memory_space<vmem>>) offsets(%arg7 : memref<128xi32, #tpu.memory_space<vmem>>) semaphore(%arg19 : memref<!tpu.dma_semaphore, #tpu.memory_space<semaphore_mem>>)
    %scan3A_40 = arith.constant 0 : i32
    %scan3A_41 = arith.constant 39 : i32
    %scan3A_42 = arith.addi %scan3A_40, %scan3A_41 : i32
    %scan3A_43 = arith.constant 1 : i32
    scf.for %scan3A_54 = %scan3A_40 to %scan3A_42 step %scan3A_43  : i32 {
      %mul3A_55 = arith.constant 2 : i32
      %mul3A_56 = arith.muli %mul3A_55, %scan3A_54 : i32
      %lt3A = arith.constant 38 : i32
      %lt3A_57 = arith.cmpi slt, %scan3A_54, %lt3A : i32
      %dma_wait3A_58 = arith.constant 0 : i32
      %dma_wait3A_59 = arith.constant 0 : i32
      %dma_wait3A_60 = tpu.memref_slice %arg4[%dma_wait3A_58, %dma_wait3A_59] : memref<10000x128xf32, #tpu.memory_space<hbm>> -> memref<10000x128xf32, #tpu.memory_space<hbm>>
      tpu.wait_indirect_dma semaphore(%arg18 : memref<!tpu.dma_semaphore, #tpu.memory_space<semaphore_mem>>) src(%dma_wait3A_60 : memref<10000x128xf32, #tpu.memory_space<hbm>>) dst(%arg10 : memref<128x128xf32, #tpu.memory_space<vmem>>)
      %convert_element_type3A = arith.extui %lt3A_57 : i1 to i32
      %cond3A = arith.constant 0 : i32
      %cond3A_61 = arith.cmpi ne, %convert_element_type3A, %cond3A : i32
      scf.if %cond3A_61 {
        %add3A_78 = arith.constant 2 : i32
        %add3A_79 = arith.addi %mul3A_56, %add3A_78 : i32
        %mul3A_80 = arith.constant 128 : i32
        %mul3A_81 = arith.muli %add3A_79, %mul3A_80 : i32
        %add3A_82 = arith.addi %mul3A_19, %mul3A_81 : i32
        %dma_start3A_83 = tpu.memref_slice %arg2[%add3A_82] : memref<320000xi32, #tpu.memory_space<hbm>> -> memref<128xi32, #tpu.memory_space<hbm>>
        %dma_start3A_84 = tpu.memref_slice %arg2[%add3A_82] : memref<320000xi32, #tpu.memory_space<hbm>> -> memref<128xi32, #tpu.memory_space<hbm>>
        tpu.enqueue_dma source(%dma_start3A_84 : memref<128xi32, #tpu.memory_space<hbm>>) target(%arg6 : memref<128xi32, #tpu.memory_space<vmem>>) target_semaphore(%arg16 : memref<!tpu.dma_semaphore, #tpu.memory_space<semaphore_mem>>)
      } else {
      }
      %dma_wait3A_62 = tpu.memref_slice %arg3[%mul3A_19] : memref<320000xi32, #tpu.memory_space<hbm>> -> memref<128xi32, #tpu.memory_space<hbm>>
      %dma_wait3A_63 = tpu.memref_slice %arg3[%mul3A_19] : memref<320000xi32, #tpu.memory_space<hbm>> -> memref<128xi32, #tpu.memory_space<hbm>>
      tpu.wait_dma2 semaphore(%arg16 : memref<!tpu.dma_semaphore, #tpu.memory_space<semaphore_mem>>) src(%dma_wait3A_63 : memref<128xi32, #tpu.memory_space<hbm>>) dst(%arg8 : memref<128xi32, #tpu.memory_space<vmem>>)
      "tpu.region"() ({
        %run_scoped3A = tpu.sem_alloc : memref<!tpu.dma_semaphore, #tpu.memory_space<semaphore_mem>>
        %dma_start3A_78 = arith.constant 0 : i32
        %dma_start3A_79 = arith.constant 0 : i32
        %dma_start3A_80 = tpu.memref_slice %arg15[%dma_start3A_78, %dma_start3A_79] : memref<10240x128xf32, #tpu.memory_space<vmem_shared>> -> memref<10240x128xf32, #tpu.memory_space<vmem_shared>>
        tpu.enqueue_indirect_dma source(%arg10 : memref<128x128xf32, #tpu.memory_space<vmem>>) target(%dma_start3A_80 : memref<10240x128xf32, #tpu.memory_space<vmem_shared>>) offsets(%arg8 : memref<128xi32, #tpu.memory_space<vmem>>) semaphore(%run_scoped3A : memref<!tpu.dma_semaphore, #tpu.memory_space<semaphore_mem>>) {add = true}
        %dma_wait3A_81 = arith.constant 0 : i32
        %dma_wait3A_82 = arith.constant 0 : i32
        %dma_wait3A_83 = tpu.memref_slice %arg15[%dma_wait3A_81, %dma_wait3A_82] : memref<10240x128xf32, #tpu.memory_space<vmem_shared>> -> memref<10240x128xf32, #tpu.memory_space<vmem_shared>>
        tpu.wait_indirect_dma semaphore(%run_scoped3A : memref<!tpu.dma_semaphore, #tpu.memory_space<semaphore_mem>>) src(%arg10 : memref<128x128xf32, #tpu.memory_space<vmem>>) dst(%dma_wait3A_83 : memref<10240x128xf32, #tpu.memory_space<vmem_shared>>)
        tpu.yield
      }) : () -> ()
      %convert_element_type3A_64 = arith.extui %lt3A_57 : i1 to i32
      %cond3A_65 = arith.constant 0 : i32
      %cond3A_66 = arith.cmpi ne, %convert_element_type3A_64, %cond3A_65 : i32
      scf.if %cond3A_66 {
        %add3A_78 = arith.constant 2 : i32
        %add3A_79 = arith.addi %mul3A_56, %add3A_78 : i32
        %mul3A_80 = arith.constant 128 : i32
        %mul3A_81 = arith.muli %add3A_79, %mul3A_80 : i32
        %add3A_82 = arith.addi %mul3A_19, %mul3A_81 : i32
        %dma_start3A_83 = tpu.memref_slice %arg3[%add3A_82] : memref<320000xi32, #tpu.memory_space<hbm>> -> memref<128xi32, #tpu.memory_space<hbm>>
        %dma_start3A_84 = tpu.memref_slice %arg3[%add3A_82] : memref<320000xi32, #tpu.memory_space<hbm>> -> memref<128xi32, #tpu.memory_space<hbm>>
        tpu.enqueue_dma source(%dma_start3A_84 : memref<128xi32, #tpu.memory_space<hbm>>) target(%arg8 : memref<128xi32, #tpu.memory_space<vmem>>) target_semaphore(%arg16 : memref<!tpu.dma_semaphore, #tpu.memory_space<semaphore_mem>>)
      } else {
      }
      %dma_wait3A_67 = arith.constant 0 : i32
      %dma_wait3A_68 = arith.constant 0 : i32
      %dma_wait3A_69 = tpu.memref_slice %arg4[%dma_wait3A_67, %dma_wait3A_68] : memref<10000x128xf32, #tpu.memory_space<hbm>> -> memref<10000x128xf32, #tpu.memory_space<hbm>>
      tpu.wait_indirect_dma semaphore(%arg19 : memref<!tpu.dma_semaphore, #tpu.memory_space<semaphore_mem>>) src(%dma_wait3A_69 : memref<10000x128xf32, #tpu.memory_space<hbm>>) dst(%arg11 : memref<128x128xf32, #tpu.memory_space<vmem>>)
      %convert_element_type3A_70 = arith.extui %lt3A_57 : i1 to i32
      %cond3A_71 = arith.constant 0 : i32
      %cond3A_72 = arith.cmpi ne, %convert_element_type3A_70, %cond3A_71 : i32
      scf.if %cond3A_72 {
        %add3A_78 = arith.constant 3 : i32
        %add3A_79 = arith.addi %mul3A_56, %add3A_78 : i32
        %mul3A_80 = arith.constant 128 : i32
        %mul3A_81 = arith.muli %add3A_79, %mul3A_80 : i32
        %add3A_82 = arith.addi %mul3A_19, %mul3A_81 : i32
        %dma_start3A_83 = tpu.memref_slice %arg2[%add3A_82] : memref<320000xi32, #tpu.memory_space<hbm>> -> memref<128xi32, #tpu.memory_space<hbm>>
        %dma_start3A_84 = tpu.memref_slice %arg2[%add3A_82] : memref<320000xi32, #tpu.memory_space<hbm>> -> memref<128xi32, #tpu.memory_space<hbm>>
        tpu.enqueue_dma source(%dma_start3A_84 : memref<128xi32, #tpu.memory_space<hbm>>) target(%arg7 : memref<128xi32, #tpu.memory_space<vmem>>) target_semaphore(%arg17 : memref<!tpu.dma_semaphore, #tpu.memory_space<semaphore_mem>>)
      } else {
      }
      %dma_wait3A_73 = tpu.memref_slice %arg3[%mul3A_19] : memref<320000xi32, #tpu.memory_space<hbm>> -> memref<128xi32, #tpu.memory_space<hbm>>
      %dma_wait3A_74 = tpu.memref_slice %arg3[%mul3A_19] : memref<320000xi32, #tpu.memory_space<hbm>> -> memref<128xi32, #tpu.memory_space<hbm>>
      tpu.wait_dma2 semaphore(%arg17 : memref<!tpu.dma_semaphore, #tpu.memory_space<semaphore_mem>>) src(%dma_wait3A_74 : memref<128xi32, #tpu.memory_space<hbm>>) dst(%arg9 : memref<128xi32, #tpu.memory_space<vmem>>)
      "tpu.region"() ({
        %run_scoped3A = tpu.sem_alloc : memref<!tpu.dma_semaphore, #tpu.memory_space<semaphore_mem>>
        %dma_start3A_78 = arith.constant 0 : i32
        %dma_start3A_79 = arith.constant 0 : i32
        %dma_start3A_80 = tpu.memref_slice %arg15[%dma_start3A_78, %dma_start3A_79] : memref<10240x128xf32, #tpu.memory_space<vmem_shared>> -> memref<10240x128xf32, #tpu.memory_space<vmem_shared>>
        tpu.enqueue_indirect_dma source(%arg11 : memref<128x128xf32, #tpu.memory_space<vmem>>) target(%dma_start3A_80 : memref<10240x128xf32, #tpu.memory_space<vmem_shared>>) offsets(%arg9 : memref<128xi32, #tpu.memory_space<vmem>>) semaphore(%run_scoped3A : memref<!tpu.dma_semaphore, #tpu.memory_space<semaphore_mem>>) {add = true}
        %dma_wait3A_81 = arith.constant 0 : i32
        %dma_wait3A_82 = arith.constant 0 : i32
        %dma_wait3A_83 = tpu.memref_slice %arg15[%dma_wait3A_81, %dma_wait3A_82] : memref<10240x128xf32, #tpu.memory_space<vmem_shared>> -> memref<10240x128xf32, #tpu.memory_space<vmem_shared>>
        tpu.wait_indirect_dma semaphore(%run_scoped3A : memref<!tpu.dma_semaphore, #tpu.memory_space<semaphore_mem>>) src(%arg11 : memref<128x128xf32, #tpu.memory_space<vmem>>) dst(%dma_wait3A_83 : memref<10240x128xf32, #tpu.memory_space<vmem_shared>>)
        tpu.yield
      }) : () -> ()
      %convert_element_type3A_75 = arith.extui %lt3A_57 : i1 to i32
      %cond3A_76 = arith.constant 0 : i32
      %cond3A_77 = arith.cmpi ne, %convert_element_type3A_75, %cond3A_76 : i32
      scf.if %cond3A_77 {
        %add3A_78 = arith.constant 3 : i32
        %add3A_79 = arith.addi %mul3A_56, %add3A_78 : i32
        %mul3A_80 = arith.constant 128 : i32
        %mul3A_81 = arith.muli %add3A_79, %mul3A_80 : i32
        %add3A_82 = arith.addi %mul3A_19, %mul3A_81 : i32
        %dma_start3A_83 = tpu.memref_slice %arg3[%add3A_82] : memref<320000xi32, #tpu.memory_space<hbm>> -> memref<128xi32, #tpu.memory_space<hbm>>
        %dma_start3A_84 = tpu.memref_slice %arg3[%add3A_82] : memref<320000xi32, #tpu.memory_space<hbm>> -> memref<128xi32, #tpu.memory_space<hbm>>
        tpu.enqueue_dma source(%dma_start3A_84 : memref<128xi32, #tpu.memory_space<hbm>>) target(%arg9 : memref<128xi32, #tpu.memory_space<vmem>>) target_semaphore(%arg17 : memref<!tpu.dma_semaphore, #tpu.memory_space<semaphore_mem>>)
        %dma_wait3A_85 = tpu.memref_slice %arg2[%mul3A_19] : memref<320000xi32, #tpu.memory_space<hbm>> -> memref<128xi32, #tpu.memory_space<hbm>>
        %dma_wait3A_86 = tpu.memref_slice %arg2[%mul3A_19] : memref<320000xi32, #tpu.memory_space<hbm>> -> memref<128xi32, #tpu.memory_space<hbm>>
        tpu.wait_dma2 semaphore(%arg16 : memref<!tpu.dma_semaphore, #tpu.memory_space<semaphore_mem>>) src(%dma_wait3A_86 : memref<128xi32, #tpu.memory_space<hbm>>) dst(%arg6 : memref<128xi32, #tpu.memory_space<vmem>>)
        %dma_start3A_87 = arith.constant 0 : i32
        %dma_start3A_88 = arith.constant 0 : i32
        %dma_start3A_89 = tpu.memref_slice %arg4[%dma_start3A_87, %dma_start3A_88] : memref<10000x128xf32, #tpu.memory_space<hbm>> -> memref<10000x128xf32, #tpu.memory_space<hbm>>
        tpu.enqueue_indirect_dma source(%dma_start3A_89 : memref<10000x128xf32, #tpu.memory_space<hbm>>) target(%arg10 : memref<128x128xf32, #tpu.memory_space<vmem>>) offsets(%arg6 : memref<128xi32, #tpu.memory_space<vmem>>) semaphore(%arg18 : memref<!tpu.dma_semaphore, #tpu.memory_space<semaphore_mem>>)
        %dma_wait3A_90 = tpu.memref_slice %arg2[%mul3A_19] : memref<320000xi32, #tpu.memory_space<hbm>> -> memref<128xi32, #tpu.memory_space<hbm>>
        %dma_wait3A_91 = tpu.memref_slice %arg2[%mul3A_19] : memref<320000xi32, #tpu.memory_space<hbm>> -> memref<128xi32, #tpu.memory_space<hbm>>
        tpu.wait_dma2 semaphore(%arg17 : memref<!tpu.dma_semaphore, #tpu.memory_space<semaphore_mem>>) src(%dma_wait3A_91 : memref<128xi32, #tpu.memory_space<hbm>>) dst(%arg7 : memref<128xi32, #tpu.memory_space<vmem>>)
        %dma_start3A_92 = arith.constant 0 : i32
        %dma_start3A_93 = arith.constant 0 : i32
        %dma_start3A_94 = tpu.memref_slice %arg4[%dma_start3A_92, %dma_start3A_93] : memref<10000x128xf32, #tpu.memory_space<hbm>> -> memref<10000x128xf32, #tpu.memory_space<hbm>>
        tpu.enqueue_indirect_dma source(%dma_start3A_94 : memref<10000x128xf32, #tpu.memory_space<hbm>>) target(%arg11 : memref<128x128xf32, #tpu.memory_space<vmem>>) offsets(%arg7 : memref<128xi32, #tpu.memory_space<vmem>>) semaphore(%arg19 : memref<!tpu.dma_semaphore, #tpu.memory_space<semaphore_mem>>)
      } else {
      }
    }
    %scan3A_44 = arith.constant 39 : i32
    %add3A_45 = arith.constant 9984 : i32
    %add3A_46 = arith.addi %mul3A_19, %add3A_45 : i32
    "tpu.region"() ({
      %run_scoped3A = tpu.sem_alloc : memref<!tpu.dma_semaphore, #tpu.memory_space<semaphore_mem>>
      %dma_start3A_54 = tpu.memref_slice %arg2[%add3A_46] : memref<320000xi32, #tpu.memory_space<hbm>> -> memref<16xi32, #tpu.memory_space<hbm>>
      %dma_start3A_55 = tpu.memref_slice %arg2[%add3A_46] : memref<320000xi32, #tpu.memory_space<hbm>> -> memref<16xi32, #tpu.memory_space<hbm>>
      tpu.enqueue_dma source(%dma_start3A_55 : memref<16xi32, #tpu.memory_space<hbm>>) target(%arg12 : memref<16xi32, #tpu.memory_space<vmem>>) target_semaphore(%run_scoped3A : memref<!tpu.dma_semaphore, #tpu.memory_space<semaphore_mem>>)
      %dma_wait3A_56 = tpu.memref_slice %arg2[%add3A_46] : memref<320000xi32, #tpu.memory_space<hbm>> -> memref<16xi32, #tpu.memory_space<hbm>>
      %dma_wait3A_57 = tpu.memref_slice %arg2[%add3A_46] : memref<320000xi32, #tpu.memory_space<hbm>> -> memref<16xi32, #tpu.memory_space<hbm>>
      tpu.wait_dma2 semaphore(%run_scoped3A : memref<!tpu.dma_semaphore, #tpu.memory_space<semaphore_mem>>) src(%dma_wait3A_57 : memref<16xi32, #tpu.memory_space<hbm>>) dst(%arg12 : memref<16xi32, #tpu.memory_space<vmem>>)
      tpu.yield
    }) : () -> ()
    "tpu.region"() ({
      %run_scoped3A = tpu.sem_alloc : memref<!tpu.dma_semaphore, #tpu.memory_space<semaphore_mem>>
      %dma_start3A_54 = tpu.memref_slice %arg3[%add3A_46] : memref<320000xi32, #tpu.memory_space<hbm>> -> memref<16xi32, #tpu.memory_space<hbm>>
      %dma_start3A_55 = tpu.memref_slice %arg3[%add3A_46] : memref<320000xi32, #tpu.memory_space<hbm>> -> memref<16xi32, #tpu.memory_space<hbm>>
      tpu.enqueue_dma source(%dma_start3A_55 : memref<16xi32, #tpu.memory_space<hbm>>) target(%arg13 : memref<16xi32, #tpu.memory_space<vmem>>) target_semaphore(%run_scoped3A : memref<!tpu.dma_semaphore, #tpu.memory_space<semaphore_mem>>)
      %dma_wait3A_56 = tpu.memref_slice %arg3[%add3A_46] : memref<320000xi32, #tpu.memory_space<hbm>> -> memref<16xi32, #tpu.memory_space<hbm>>
      %dma_wait3A_57 = tpu.memref_slice %arg3[%add3A_46] : memref<320000xi32, #tpu.memory_space<hbm>> -> memref<16xi32, #tpu.memory_space<hbm>>
      tpu.wait_dma2 semaphore(%run_scoped3A : memref<!tpu.dma_semaphore, #tpu.memory_space<semaphore_mem>>) src(%dma_wait3A_57 : memref<16xi32, #tpu.memory_space<hbm>>) dst(%arg13 : memref<16xi32, #tpu.memory_space<vmem>>)
      tpu.yield
    }) : () -> ()
    %dma_start3A_47 = arith.constant 0 : i32
    %dma_start3A_48 = arith.constant 0 : i32
    %dma_start3A_49 = tpu.memref_slice %arg4[%dma_start3A_47, %dma_start3A_48] : memref<10000x128xf32, #tpu.memory_space<hbm>> -> memref<10000x128xf32, #tpu.memory_space<hbm>>
    tpu.enqueue_indirect_dma source(%dma_start3A_49 : memref<10000x128xf32, #tpu.memory_space<hbm>>) target(%arg14 : memref<16x128xf32, #tpu.memory_space<vmem>>) offsets(%arg12 : memref<16xi32, #tpu.memory_space<vmem>>) semaphore(%arg18 : memref<!tpu.dma_semaphore, #tpu.memory_space<semaphore_mem>>)
    %dma_wait3A_50 = arith.constant 0 : i32
    %dma_wait3A_51 = arith.constant 0 : i32
    %dma_wait3A_52 = tpu.memref_slice %arg4[%dma_wait3A_50, %dma_wait3A_51] : memref<10000x128xf32, #tpu.memory_space<hbm>> -> memref<10000x128xf32, #tpu.memory_space<hbm>>
    tpu.wait_indirect_dma semaphore(%arg18 : memref<!tpu.dma_semaphore, #tpu.memory_space<semaphore_mem>>) src(%dma_wait3A_52 : memref<10000x128xf32, #tpu.memory_space<hbm>>) dst(%arg14 : memref<16x128xf32, #tpu.memory_space<vmem>>)
    "tpu.region"() ({
      %run_scoped3A = tpu.sem_alloc : memref<!tpu.dma_semaphore, #tpu.memory_space<semaphore_mem>>
      %dma_start3A_54 = arith.constant 0 : i32
      %dma_start3A_55 = arith.constant 0 : i32
      %dma_start3A_56 = tpu.memref_slice %arg15[%dma_start3A_54, %dma_start3A_55] : memref<10240x128xf32, #tpu.memory_space<vmem_shared>> -> memref<10240x128xf32, #tpu.memory_space<vmem_shared>>
      tpu.enqueue_indirect_dma source(%arg14 : memref<16x128xf32, #tpu.memory_space<vmem>>) target(%dma_start3A_56 : memref<10240x128xf32, #tpu.memory_space<vmem_shared>>) offsets(%arg13 : memref<16xi32, #tpu.memory_space<vmem>>) semaphore(%run_scoped3A : memref<!tpu.dma_semaphore, #tpu.memory_space<semaphore_mem>>) {add = true}
      %dma_wait3A_57 = arith.constant 0 : i32
      %dma_wait3A_58 = arith.constant 0 : i32
      %dma_wait3A_59 = tpu.memref_slice %arg15[%dma_wait3A_57, %dma_wait3A_58] : memref<10240x128xf32, #tpu.memory_space<vmem_shared>> -> memref<10240x128xf32, #tpu.memory_space<vmem_shared>>
      tpu.wait_indirect_dma semaphore(%run_scoped3A : memref<!tpu.dma_semaphore, #tpu.memory_space<semaphore_mem>>) src(%arg14 : memref<16x128xf32, #tpu.memory_space<vmem>>) dst(%dma_wait3A_59 : memref<10240x128xf32, #tpu.memory_space<vmem_shared>>)
      tpu.yield
    }) : () -> ()
    %barrier3A_53 = arith.constant 0 : index
    tpu.barrier barrier_id(%barrier3A_53)
    "tpu.region"() ({
      %run_scoped3A = tpu.sem_alloc : memref<!tpu.dma_semaphore, #tpu.memory_space<semaphore_mem>>
      %dma_start3A_54 = arith.constant 0 : i32
      %dma_start3A_55 = tpu.memref_slice %arg5[%arg0, %mul3A_7, %dma_start3A_54] : memref<2x10240x128xf32, #tpu.memory_space<hbm>> -> memref<1x640x128xf32, #tpu.memory_space<hbm>>
      %dma_start3A_56 = tpu.memref_squeeze %dma_start3A_55 : memref<1x640x128xf32, #tpu.memory_space<hbm>> -> memref<640x128xf32, #tpu.memory_space<hbm>>
      %dma_start3A_57 = arith.constant 0 : i32
      %dma_start3A_58 = tpu.memref_slice %arg15[%mul3A_7, %dma_start3A_57] : memref<10240x128xf32, #tpu.memory_space<vmem_shared>> -> memref<640x128xf32, #tpu.memory_space<vmem_shared>>
      tpu.enqueue_dma source(%dma_start3A_58 : memref<640x128xf32, #tpu.memory_space<vmem_shared>>) target(%dma_start3A_56 : memref<640x128xf32, #tpu.memory_space<hbm>>) target_semaphore(%run_scoped3A : memref<!tpu.dma_semaphore, #tpu.memory_space<semaphore_mem>>)
      %dma_wait3A_59 = arith.constant 0 : i32
      %dma_wait3A_60 = tpu.memref_slice %arg5[%arg0, %mul3A_7, %dma_wait3A_59] : memref<2x10240x128xf32, #tpu.memory_space<hbm>> -> memref<1x640x128xf32, #tpu.memory_space<hbm>>
      %dma_wait3A_61 = tpu.memref_squeeze %dma_wait3A_60 : memref<1x640x128xf32, #tpu.memory_space<hbm>> -> memref<640x128xf32, #tpu.memory_space<hbm>>
      %dma_wait3A_62 = arith.constant 0 : i32
      %dma_wait3A_63 = tpu.memref_slice %arg15[%mul3A_7, %dma_wait3A_62] : memref<10240x128xf32, #tpu.memory_space<vmem_shared>> -> memref<640x128xf32, #tpu.memory_space<vmem_shared>>
      tpu.wait_dma2 semaphore(%run_scoped3A : memref<!tpu.dma_semaphore, #tpu.memory_space<semaphore_mem>>) src(%dma_wait3A_63 : memref<640x128xf32, #tpu.memory_space<vmem_shared>>) dst(%dma_wait3A_61 : memref<640x128xf32, #tpu.memory_space<hbm>>)
      tpu.yield
    }) : () -> ()
    return
  }
}

#map = affine_map<(d0, d1) -> (0)>
#map1 = affine_map<(d0, d1) -> (0, 0)>
#map2 = affine_map<(d0, d1) -> (0, 0, 0)>
module attributes {stable_mosaic.version = 14 : i64} {
  func.func @_agg_kernel(%arg0: i32, %arg1: i32, %arg2: memref<320000xi32, #tpu.memory_space<hbm>>, %arg3: memref<320000xi32, #tpu.memory_space<hbm>>, %arg4: memref<10000x128xf32, #tpu.memory_space<hbm>>, %arg5: memref<2x10240x128xf32, #tpu.memory_space<hbm>>, %arg6: memref<128xi32, #tpu.memory_space<vmem>>, %arg7: memref<128xi32, #tpu.memory_space<vmem>>, %arg8: memref<128xi32, #tpu.memory_space<vmem>>, %arg9: memref<128xi32, #tpu.memory_space<vmem>>, %arg10: memref<128x128xf32, #tpu.memory_space<vmem>>, %arg11: memref<128x128xf32, #tpu.memory_space<vmem>>, %arg12: memref<16xi32, #tpu.memory_space<vmem>>, %arg13: memref<16xi32, #tpu.memory_space<vmem>>, %arg14: memref<16x128xf32, #tpu.memory_space<vmem>>, %arg15: memref<10240x128xf32, #tpu.memory_space<vmem_shared>>, %arg16: memref<!tpu.dma_semaphore, #tpu.memory_space<semaphore_mem>>, %arg17: memref<!tpu.dma_semaphore, #tpu.memory_space<semaphore_mem>>, %arg18: memref<!tpu.dma_semaphore, #tpu.memory_space<semaphore_mem>>, %arg19: memref<!tpu.dma_semaphore, #tpu.memory_space<semaphore_mem>>) attributes {dimension_semantics = [#tpu.dimension_semantics<core_parallel>, #tpu.dimension_semantics<subcore_parallel>], iteration_bounds = array<i64: 2, 16>, scalar_prefetch = 0 : i64, scratch_operands = 14 : i64, tpu.core_type = #tpu.core_type<sc_vector_subcore>, window_params = [{transform_indices = #map}, {transform_indices = #map}, {transform_indices = #map1}, {transform_indices = #map2}]} {
    %mul3A = arith.constant 2 : i32
    %mul3A_0 = arith.muli %arg1, %mul3A : i32
    %add3A = arith.addi %mul3A_0, %arg0 : i32
    %broadcast_in_dim3A = arith.constant 0.000000e+00 : f32
    %broadcast_in_dim3A_1 = vector.broadcast %broadcast_in_dim3A : f32 to vector<16xf32>
    %scan3A = arith.constant 0 : i32
    %scan3A_2 = arith.constant 128 : i32
    %scan3A_3 = arith.addi %scan3A, %scan3A_2 : i32
    %scan3A_4 = arith.constant 1 : i32
    scf.for %scan3A_54 = %scan3A to %scan3A_3 step %scan3A_4  : i32 {
      %swap3A = arith.index_cast %scan3A_54 : i32 to index
      %swap3A_55 = arith.constant 0 : index
      %swap3A_56 = tpu.vector_load %arg10[%swap3A, %swap3A_55] {strides = array<i32>} : memref<128x128xf32, #tpu.memory_space<vmem>>, vector<1x16xf32>,
      %swap3A_57 = vector.shape_cast %swap3A_56 : vector<1x16xf32> to vector<16xf32>
      %swap3A_58 = vector.shape_cast %broadcast_in_dim3A_1 : vector<16xf32> to vector<1x16xf32>
      tpu.vector_store %arg10[%swap3A, %swap3A_55], %swap3A_58 {strides = array<i32>} : memref<128x128xf32, #tpu.memory_space<vmem>>, vector<1x16xf32>,
      %swap3A_59 = arith.index_cast %scan3A_54 : i32 to index
      %swap3A_60 = arith.constant 16 : index
      %swap3A_61 = tpu.vector_load %arg10[%swap3A_59, %swap3A_60] {strides = array<i32>} : memref<128x128xf32, #tpu.memory_space<vmem>>, vector<1x16xf32>,
      %swap3A_62 = vector.shape_cast %swap3A_61 : vector<1x16xf32> to vector<16xf32>
      %swap3A_63 = vector.shape_cast %broadcast_in_dim3A_1 : vector<16xf32> to vector<1x16xf32>
      tpu.vector_store %arg10[%swap3A_59, %swap3A_60], %swap3A_63 {strides = array<i32>} : memref<128x128xf32, #tpu.memory_space<vmem>>, vector<1x16xf32>,
      %swap3A_64 = arith.index_cast %scan3A_54 : i32 to index
      %swap3A_65 = arith.constant 32 : index
      %swap3A_66 = tpu.vector_load %arg10[%swap3A_64, %swap3A_65] {strides = array<i32>} : memref<128x128xf32, #tpu.memory_space<vmem>>, vector<1x16xf32>,
      %swap3A_67 = vector.shape_cast %swap3A_66 : vector<1x16xf32> to vector<16xf32>
      %swap3A_68 = vector.shape_cast %broadcast_in_dim3A_1 : vector<16xf32> to vector<1x16xf32>
      tpu.vector_store %arg10[%swap3A_64, %swap3A_65], %swap3A_68 {strides = array<i32>} : memref<128x128xf32, #tpu.memory_space<vmem>>, vector<1x16xf32>,
      %swap3A_69 = arith.index_cast %scan3A_54 : i32 to index
      %swap3A_70 = arith.constant 48 : index
      %swap3A_71 = tpu.vector_load %arg10[%swap3A_69, %swap3A_70] {strides = array<i32>} : memref<128x128xf32, #tpu.memory_space<vmem>>, vector<1x16xf32>,
      %swap3A_72 = vector.shape_cast %swap3A_71 : vector<1x16xf32> to vector<16xf32>
      %swap3A_73 = vector.shape_cast %broadcast_in_dim3A_1 : vector<16xf32> to vector<1x16xf32>
      tpu.vector_store %arg10[%swap3A_69, %swap3A_70], %swap3A_73 {strides = array<i32>} : memref<128x128xf32, #tpu.memory_space<vmem>>, vector<1x16xf32>,
      %swap3A_74 = arith.index_cast %scan3A_54 : i32 to index
      %swap3A_75 = arith.constant 64 : index
      %swap3A_76 = tpu.vector_load %arg10[%swap3A_74, %swap3A_75] {strides = array<i32>} : memref<128x128xf32, #tpu.memory_space<vmem>>, vector<1x16xf32>,
      %swap3A_77 = vector.shape_cast %swap3A_76 : vector<1x16xf32> to vector<16xf32>
      %swap3A_78 = vector.shape_cast %broadcast_in_dim3A_1 : vector<16xf32> to vector<1x16xf32>
      tpu.vector_store %arg10[%swap3A_74, %swap3A_75], %swap3A_78 {strides = array<i32>} : memref<128x128xf32, #tpu.memory_space<vmem>>, vector<1x16xf32>,
      %swap3A_79 = arith.index_cast %scan3A_54 : i32 to index
      %swap3A_80 = arith.constant 80 : index
      %swap3A_81 = tpu.vector_load %arg10[%swap3A_79, %swap3A_80] {strides = array<i32>} : memref<128x128xf32, #tpu.memory_space<vmem>>, vector<1x16xf32>,
      %swap3A_82 = vector.shape_cast %swap3A_81 : vector<1x16xf32> to vector<16xf32>
      %swap3A_83 = vector.shape_cast %broadcast_in_dim3A_1 : vector<16xf32> to vector<1x16xf32>
      tpu.vector_store %arg10[%swap3A_79, %swap3A_80], %swap3A_83 {strides = array<i32>} : memref<128x128xf32, #tpu.memory_space<vmem>>, vector<1x16xf32>,
      %swap3A_84 = arith.index_cast %scan3A_54 : i32 to index
      %swap3A_85 = arith.constant 96 : index
      %swap3A_86 = tpu.vector_load %arg10[%swap3A_84, %swap3A_85] {strides = array<i32>} : memref<128x128xf32, #tpu.memory_space<vmem>>, vector<1x16xf32>,
      %swap3A_87 = vector.shape_cast %swap3A_86 : vector<1x16xf32> to vector<16xf32>
      %swap3A_88 = vector.shape_cast %broadcast_in_dim3A_1 : vector<16xf32> to vector<1x16xf32>
      tpu.vector_store %arg10[%swap3A_84, %swap3A_85], %swap3A_88 {strides = array<i32>} : memref<128x128xf32, #tpu.memory_space<vmem>>, vector<1x16xf32>,
      %swap3A_89 = arith.index_cast %scan3A_54 : i32 to index
      %swap3A_90 = arith.constant 112 : index
      %swap3A_91 = tpu.vector_load %arg10[%swap3A_89, %swap3A_90] {strides = array<i32>} : memref<128x128xf32, #tpu.memory_space<vmem>>, vector<1x16xf32>,
      %swap3A_92 = vector.shape_cast %swap3A_91 : vector<1x16xf32> to vector<16xf32>
      %swap3A_93 = vector.shape_cast %broadcast_in_dim3A_1 : vector<16xf32> to vector<1x16xf32>
      tpu.vector_store %arg10[%swap3A_89, %swap3A_90], %swap3A_93 {strides = array<i32>} : memref<128x128xf32, #tpu.memory_space<vmem>>, vector<1x16xf32>,
    }
    %scan3A_5 = arith.constant 128 : i32
    %mul3A_6 = arith.constant 640 : i32
    %mul3A_7 = arith.muli %arg1, %mul3A_6 : i32
    %add3A_8 = arith.constant 0 : i32
    %add3A_9 = arith.addi %mul3A_7, %add3A_8 : i32
    "tpu.region"() ({
      %run_scoped3A = tpu.sem_alloc : memref<!tpu.dma_semaphore, #tpu.memory_space<semaphore_mem>>
      %dma_start3A_54 = arith.constant 0 : i32
      %dma_start3A_55 = tpu.memref_slice %arg15[%add3A_9, %dma_start3A_54] : memref<10240x128xf32, #tpu.memory_space<vmem_shared>> -> memref<128x128xf32, #tpu.memory_space<vmem_shared>>
      %dma_start3A_56 = arith.constant 0 : i32
      %dma_start3A_57 = tpu.memref_slice %arg15[%add3A_9, %dma_start3A_56] : memref<10240x128xf32, #tpu.memory_space<vmem_shared>> -> memref<128x128xf32, #tpu.memory_space<vmem_shared>>
      tpu.enqueue_dma source(%arg10 : memref<128x128xf32, #tpu.memory_space<vmem>>) target(%dma_start3A_57 : memref<128x128xf32, #tpu.memory_space<vmem_shared>>) target_semaphore(%run_scoped3A : memref<!tpu.dma_semaphore, #tpu.memory_space<semaphore_mem>>)
      %dma_wait3A_58 = arith.constant 0 : i32
      %dma_wait3A_59 = tpu.memref_slice %arg15[%add3A_9, %dma_wait3A_58] : memref<10240x128xf32, #tpu.memory_space<vmem_shared>> -> memref<128x128xf32, #tpu.memory_space<vmem_shared>>
      %dma_wait3A_60 = arith.constant 0 : i32
      %dma_wait3A_61 = tpu.memref_slice %arg15[%add3A_9, %dma_wait3A_60] : memref<10240x128xf32, #tpu.memory_space<vmem_shared>> -> memref<128x128xf32, #tpu.memory_space<vmem_shared>>
      tpu.wait_dma2 semaphore(%run_scoped3A : memref<!tpu.dma_semaphore, #tpu.memory_space<semaphore_mem>>) src(%arg10 : memref<128x128xf32, #tpu.memory_space<vmem>>) dst(%dma_wait3A_61 : memref<128x128xf32, #tpu.memory_space<vmem_shared>>)
      tpu.yield
    }) : () -> ()
    %add3A_10 = arith.constant 128 : i32
    %add3A_11 = arith.addi %mul3A_7, %add3A_10 : i32
    "tpu.region"() ({
      %run_scoped3A = tpu.sem_alloc : memref<!tpu.dma_semaphore, #tpu.memory_space<semaphore_mem>>
      %dma_start3A_54 = arith.constant 0 : i32
      %dma_start3A_55 = tpu.memref_slice %arg15[%add3A_11, %dma_start3A_54] : memref<10240x128xf32, #tpu.memory_space<vmem_shared>> -> memref<128x128xf32, #tpu.memory_space<vmem_shared>>
      %dma_start3A_56 = arith.constant 0 : i32
      %dma_start3A_57 = tpu.memref_slice %arg15[%add3A_11, %dma_start3A_56] : memref<10240x128xf32, #tpu.memory_space<vmem_shared>> -> memref<128x128xf32, #tpu.memory_space<vmem_shared>>
      tpu.enqueue_dma source(%arg10 : memref<128x128xf32, #tpu.memory_space<vmem>>) target(%dma_start3A_57 : memref<128x128xf32, #tpu.memory_space<vmem_shared>>) target_semaphore(%run_scoped3A : memref<!tpu.dma_semaphore, #tpu.memory_space<semaphore_mem>>)
      %dma_wait3A_58 = arith.constant 0 : i32
      %dma_wait3A_59 = tpu.memref_slice %arg15[%add3A_11, %dma_wait3A_58] : memref<10240x128xf32, #tpu.memory_space<vmem_shared>> -> memref<128x128xf32, #tpu.memory_space<vmem_shared>>
      %dma_wait3A_60 = arith.constant 0 : i32
      %dma_wait3A_61 = tpu.memref_slice %arg15[%add3A_11, %dma_wait3A_60] : memref<10240x128xf32, #tpu.memory_space<vmem_shared>> -> memref<128x128xf32, #tpu.memory_space<vmem_shared>>
      tpu.wait_dma2 semaphore(%run_scoped3A : memref<!tpu.dma_semaphore, #tpu.memory_space<semaphore_mem>>) src(%arg10 : memref<128x128xf32, #tpu.memory_space<vmem>>) dst(%dma_wait3A_61 : memref<128x128xf32, #tpu.memory_space<vmem_shared>>)
      tpu.yield
    }) : () -> ()
    %add3A_12 = arith.constant 256 : i32
    %add3A_13 = arith.addi %mul3A_7, %add3A_12 : i32
    "tpu.region"() ({
      %run_scoped3A = tpu.sem_alloc : memref<!tpu.dma_semaphore, #tpu.memory_space<semaphore_mem>>
      %dma_start3A_54 = arith.constant 0 : i32
      %dma_start3A_55 = tpu.memref_slice %arg15[%add3A_13, %dma_start3A_54] : memref<10240x128xf32, #tpu.memory_space<vmem_shared>> -> memref<128x128xf32, #tpu.memory_space<vmem_shared>>
      %dma_start3A_56 = arith.constant 0 : i32
      %dma_start3A_57 = tpu.memref_slice %arg15[%add3A_13, %dma_start3A_56] : memref<10240x128xf32, #tpu.memory_space<vmem_shared>> -> memref<128x128xf32, #tpu.memory_space<vmem_shared>>
      tpu.enqueue_dma source(%arg10 : memref<128x128xf32, #tpu.memory_space<vmem>>) target(%dma_start3A_57 : memref<128x128xf32, #tpu.memory_space<vmem_shared>>) target_semaphore(%run_scoped3A : memref<!tpu.dma_semaphore, #tpu.memory_space<semaphore_mem>>)
      %dma_wait3A_58 = arith.constant 0 : i32
      %dma_wait3A_59 = tpu.memref_slice %arg15[%add3A_13, %dma_wait3A_58] : memref<10240x128xf32, #tpu.memory_space<vmem_shared>> -> memref<128x128xf32, #tpu.memory_space<vmem_shared>>
      %dma_wait3A_60 = arith.constant 0 : i32
      %dma_wait3A_61 = tpu.memref_slice %arg15[%add3A_13, %dma_wait3A_60] : memref<10240x128xf32, #tpu.memory_space<vmem_shared>> -> memref<128x128xf32, #tpu.memory_space<vmem_shared>>
      tpu.wait_dma2 semaphore(%run_scoped3A : memref<!tpu.dma_semaphore, #tpu.memory_space<semaphore_mem>>) src(%arg10 : memref<128x128xf32, #tpu.memory_space<vmem>>) dst(%dma_wait3A_61 : memref<128x128xf32, #tpu.memory_space<vmem_shared>>)
      tpu.yield
    }) : () -> ()
    %add3A_14 = arith.constant 384 : i32
    %add3A_15 = arith.addi %mul3A_7, %add3A_14 : i32
    "tpu.region"() ({
      %run_scoped3A = tpu.sem_alloc : memref<!tpu.dma_semaphore, #tpu.memory_space<semaphore_mem>>
      %dma_start3A_54 = arith.constant 0 : i32
      %dma_start3A_55 = tpu.memref_slice %arg15[%add3A_15, %dma_start3A_54] : memref<10240x128xf32, #tpu.memory_space<vmem_shared>> -> memref<128x128xf32, #tpu.memory_space<vmem_shared>>
      %dma_start3A_56 = arith.constant 0 : i32
      %dma_start3A_57 = tpu.memref_slice %arg15[%add3A_15, %dma_start3A_56] : memref<10240x128xf32, #tpu.memory_space<vmem_shared>> -> memref<128x128xf32, #tpu.memory_space<vmem_shared>>
      tpu.enqueue_dma source(%arg10 : memref<128x128xf32, #tpu.memory_space<vmem>>) target(%dma_start3A_57 : memref<128x128xf32, #tpu.memory_space<vmem_shared>>) target_semaphore(%run_scoped3A : memref<!tpu.dma_semaphore, #tpu.memory_space<semaphore_mem>>)
      %dma_wait3A_58 = arith.constant 0 : i32
      %dma_wait3A_59 = tpu.memref_slice %arg15[%add3A_15, %dma_wait3A_58] : memref<10240x128xf32, #tpu.memory_space<vmem_shared>> -> memref<128x128xf32, #tpu.memory_space<vmem_shared>>
      %dma_wait3A_60 = arith.constant 0 : i32
      %dma_wait3A_61 = tpu.memref_slice %arg15[%add3A_15, %dma_wait3A_60] : memref<10240x128xf32, #tpu.memory_space<vmem_shared>> -> memref<128x128xf32, #tpu.memory_space<vmem_shared>>
      tpu.wait_dma2 semaphore(%run_scoped3A : memref<!tpu.dma_semaphore, #tpu.memory_space<semaphore_mem>>) src(%arg10 : memref<128x128xf32, #tpu.memory_space<vmem>>) dst(%dma_wait3A_61 : memref<128x128xf32, #tpu.memory_space<vmem_shared>>)
      tpu.yield
    }) : () -> ()
    %add3A_16 = arith.constant 512 : i32
    %add3A_17 = arith.addi %mul3A_7, %add3A_16 : i32
    "tpu.region"() ({
      %run_scoped3A = tpu.sem_alloc : memref<!tpu.dma_semaphore, #tpu.memory_space<semaphore_mem>>
      %dma_start3A_54 = arith.constant 0 : i32
      %dma_start3A_55 = tpu.memref_slice %arg15[%add3A_17, %dma_start3A_54] : memref<10240x128xf32, #tpu.memory_space<vmem_shared>> -> memref<128x128xf32, #tpu.memory_space<vmem_shared>>
      %dma_start3A_56 = arith.constant 0 : i32
      %dma_start3A_57 = tpu.memref_slice %arg15[%add3A_17, %dma_start3A_56] : memref<10240x128xf32, #tpu.memory_space<vmem_shared>> -> memref<128x128xf32, #tpu.memory_space<vmem_shared>>
      tpu.enqueue_dma source(%arg10 : memref<128x128xf32, #tpu.memory_space<vmem>>) target(%dma_start3A_57 : memref<128x128xf32, #tpu.memory_space<vmem_shared>>) target_semaphore(%run_scoped3A : memref<!tpu.dma_semaphore, #tpu.memory_space<semaphore_mem>>)
      %dma_wait3A_58 = arith.constant 0 : i32
      %dma_wait3A_59 = tpu.memref_slice %arg15[%add3A_17, %dma_wait3A_58] : memref<10240x128xf32, #tpu.memory_space<vmem_shared>> -> memref<128x128xf32, #tpu.memory_space<vmem_shared>>
      %dma_wait3A_60 = arith.constant 0 : i32
      %dma_wait3A_61 = tpu.memref_slice %arg15[%add3A_17, %dma_wait3A_60] : memref<10240x128xf32, #tpu.memory_space<vmem_shared>> -> memref<128x128xf32, #tpu.memory_space<vmem_shared>>
      tpu.wait_dma2 semaphore(%run_scoped3A : memref<!tpu.dma_semaphore, #tpu.memory_space<semaphore_mem>>) src(%arg10 : memref<128x128xf32, #tpu.memory_space<vmem>>) dst(%dma_wait3A_61 : memref<128x128xf32, #tpu.memory_space<vmem_shared>>)
      tpu.yield
    }) : () -> ()
    %barrier3A = arith.constant 0 : index
    tpu.barrier barrier_id(%barrier3A)
    %mul3A_18 = arith.constant 10000 : i32
    %mul3A_19 = arith.muli %add3A, %mul3A_18 : i32
    %dma_start3A = tpu.memref_slice %arg2[%mul3A_19] : memref<320000xi32, #tpu.memory_space<hbm>> -> memref<128xi32, #tpu.memory_space<hbm>>
    %dma_start3A_20 = tpu.memref_slice %arg2[%mul3A_19] : memref<320000xi32, #tpu.memory_space<hbm>> -> memref<128xi32, #tpu.memory_space<hbm>>
    tpu.enqueue_dma source(%dma_start3A_20 : memref<128xi32, #tpu.memory_space<hbm>>) target(%arg6 : memref<128xi32, #tpu.memory_space<vmem>>) target_semaphore(%arg16 : memref<!tpu.dma_semaphore, #tpu.memory_space<semaphore_mem>>)
    %dma_start3A_21 = tpu.memref_slice %arg3[%mul3A_19] : memref<320000xi32, #tpu.memory_space<hbm>> -> memref<128xi32, #tpu.memory_space<hbm>>
    %dma_start3A_22 = tpu.memref_slice %arg3[%mul3A_19] : memref<320000xi32, #tpu.memory_space<hbm>> -> memref<128xi32, #tpu.memory_space<hbm>>
    tpu.enqueue_dma source(%dma_start3A_22 : memref<128xi32, #tpu.memory_space<hbm>>) target(%arg8 : memref<128xi32, #tpu.memory_space<vmem>>) target_semaphore(%arg16 : memref<!tpu.dma_semaphore, #tpu.memory_space<semaphore_mem>>)
    %add3A_23 = arith.constant 128 : i32
    %add3A_24 = arith.addi %mul3A_19, %add3A_23 : i32
    %dma_start3A_25 = tpu.memref_slice %arg2[%add3A_24] : memref<320000xi32, #tpu.memory_space<hbm>> -> memref<128xi32, #tpu.memory_space<hbm>>
    %dma_start3A_26 = tpu.memref_slice %arg2[%add3A_24] : memref<320000xi32, #tpu.memory_space<hbm>> -> memref<128xi32, #tpu.memory_space<hbm>>
    tpu.enqueue_dma source(%dma_start3A_26 : memref<128xi32, #tpu.memory_space<hbm>>) target(%arg7 : memref<128xi32, #tpu.memory_space<vmem>>) target_semaphore(%arg17 : memref<!tpu.dma_semaphore, #tpu.memory_space<semaphore_mem>>)
    %add3A_27 = arith.constant 128 : i32
    %add3A_28 = arith.addi %mul3A_19, %add3A_27 : i32
    %dma_start3A_29 = tpu.memref_slice %arg3[%add3A_28] : memref<320000xi32, #tpu.memory_space<hbm>> -> memref<128xi32, #tpu.memory_space<hbm>>
    %dma_start3A_30 = tpu.memref_slice %arg3[%add3A_28] : memref<320000xi32, #tpu.memory_space<hbm>> -> memref<128xi32, #tpu.memory_space<hbm>>
    tpu.enqueue_dma source(%dma_start3A_30 : memref<128xi32, #tpu.memory_space<hbm>>) target(%arg9 : memref<128xi32, #tpu.memory_space<vmem>>) target_semaphore(%arg17 : memref<!tpu.dma_semaphore, #tpu.memory_space<semaphore_mem>>)
    %dma_wait3A = tpu.memref_slice %arg2[%mul3A_19] : memref<320000xi32, #tpu.memory_space<hbm>> -> memref<128xi32, #tpu.memory_space<hbm>>
    %dma_wait3A_31 = tpu.memref_slice %arg2[%mul3A_19] : memref<320000xi32, #tpu.memory_space<hbm>> -> memref<128xi32, #tpu.memory_space<hbm>>
    tpu.wait_dma2 semaphore(%arg16 : memref<!tpu.dma_semaphore, #tpu.memory_space<semaphore_mem>>) src(%dma_wait3A_31 : memref<128xi32, #tpu.memory_space<hbm>>) dst(%arg6 : memref<128xi32, #tpu.memory_space<vmem>>)
    %dma_start3A_32 = arith.constant 0 : i32
    %dma_start3A_33 = arith.constant 0 : i32
    %dma_start3A_34 = tpu.memref_slice %arg4[%dma_start3A_32, %dma_start3A_33] : memref<10000x128xf32, #tpu.memory_space<hbm>> -> memref<10000x128xf32, #tpu.memory_space<hbm>>
    tpu.enqueue_indirect_dma source(%dma_start3A_34 : memref<10000x128xf32, #tpu.memory_space<hbm>>) target(%arg10 : memref<128x128xf32, #tpu.memory_space<vmem>>) offsets(%arg6 : memref<128xi32, #tpu.memory_space<vmem>>) semaphore(%arg18 : memref<!tpu.dma_semaphore, #tpu.memory_space<semaphore_mem>>)
    %dma_wait3A_35 = tpu.memref_slice %arg2[%mul3A_19] : memref<320000xi32, #tpu.memory_space<hbm>> -> memref<128xi32, #tpu.memory_space<hbm>>
    %dma_wait3A_36 = tpu.memref_slice %arg2[%mul3A_19] : memref<320000xi32, #tpu.memory_space<hbm>> -> memref<128xi32, #tpu.memory_space<hbm>>
    tpu.wait_dma2 semaphore(%arg17 : memref<!tpu.dma_semaphore, #tpu.memory_space<semaphore_mem>>) src(%dma_wait3A_36 : memref<128xi32, #tpu.memory_space<hbm>>) dst(%arg7 : memref<128xi32, #tpu.memory_space<vmem>>)
    %dma_start3A_37 = arith.constant 0 : i32
    %dma_start3A_38 = arith.constant 0 : i32
    %dma_start3A_39 = tpu.memref_slice %arg4[%dma_start3A_37, %dma_start3A_38] : memref<10000x128xf32, #tpu.memory_space<hbm>> -> memref<10000x128xf32, #tpu.memory_space<hbm>>
    tpu.enqueue_indirect_dma source(%dma_start3A_39 : memref<10000x128xf32, #tpu.memory_space<hbm>>) target(%arg11 : memref<128x128xf32, #tpu.memory_space<vmem>>) offsets(%arg7 : memref<128xi32, #tpu.memory_space<vmem>>) semaphore(%arg19 : memref<!tpu.dma_semaphore, #tpu.memory_space<semaphore_mem>>)
    %scan3A_40 = arith.constant 0 : i32
    %scan3A_41 = arith.constant 39 : i32
    %scan3A_42 = arith.addi %scan3A_40, %scan3A_41 : i32
    %scan3A_43 = arith.constant 1 : i32
    scf.for %scan3A_54 = %scan3A_40 to %scan3A_42 step %scan3A_43  : i32 {
      %mul3A_55 = arith.constant 2 : i32
      %mul3A_56 = arith.muli %mul3A_55, %scan3A_54 : i32
      %lt3A = arith.constant 38 : i32
      %lt3A_57 = arith.cmpi slt, %scan3A_54, %lt3A : i32
      %dma_wait3A_58 = arith.constant 0 : i32
      %dma_wait3A_59 = arith.constant 0 : i32
      %dma_wait3A_60 = tpu.memref_slice %arg4[%dma_wait3A_58, %dma_wait3A_59] : memref<10000x128xf32, #tpu.memory_space<hbm>> -> memref<10000x128xf32, #tpu.memory_space<hbm>>
      tpu.wait_indirect_dma semaphore(%arg18 : memref<!tpu.dma_semaphore, #tpu.memory_space<semaphore_mem>>) src(%dma_wait3A_60 : memref<10000x128xf32, #tpu.memory_space<hbm>>) dst(%arg10 : memref<128x128xf32, #tpu.memory_space<vmem>>)
      %convert_element_type3A = arith.extui %lt3A_57 : i1 to i32
      %cond3A = arith.constant 0 : i32
      %cond3A_61 = arith.cmpi ne, %convert_element_type3A, %cond3A : i32
      scf.if %cond3A_61 {
        %add3A_78 = arith.constant 2 : i32
        %add3A_79 = arith.addi %mul3A_56, %add3A_78 : i32
        %mul3A_80 = arith.constant 128 : i32
        %mul3A_81 = arith.muli %add3A_79, %mul3A_80 : i32
        %add3A_82 = arith.addi %mul3A_19, %mul3A_81 : i32
        %dma_start3A_83 = tpu.memref_slice %arg2[%add3A_82] : memref<320000xi32, #tpu.memory_space<hbm>> -> memref<128xi32, #tpu.memory_space<hbm>>
        %dma_start3A_84 = tpu.memref_slice %arg2[%add3A_82] : memref<320000xi32, #tpu.memory_space<hbm>> -> memref<128xi32, #tpu.memory_space<hbm>>
        tpu.enqueue_dma source(%dma_start3A_84 : memref<128xi32, #tpu.memory_space<hbm>>) target(%arg6 : memref<128xi32, #tpu.memory_space<vmem>>) target_semaphore(%arg16 : memref<!tpu.dma_semaphore, #tpu.memory_space<semaphore_mem>>)
      } else {
      }
      %dma_wait3A_62 = tpu.memref_slice %arg3[%mul3A_19] : memref<320000xi32, #tpu.memory_space<hbm>> -> memref<128xi32, #tpu.memory_space<hbm>>
      %dma_wait3A_63 = tpu.memref_slice %arg3[%mul3A_19] : memref<320000xi32, #tpu.memory_space<hbm>> -> memref<128xi32, #tpu.memory_space<hbm>>
      tpu.wait_dma2 semaphore(%arg16 : memref<!tpu.dma_semaphore, #tpu.memory_space<semaphore_mem>>) src(%dma_wait3A_63 : memref<128xi32, #tpu.memory_space<hbm>>) dst(%arg8 : memref<128xi32, #tpu.memory_space<vmem>>)
      "tpu.region"() ({
        %run_scoped3A = tpu.sem_alloc : memref<!tpu.dma_semaphore, #tpu.memory_space<semaphore_mem>>
        %dma_start3A_78 = arith.constant 0 : i32
        %dma_start3A_79 = arith.constant 0 : i32
        %dma_start3A_80 = tpu.memref_slice %arg15[%dma_start3A_78, %dma_start3A_79] : memref<10240x128xf32, #tpu.memory_space<vmem_shared>> -> memref<10240x128xf32, #tpu.memory_space<vmem_shared>>
        tpu.enqueue_indirect_dma source(%arg10 : memref<128x128xf32, #tpu.memory_space<vmem>>) target(%dma_start3A_80 : memref<10240x128xf32, #tpu.memory_space<vmem_shared>>) offsets(%arg8 : memref<128xi32, #tpu.memory_space<vmem>>) semaphore(%run_scoped3A : memref<!tpu.dma_semaphore, #tpu.memory_space<semaphore_mem>>) {add = true}
        %dma_wait3A_81 = arith.constant 0 : i32
        %dma_wait3A_82 = arith.constant 0 : i32
        %dma_wait3A_83 = tpu.memref_slice %arg15[%dma_wait3A_81, %dma_wait3A_82] : memref<10240x128xf32, #tpu.memory_space<vmem_shared>> -> memref<10240x128xf32, #tpu.memory_space<vmem_shared>>
        tpu.wait_indirect_dma semaphore(%run_scoped3A : memref<!tpu.dma_semaphore, #tpu.memory_space<semaphore_mem>>) src(%arg10 : memref<128x128xf32, #tpu.memory_space<vmem>>) dst(%dma_wait3A_83 : memref<10240x128xf32, #tpu.memory_space<vmem_shared>>)
        tpu.yield
      }) : () -> ()
      %convert_element_type3A_64 = arith.extui %lt3A_57 : i1 to i32
      %cond3A_65 = arith.constant 0 : i32
      %cond3A_66 = arith.cmpi ne, %convert_element_type3A_64, %cond3A_65 : i32
      scf.if %cond3A_66 {
        %add3A_78 = arith.constant 2 : i32
        %add3A_79 = arith.addi %mul3A_56, %add3A_78 : i32
        %mul3A_80 = arith.constant 128 : i32
        %mul3A_81 = arith.muli %add3A_79, %mul3A_80 : i32
        %add3A_82 = arith.addi %mul3A_19, %mul3A_81 : i32
        %dma_start3A_83 = tpu.memref_slice %arg3[%add3A_82] : memref<320000xi32, #tpu.memory_space<hbm>> -> memref<128xi32, #tpu.memory_space<hbm>>
        %dma_start3A_84 = tpu.memref_slice %arg3[%add3A_82] : memref<320000xi32, #tpu.memory_space<hbm>> -> memref<128xi32, #tpu.memory_space<hbm>>
        tpu.enqueue_dma source(%dma_start3A_84 : memref<128xi32, #tpu.memory_space<hbm>>) target(%arg8 : memref<128xi32, #tpu.memory_space<vmem>>) target_semaphore(%arg16 : memref<!tpu.dma_semaphore, #tpu.memory_space<semaphore_mem>>)
      } else {
      }
      %dma_wait3A_67 = arith.constant 0 : i32
      %dma_wait3A_68 = arith.constant 0 : i32
      %dma_wait3A_69 = tpu.memref_slice %arg4[%dma_wait3A_67, %dma_wait3A_68] : memref<10000x128xf32, #tpu.memory_space<hbm>> -> memref<10000x128xf32, #tpu.memory_space<hbm>>
      tpu.wait_indirect_dma semaphore(%arg19 : memref<!tpu.dma_semaphore, #tpu.memory_space<semaphore_mem>>) src(%dma_wait3A_69 : memref<10000x128xf32, #tpu.memory_space<hbm>>) dst(%arg11 : memref<128x128xf32, #tpu.memory_space<vmem>>)
      %convert_element_type3A_70 = arith.extui %lt3A_57 : i1 to i32
      %cond3A_71 = arith.constant 0 : i32
      %cond3A_72 = arith.cmpi ne, %convert_element_type3A_70, %cond3A_71 : i32
      scf.if %cond3A_72 {
        %add3A_78 = arith.constant 3 : i32
        %add3A_79 = arith.addi %mul3A_56, %add3A_78 : i32
        %mul3A_80 = arith.constant 128 : i32
        %mul3A_81 = arith.muli %add3A_79, %mul3A_80 : i32
        %add3A_82 = arith.addi %mul3A_19, %mul3A_81 : i32
        %dma_start3A_83 = tpu.memref_slice %arg2[%add3A_82] : memref<320000xi32, #tpu.memory_space<hbm>> -> memref<128xi32, #tpu.memory_space<hbm>>
        %dma_start3A_84 = tpu.memref_slice %arg2[%add3A_82] : memref<320000xi32, #tpu.memory_space<hbm>> -> memref<128xi32, #tpu.memory_space<hbm>>
        tpu.enqueue_dma source(%dma_start3A_84 : memref<128xi32, #tpu.memory_space<hbm>>) target(%arg7 : memref<128xi32, #tpu.memory_space<vmem>>) target_semaphore(%arg17 : memref<!tpu.dma_semaphore, #tpu.memory_space<semaphore_mem>>)
      } else {
      }
      %dma_wait3A_73 = tpu.memref_slice %arg3[%mul3A_19] : memref<320000xi32, #tpu.memory_space<hbm>> -> memref<128xi32, #tpu.memory_space<hbm>>
      %dma_wait3A_74 = tpu.memref_slice %arg3[%mul3A_19] : memref<320000xi32, #tpu.memory_space<hbm>> -> memref<128xi32, #tpu.memory_space<hbm>>
      tpu.wait_dma2 semaphore(%arg17 : memref<!tpu.dma_semaphore, #tpu.memory_space<semaphore_mem>>) src(%dma_wait3A_74 : memref<128xi32, #tpu.memory_space<hbm>>) dst(%arg9 : memref<128xi32, #tpu.memory_space<vmem>>)
      "tpu.region"() ({
        %run_scoped3A = tpu.sem_alloc : memref<!tpu.dma_semaphore, #tpu.memory_space<semaphore_mem>>
        %dma_start3A_78 = arith.constant 0 : i32
        %dma_start3A_79 = arith.constant 0 : i32
        %dma_start3A_80 = tpu.memref_slice %arg15[%dma_start3A_78, %dma_start3A_79] : memref<10240x128xf32, #tpu.memory_space<vmem_shared>> -> memref<10240x128xf32, #tpu.memory_space<vmem_shared>>
        tpu.enqueue_indirect_dma source(%arg11 : memref<128x128xf32, #tpu.memory_space<vmem>>) target(%dma_start3A_80 : memref<10240x128xf32, #tpu.memory_space<vmem_shared>>) offsets(%arg9 : memref<128xi32, #tpu.memory_space<vmem>>) semaphore(%run_scoped3A : memref<!tpu.dma_semaphore, #tpu.memory_space<semaphore_mem>>) {add = true}
        %dma_wait3A_81 = arith.constant 0 : i32
        %dma_wait3A_82 = arith.constant 0 : i32
        %dma_wait3A_83 = tpu.memref_slice %arg15[%dma_wait3A_81, %dma_wait3A_82] : memref<10240x128xf32, #tpu.memory_space<vmem_shared>> -> memref<10240x128xf32, #tpu.memory_space<vmem_shared>>
        tpu.wait_indirect_dma semaphore(%run_scoped3A : memref<!tpu.dma_semaphore, #tpu.memory_space<semaphore_mem>>) src(%arg11 : memref<128x128xf32, #tpu.memory_space<vmem>>) dst(%dma_wait3A_83 : memref<10240x128xf32, #tpu.memory_space<vmem_shared>>)
        tpu.yield
      }) : () -> ()
      %convert_element_type3A_75 = arith.extui %lt3A_57 : i1 to i32
      %cond3A_76 = arith.constant 0 : i32
      %cond3A_77 = arith.cmpi ne, %convert_element_type3A_75, %cond3A_76 : i32
      scf.if %cond3A_77 {
        %add3A_78 = arith.constant 3 : i32
        %add3A_79 = arith.addi %mul3A_56, %add3A_78 : i32
        %mul3A_80 = arith.constant 128 : i32
        %mul3A_81 = arith.muli %add3A_79, %mul3A_80 : i32
        %add3A_82 = arith.addi %mul3A_19, %mul3A_81 : i32
        %dma_start3A_83 = tpu.memref_slice %arg3[%add3A_82] : memref<320000xi32, #tpu.memory_space<hbm>> -> memref<128xi32, #tpu.memory_space<hbm>>
        %dma_start3A_84 = tpu.memref_slice %arg3[%add3A_82] : memref<320000xi32, #tpu.memory_space<hbm>> -> memref<128xi32, #tpu.memory_space<hbm>>
        tpu.enqueue_dma source(%dma_start3A_84 : memref<128xi32, #tpu.memory_space<hbm>>) target(%arg9 : memref<128xi32, #tpu.memory_space<vmem>>) target_semaphore(%arg17 : memref<!tpu.dma_semaphore, #tpu.memory_space<semaphore_mem>>)
        %dma_wait3A_85 = tpu.memref_slice %arg2[%mul3A_19] : memref<320000xi32, #tpu.memory_space<hbm>> -> memref<128xi32, #tpu.memory_space<hbm>>
        %dma_wait3A_86 = tpu.memref_slice %arg2[%mul3A_19] : memref<320000xi32, #tpu.memory_space<hbm>> -> memref<128xi32, #tpu.memory_space<hbm>>
        tpu.wait_dma2 semaphore(%arg16 : memref<!tpu.dma_semaphore, #tpu.memory_space<semaphore_mem>>) src(%dma_wait3A_86 : memref<128xi32, #tpu.memory_space<hbm>>) dst(%arg6 : memref<128xi32, #tpu.memory_space<vmem>>)
        %dma_start3A_87 = arith.constant 0 : i32
        %dma_start3A_88 = arith.constant 0 : i32
        %dma_start3A_89 = tpu.memref_slice %arg4[%dma_start3A_87, %dma_start3A_88] : memref<10000x128xf32, #tpu.memory_space<hbm>> -> memref<10000x128xf32, #tpu.memory_space<hbm>>
        tpu.enqueue_indirect_dma source(%dma_start3A_89 : memref<10000x128xf32, #tpu.memory_space<hbm>>) target(%arg10 : memref<128x128xf32, #tpu.memory_space<vmem>>) offsets(%arg6 : memref<128xi32, #tpu.memory_space<vmem>>) semaphore(%arg18 : memref<!tpu.dma_semaphore, #tpu.memory_space<semaphore_mem>>)
        %dma_wait3A_90 = tpu.memref_slice %arg2[%mul3A_19] : memref<320000xi32, #tpu.memory_space<hbm>> -> memref<128xi32, #tpu.memory_space<hbm>>
        %dma_wait3A_91 = tpu.memref_slice %arg2[%mul3A_19] : memref<320000xi32, #tpu.memory_space<hbm>> -> memref<128xi32, #tpu.memory_space<hbm>>
        tpu.wait_dma2 semaphore(%arg17 : memref<!tpu.dma_semaphore, #tpu.memory_space<semaphore_mem>>) src(%dma_wait3A_91 : memref<128xi32, #tpu.memory_space<hbm>>) dst(%arg7 : memref<128xi32, #tpu.memory_space<vmem>>)
        %dma_start3A_92 = arith.constant 0 : i32
        %dma_start3A_93 = arith.constant 0 : i32
        %dma_start3A_94 = tpu.memref_slice %arg4[%dma_start3A_92, %dma_start3A_93] : memref<10000x128xf32, #tpu.memory_space<hbm>> -> memref<10000x128xf32, #tpu.memory_space<hbm>>
        tpu.enqueue_indirect_dma source(%dma_start3A_94 : memref<10000x128xf32, #tpu.memory_space<hbm>>) target(%arg11 : memref<128x128xf32, #tpu.memory_space<vmem>>) offsets(%arg7 : memref<128xi32, #tpu.memory_space<vmem>>) semaphore(%arg19 : memref<!tpu.dma_semaphore, #tpu.memory_space<semaphore_mem>>)
      } else {
      }
    }
    %scan3A_44 = arith.constant 39 : i32
    %add3A_45 = arith.constant 9984 : i32
    %add3A_46 = arith.addi %mul3A_19, %add3A_45 : i32
    "tpu.region"() ({
      %run_scoped3A = tpu.sem_alloc : memref<!tpu.dma_semaphore, #tpu.memory_space<semaphore_mem>>
      %dma_start3A_54 = tpu.memref_slice %arg2[%add3A_46] : memref<320000xi32, #tpu.memory_space<hbm>> -> memref<16xi32, #tpu.memory_space<hbm>>
      %dma_start3A_55 = tpu.memref_slice %arg2[%add3A_46] : memref<320000xi32, #tpu.memory_space<hbm>> -> memref<16xi32, #tpu.memory_space<hbm>>
      tpu.enqueue_dma source(%dma_start3A_55 : memref<16xi32, #tpu.memory_space<hbm>>) target(%arg12 : memref<16xi32, #tpu.memory_space<vmem>>) target_semaphore(%run_scoped3A : memref<!tpu.dma_semaphore, #tpu.memory_space<semaphore_mem>>)
      %dma_wait3A_56 = tpu.memref_slice %arg2[%add3A_46] : memref<320000xi32, #tpu.memory_space<hbm>> -> memref<16xi32, #tpu.memory_space<hbm>>
      %dma_wait3A_57 = tpu.memref_slice %arg2[%add3A_46] : memref<320000xi32, #tpu.memory_space<hbm>> -> memref<16xi32, #tpu.memory_space<hbm>>
      tpu.wait_dma2 semaphore(%run_scoped3A : memref<!tpu.dma_semaphore, #tpu.memory_space<semaphore_mem>>) src(%dma_wait3A_57 : memref<16xi32, #tpu.memory_space<hbm>>) dst(%arg12 : memref<16xi32, #tpu.memory_space<vmem>>)
      tpu.yield
    }) : () -> ()
    "tpu.region"() ({
      %run_scoped3A = tpu.sem_alloc : memref<!tpu.dma_semaphore, #tpu.memory_space<semaphore_mem>>
      %dma_start3A_54 = tpu.memref_slice %arg3[%add3A_46] : memref<320000xi32, #tpu.memory_space<hbm>> -> memref<16xi32, #tpu.memory_space<hbm>>
      %dma_start3A_55 = tpu.memref_slice %arg3[%add3A_46] : memref<320000xi32, #tpu.memory_space<hbm>> -> memref<16xi32, #tpu.memory_space<hbm>>
      tpu.enqueue_dma source(%dma_start3A_55 : memref<16xi32, #tpu.memory_space<hbm>>) target(%arg13 : memref<16xi32, #tpu.memory_space<vmem>>) target_semaphore(%run_scoped3A : memref<!tpu.dma_semaphore, #tpu.memory_space<semaphore_mem>>)
      %dma_wait3A_56 = tpu.memref_slice %arg3[%add3A_46] : memref<320000xi32, #tpu.memory_space<hbm>> -> memref<16xi32, #tpu.memory_space<hbm>>
      %dma_wait3A_57 = tpu.memref_slice %arg3[%add3A_46] : memref<320000xi32, #tpu.memory_space<hbm>> -> memref<16xi32, #tpu.memory_space<hbm>>
      tpu.wait_dma2 semaphore(%run_scoped3A : memref<!tpu.dma_semaphore, #tpu.memory_space<semaphore_mem>>) src(%dma_wait3A_57 : memref<16xi32, #tpu.memory_space<hbm>>) dst(%arg13 : memref<16xi32, #tpu.memory_space<vmem>>)
      tpu.yield
    }) : () -> ()
    %dma_start3A_47 = arith.constant 0 : i32
    %dma_start3A_48 = arith.constant 0 : i32
    %dma_start3A_49 = tpu.memref_slice %arg4[%dma_start3A_47, %dma_start3A_48] : memref<10000x128xf32, #tpu.memory_space<hbm>> -> memref<10000x128xf32, #tpu.memory_space<hbm>>
    tpu.enqueue_indirect_dma source(%dma_start3A_49 : memref<10000x128xf32, #tpu.memory_space<hbm>>) target(%arg14 : memref<16x128xf32, #tpu.memory_space<vmem>>) offsets(%arg12 : memref<16xi32, #tpu.memory_space<vmem>>) semaphore(%arg18 : memref<!tpu.dma_semaphore, #tpu.memory_space<semaphore_mem>>)
    %dma_wait3A_50 = arith.constant 0 : i32
    %dma_wait3A_51 = arith.constant 0 : i32
    %dma_wait3A_52 = tpu.memref_slice %arg4[%dma_wait3A_50, %dma_wait3A_51] : memref<10000x128xf32, #tpu.memory_space<hbm>> -> memref<10000x128xf32, #tpu.memory_space<hbm>>
    tpu.wait_indirect_dma semaphore(%arg18 : memref<!tpu.dma_semaphore, #tpu.memory_space<semaphore_mem>>) src(%dma_wait3A_52 : memref<10000x128xf32, #tpu.memory_space<hbm>>) dst(%arg14 : memref<16x128xf32, #tpu.memory_space<vmem>>)
    "tpu.region"() ({
      %run_scoped3A = tpu.sem_alloc : memref<!tpu.dma_semaphore, #tpu.memory_space<semaphore_mem>>
      %dma_start3A_54 = arith.constant 0 : i32
      %dma_start3A_55 = arith.constant 0 : i32
      %dma_start3A_56 = tpu.memref_slice %arg15[%dma_start3A_54, %dma_start3A_55] : memref<10240x128xf32, #tpu.memory_space<vmem_shared>> -> memref<10240x128xf32, #tpu.memory_space<vmem_shared>>
      tpu.enqueue_indirect_dma source(%arg14 : memref<16x128xf32, #tpu.memory_space<vmem>>) target(%dma_start3A_56 : memref<10240x128xf32, #tpu.memory_space<vmem_shared>>) offsets(%arg13 : memref<16xi32, #tpu.memory_space<vmem>>) semaphore(%run_scoped3A : memref<!tpu.dma_semaphore, #tpu.memory_space<semaphore_mem>>) {add = true}
      %dma_wait3A_57 = arith.constant 0 : i32
      %dma_wait3A_58 = arith.constant 0 : i32
      %dma_wait3A_59 = tpu.memref_slice %arg15[%dma_wait3A_57, %dma_wait3A_58] : memref<10240x128xf32, #tpu.memory_space<vmem_shared>> -> memref<10240x128xf32, #tpu.memory_space<vmem_shared>>
      tpu.wait_indirect_dma semaphore(%run_scoped3A : memref<!tpu.dma_semaphore, #tpu.memory_space<semaphore_mem>>) src(%arg14 : memref<16x128xf32, #tpu.memory_space<vmem>>) dst(%dma_wait3A_59 : memref<10240x128xf32, #tpu.memory_space<vmem_shared>>)
      tpu.yield
    }) : () -> ()
    %barrier3A_53 = arith.constant 0 : index
    tpu.barrier barrier_id(%barrier3A_53)
    "tpu.region"() ({
      %run_scoped3A = tpu.sem_alloc : memref<!tpu.dma_semaphore, #tpu.memory_space<semaphore_mem>>
      %dma_start3A_54 = arith.constant 0 : i32
      %dma_start3A_55 = tpu.memref_slice %arg5[%arg0, %mul3A_7, %dma_start3A_54] : memref<2x10240x128xf32, #tpu.memory_space<hbm>> -> memref<1x640x128xf32, #tpu.memory_space<hbm>>
      %dma_start3A_56 = tpu.memref_squeeze %dma_start3A_55 : memref<1x640x128xf32, #tpu.memory_space<hbm>> -> memref<640x128xf32, #tpu.memory_space<hbm>>
      %dma_start3A_57 = arith.constant 0 : i32
      %dma_start3A_58 = tpu.memref_slice %arg15[%mul3A_7, %dma_start3A_57] : memref<10240x128xf32, #tpu.memory_space<vmem_shared>> -> memref<640x128xf32, #tpu.memory_space<vmem_shared>>
      tpu.enqueue_dma source(%dma_start3A_58 : memref<640x128xf32, #tpu.memory_space<vmem_shared>>) target(%dma_start3A_56 : memref<640x128xf32, #tpu.memory_space<hbm>>) target_semaphore(%run_scoped3A : memref<!tpu.dma_semaphore, #tpu.memory_space<semaphore_mem>>)
      %dma_wait3A_59 = arith.constant 0 : i32
      %dma_wait3A_60 = tpu.memref_slice %arg5[%arg0, %mul3A_7, %dma_wait3A_59] : memref<2x10240x128xf32, #tpu.memory_space<hbm>> -> memref<1x640x128xf32, #tpu.memory_space<hbm>>
      %dma_wait3A_61 = tpu.memref_squeeze %dma_wait3A_60 : memref<1x640x128xf32, #tpu.memory_space<hbm>> -> memref<640x128xf32, #tpu.memory_space<hbm>>
      %dma_wait3A_62 = arith.constant 0 : i32
      %dma_wait3A_63 = tpu.memref_slice %arg15[%mul3A_7, %dma_wait3A_62] : memref<10240x128xf32, #tpu.memory_space<vmem_shared>> -> memref<640x128xf32, #tpu.memory_space<vmem_shared>>
      tpu.wait_dma2 semaphore(%run_scoped3A : memref<!tpu.dma_semaphore, #tpu.memory_space<semaphore_mem>>) src(%dma_wait3A_63 : memref<640x128xf32, #tpu.memory_space<vmem_shared>>) dst(%dma_wait3A_61 : memref<640x128xf32, #tpu.memory_space<hbm>>)
      tpu.yield
    }) : () -> ()
    return
  }
}

#map = affine_map<(d0, d1) -> (0)>
#map1 = affine_map<(d0, d1) -> (0, 0)>
#map2 = affine_map<(d0, d1) -> (0, 0, 0)>
module attributes {stable_mosaic.version = 14 : i64} {
  func.func @_agg_kernel(%arg0: i32, %arg1: i32, %arg2: memref<320000xi32, #tpu.memory_space<hbm>>, %arg3: memref<320000xi32, #tpu.memory_space<hbm>>, %arg4: memref<10000x128xf32, #tpu.memory_space<hbm>>, %arg5: memref<2x10240x128xf32, #tpu.memory_space<hbm>>, %arg6: memref<128xi32, #tpu.memory_space<vmem>>, %arg7: memref<128xi32, #tpu.memory_space<vmem>>, %arg8: memref<128xi32, #tpu.memory_space<vmem>>, %arg9: memref<128xi32, #tpu.memory_space<vmem>>, %arg10: memref<128x128xf32, #tpu.memory_space<vmem>>, %arg11: memref<128x128xf32, #tpu.memory_space<vmem>>, %arg12: memref<16xi32, #tpu.memory_space<vmem>>, %arg13: memref<16xi32, #tpu.memory_space<vmem>>, %arg14: memref<16x128xf32, #tpu.memory_space<vmem>>, %arg15: memref<10240x128xf32, #tpu.memory_space<vmem_shared>>, %arg16: memref<!tpu.dma_semaphore, #tpu.memory_space<semaphore_mem>>, %arg17: memref<!tpu.dma_semaphore, #tpu.memory_space<semaphore_mem>>, %arg18: memref<!tpu.dma_semaphore, #tpu.memory_space<semaphore_mem>>, %arg19: memref<!tpu.dma_semaphore, #tpu.memory_space<semaphore_mem>>) attributes {dimension_semantics = [#tpu.dimension_semantics<core_parallel>, #tpu.dimension_semantics<subcore_parallel>], iteration_bounds = array<i64: 2, 16>, scalar_prefetch = 0 : i64, scratch_operands = 14 : i64, tpu.core_type = #tpu.core_type<sc_vector_subcore>, window_params = [{transform_indices = #map}, {transform_indices = #map}, {transform_indices = #map1}, {transform_indices = #map2}]} {
    %mul3A = arith.constant 2 : i32
    %mul3A_0 = arith.muli %arg1, %mul3A : i32
    %add3A = arith.addi %mul3A_0, %arg0 : i32
    %broadcast_in_dim3A = arith.constant 0.000000e+00 : f32
    %broadcast_in_dim3A_1 = vector.broadcast %broadcast_in_dim3A : f32 to vector<16xf32>
    %scan3A = arith.constant 0 : i32
    %scan3A_2 = arith.constant 128 : i32
    %scan3A_3 = arith.addi %scan3A, %scan3A_2 : i32
    %scan3A_4 = arith.constant 1 : i32
    scf.for %scan3A_54 = %scan3A to %scan3A_3 step %scan3A_4  : i32 {
      %swap3A = arith.index_cast %scan3A_54 : i32 to index
      %swap3A_55 = arith.constant 0 : index
      %swap3A_56 = tpu.vector_load %arg10[%swap3A, %swap3A_55] {strides = array<i32>} : memref<128x128xf32, #tpu.memory_space<vmem>>, vector<1x16xf32>,
      %swap3A_57 = vector.shape_cast %swap3A_56 : vector<1x16xf32> to vector<16xf32>
      %swap3A_58 = vector.shape_cast %broadcast_in_dim3A_1 : vector<16xf32> to vector<1x16xf32>
      tpu.vector_store %arg10[%swap3A, %swap3A_55], %swap3A_58 {strides = array<i32>} : memref<128x128xf32, #tpu.memory_space<vmem>>, vector<1x16xf32>,
      %swap3A_59 = arith.index_cast %scan3A_54 : i32 to index
      %swap3A_60 = arith.constant 16 : index
      %swap3A_61 = tpu.vector_load %arg10[%swap3A_59, %swap3A_60] {strides = array<i32>} : memref<128x128xf32, #tpu.memory_space<vmem>>, vector<1x16xf32>,
      %swap3A_62 = vector.shape_cast %swap3A_61 : vector<1x16xf32> to vector<16xf32>
      %swap3A_63 = vector.shape_cast %broadcast_in_dim3A_1 : vector<16xf32> to vector<1x16xf32>
      tpu.vector_store %arg10[%swap3A_59, %swap3A_60], %swap3A_63 {strides = array<i32>} : memref<128x128xf32, #tpu.memory_space<vmem>>, vector<1x16xf32>,
      %swap3A_64 = arith.index_cast %scan3A_54 : i32 to index
      %swap3A_65 = arith.constant 32 : index
      %swap3A_66 = tpu.vector_load %arg10[%swap3A_64, %swap3A_65] {strides = array<i32>} : memref<128x128xf32, #tpu.memory_space<vmem>>, vector<1x16xf32>,
      %swap3A_67 = vector.shape_cast %swap3A_66 : vector<1x16xf32> to vector<16xf32>
      %swap3A_68 = vector.shape_cast %broadcast_in_dim3A_1 : vector<16xf32> to vector<1x16xf32>
      tpu.vector_store %arg10[%swap3A_64, %swap3A_65], %swap3A_68 {strides = array<i32>} : memref<128x128xf32, #tpu.memory_space<vmem>>, vector<1x16xf32>,
      %swap3A_69 = arith.index_cast %scan3A_54 : i32 to index
      %swap3A_70 = arith.constant 48 : index
      %swap3A_71 = tpu.vector_load %arg10[%swap3A_69, %swap3A_70] {strides = array<i32>} : memref<128x128xf32, #tpu.memory_space<vmem>>, vector<1x16xf32>,
      %swap3A_72 = vector.shape_cast %swap3A_71 : vector<1x16xf32> to vector<16xf32>
      %swap3A_73 = vector.shape_cast %broadcast_in_dim3A_1 : vector<16xf32> to vector<1x16xf32>
      tpu.vector_store %arg10[%swap3A_69, %swap3A_70], %swap3A_73 {strides = array<i32>} : memref<128x128xf32, #tpu.memory_space<vmem>>, vector<1x16xf32>,
      %swap3A_74 = arith.index_cast %scan3A_54 : i32 to index
      %swap3A_75 = arith.constant 64 : index
      %swap3A_76 = tpu.vector_load %arg10[%swap3A_74, %swap3A_75] {strides = array<i32>} : memref<128x128xf32, #tpu.memory_space<vmem>>, vector<1x16xf32>,
      %swap3A_77 = vector.shape_cast %swap3A_76 : vector<1x16xf32> to vector<16xf32>
      %swap3A_78 = vector.shape_cast %broadcast_in_dim3A_1 : vector<16xf32> to vector<1x16xf32>
      tpu.vector_store %arg10[%swap3A_74, %swap3A_75], %swap3A_78 {strides = array<i32>} : memref<128x128xf32, #tpu.memory_space<vmem>>, vector<1x16xf32>,
      %swap3A_79 = arith.index_cast %scan3A_54 : i32 to index
      %swap3A_80 = arith.constant 80 : index
      %swap3A_81 = tpu.vector_load %arg10[%swap3A_79, %swap3A_80] {strides = array<i32>} : memref<128x128xf32, #tpu.memory_space<vmem>>, vector<1x16xf32>,
      %swap3A_82 = vector.shape_cast %swap3A_81 : vector<1x16xf32> to vector<16xf32>
      %swap3A_83 = vector.shape_cast %broadcast_in_dim3A_1 : vector<16xf32> to vector<1x16xf32>
      tpu.vector_store %arg10[%swap3A_79, %swap3A_80], %swap3A_83 {strides = array<i32>} : memref<128x128xf32, #tpu.memory_space<vmem>>, vector<1x16xf32>,
      %swap3A_84 = arith.index_cast %scan3A_54 : i32 to index
      %swap3A_85 = arith.constant 96 : index
      %swap3A_86 = tpu.vector_load %arg10[%swap3A_84, %swap3A_85] {strides = array<i32>} : memref<128x128xf32, #tpu.memory_space<vmem>>, vector<1x16xf32>,
      %swap3A_87 = vector.shape_cast %swap3A_86 : vector<1x16xf32> to vector<16xf32>
      %swap3A_88 = vector.shape_cast %broadcast_in_dim3A_1 : vector<16xf32> to vector<1x16xf32>
      tpu.vector_store %arg10[%swap3A_84, %swap3A_85], %swap3A_88 {strides = array<i32>} : memref<128x128xf32, #tpu.memory_space<vmem>>, vector<1x16xf32>,
      %swap3A_89 = arith.index_cast %scan3A_54 : i32 to index
      %swap3A_90 = arith.constant 112 : index
      %swap3A_91 = tpu.vector_load %arg10[%swap3A_89, %swap3A_90] {strides = array<i32>} : memref<128x128xf32, #tpu.memory_space<vmem>>, vector<1x16xf32>,
      %swap3A_92 = vector.shape_cast %swap3A_91 : vector<1x16xf32> to vector<16xf32>
      %swap3A_93 = vector.shape_cast %broadcast_in_dim3A_1 : vector<16xf32> to vector<1x16xf32>
      tpu.vector_store %arg10[%swap3A_89, %swap3A_90], %swap3A_93 {strides = array<i32>} : memref<128x128xf32, #tpu.memory_space<vmem>>, vector<1x16xf32>,
    }
    %scan3A_5 = arith.constant 128 : i32
    %mul3A_6 = arith.constant 640 : i32
    %mul3A_7 = arith.muli %arg1, %mul3A_6 : i32
    %add3A_8 = arith.constant 0 : i32
    %add3A_9 = arith.addi %mul3A_7, %add3A_8 : i32
    "tpu.region"() ({
      %run_scoped3A = tpu.sem_alloc : memref<!tpu.dma_semaphore, #tpu.memory_space<semaphore_mem>>
      %dma_start3A_54 = arith.constant 0 : i32
      %dma_start3A_55 = tpu.memref_slice %arg15[%add3A_9, %dma_start3A_54] : memref<10240x128xf32, #tpu.memory_space<vmem_shared>> -> memref<128x128xf32, #tpu.memory_space<vmem_shared>>
      %dma_start3A_56 = arith.constant 0 : i32
      %dma_start3A_57 = tpu.memref_slice %arg15[%add3A_9, %dma_start3A_56] : memref<10240x128xf32, #tpu.memory_space<vmem_shared>> -> memref<128x128xf32, #tpu.memory_space<vmem_shared>>
      tpu.enqueue_dma source(%arg10 : memref<128x128xf32, #tpu.memory_space<vmem>>) target(%dma_start3A_57 : memref<128x128xf32, #tpu.memory_space<vmem_shared>>) target_semaphore(%run_scoped3A : memref<!tpu.dma_semaphore, #tpu.memory_space<semaphore_mem>>)
      %dma_wait3A_58 = arith.constant 0 : i32
      %dma_wait3A_59 = tpu.memref_slice %arg15[%add3A_9, %dma_wait3A_58] : memref<10240x128xf32, #tpu.memory_space<vmem_shared>> -> memref<128x128xf32, #tpu.memory_space<vmem_shared>>
      %dma_wait3A_60 = arith.constant 0 : i32
      %dma_wait3A_61 = tpu.memref_slice %arg15[%add3A_9, %dma_wait3A_60] : memref<10240x128xf32, #tpu.memory_space<vmem_shared>> -> memref<128x128xf32, #tpu.memory_space<vmem_shared>>
      tpu.wait_dma2 semaphore(%run_scoped3A : memref<!tpu.dma_semaphore, #tpu.memory_space<semaphore_mem>>) src(%arg10 : memref<128x128xf32, #tpu.memory_space<vmem>>) dst(%dma_wait3A_61 : memref<128x128xf32, #tpu.memory_space<vmem_shared>>)
      tpu.yield
    }) : () -> ()
    %add3A_10 = arith.constant 128 : i32
    %add3A_11 = arith.addi %mul3A_7, %add3A_10 : i32
    "tpu.region"() ({
      %run_scoped3A = tpu.sem_alloc : memref<!tpu.dma_semaphore, #tpu.memory_space<semaphore_mem>>
      %dma_start3A_54 = arith.constant 0 : i32
      %dma_start3A_55 = tpu.memref_slice %arg15[%add3A_11, %dma_start3A_54] : memref<10240x128xf32, #tpu.memory_space<vmem_shared>> -> memref<128x128xf32, #tpu.memory_space<vmem_shared>>
      %dma_start3A_56 = arith.constant 0 : i32
      %dma_start3A_57 = tpu.memref_slice %arg15[%add3A_11, %dma_start3A_56] : memref<10240x128xf32, #tpu.memory_space<vmem_shared>> -> memref<128x128xf32, #tpu.memory_space<vmem_shared>>
      tpu.enqueue_dma source(%arg10 : memref<128x128xf32, #tpu.memory_space<vmem>>) target(%dma_start3A_57 : memref<128x128xf32, #tpu.memory_space<vmem_shared>>) target_semaphore(%run_scoped3A : memref<!tpu.dma_semaphore, #tpu.memory_space<semaphore_mem>>)
      %dma_wait3A_58 = arith.constant 0 : i32
      %dma_wait3A_59 = tpu.memref_slice %arg15[%add3A_11, %dma_wait3A_58] : memref<10240x128xf32, #tpu.memory_space<vmem_shared>> -> memref<128x128xf32, #tpu.memory_space<vmem_shared>>
      %dma_wait3A_60 = arith.constant 0 : i32
      %dma_wait3A_61 = tpu.memref_slice %arg15[%add3A_11, %dma_wait3A_60] : memref<10240x128xf32, #tpu.memory_space<vmem_shared>> -> memref<128x128xf32, #tpu.memory_space<vmem_shared>>
      tpu.wait_dma2 semaphore(%run_scoped3A : memref<!tpu.dma_semaphore, #tpu.memory_space<semaphore_mem>>) src(%arg10 : memref<128x128xf32, #tpu.memory_space<vmem>>) dst(%dma_wait3A_61 : memref<128x128xf32, #tpu.memory_space<vmem_shared>>)
      tpu.yield
    }) : () -> ()
    %add3A_12 = arith.constant 256 : i32
    %add3A_13 = arith.addi %mul3A_7, %add3A_12 : i32
    "tpu.region"() ({
      %run_scoped3A = tpu.sem_alloc : memref<!tpu.dma_semaphore, #tpu.memory_space<semaphore_mem>>
      %dma_start3A_54 = arith.constant 0 : i32
      %dma_start3A_55 = tpu.memref_slice %arg15[%add3A_13, %dma_start3A_54] : memref<10240x128xf32, #tpu.memory_space<vmem_shared>> -> memref<128x128xf32, #tpu.memory_space<vmem_shared>>
      %dma_start3A_56 = arith.constant 0 : i32
      %dma_start3A_57 = tpu.memref_slice %arg15[%add3A_13, %dma_start3A_56] : memref<10240x128xf32, #tpu.memory_space<vmem_shared>> -> memref<128x128xf32, #tpu.memory_space<vmem_shared>>
      tpu.enqueue_dma source(%arg10 : memref<128x128xf32, #tpu.memory_space<vmem>>) target(%dma_start3A_57 : memref<128x128xf32, #tpu.memory_space<vmem_shared>>) target_semaphore(%run_scoped3A : memref<!tpu.dma_semaphore, #tpu.memory_space<semaphore_mem>>)
      %dma_wait3A_58 = arith.constant 0 : i32
      %dma_wait3A_59 = tpu.memref_slice %arg15[%add3A_13, %dma_wait3A_58] : memref<10240x128xf32, #tpu.memory_space<vmem_shared>> -> memref<128x128xf32, #tpu.memory_space<vmem_shared>>
      %dma_wait3A_60 = arith.constant 0 : i32
      %dma_wait3A_61 = tpu.memref_slice %arg15[%add3A_13, %dma_wait3A_60] : memref<10240x128xf32, #tpu.memory_space<vmem_shared>> -> memref<128x128xf32, #tpu.memory_space<vmem_shared>>
      tpu.wait_dma2 semaphore(%run_scoped3A : memref<!tpu.dma_semaphore, #tpu.memory_space<semaphore_mem>>) src(%arg10 : memref<128x128xf32, #tpu.memory_space<vmem>>) dst(%dma_wait3A_61 : memref<128x128xf32, #tpu.memory_space<vmem_shared>>)
      tpu.yield
    }) : () -> ()
    %add3A_14 = arith.constant 384 : i32
    %add3A_15 = arith.addi %mul3A_7, %add3A_14 : i32
    "tpu.region"() ({
      %run_scoped3A = tpu.sem_alloc : memref<!tpu.dma_semaphore, #tpu.memory_space<semaphore_mem>>
      %dma_start3A_54 = arith.constant 0 : i32
      %dma_start3A_55 = tpu.memref_slice %arg15[%add3A_15, %dma_start3A_54] : memref<10240x128xf32, #tpu.memory_space<vmem_shared>> -> memref<128x128xf32, #tpu.memory_space<vmem_shared>>
      %dma_start3A_56 = arith.constant 0 : i32
      %dma_start3A_57 = tpu.memref_slice %arg15[%add3A_15, %dma_start3A_56] : memref<10240x128xf32, #tpu.memory_space<vmem_shared>> -> memref<128x128xf32, #tpu.memory_space<vmem_shared>>
      tpu.enqueue_dma source(%arg10 : memref<128x128xf32, #tpu.memory_space<vmem>>) target(%dma_start3A_57 : memref<128x128xf32, #tpu.memory_space<vmem_shared>>) target_semaphore(%run_scoped3A : memref<!tpu.dma_semaphore, #tpu.memory_space<semaphore_mem>>)
      %dma_wait3A_58 = arith.constant 0 : i32
      %dma_wait3A_59 = tpu.memref_slice %arg15[%add3A_15, %dma_wait3A_58] : memref<10240x128xf32, #tpu.memory_space<vmem_shared>> -> memref<128x128xf32, #tpu.memory_space<vmem_shared>>
      %dma_wait3A_60 = arith.constant 0 : i32
      %dma_wait3A_61 = tpu.memref_slice %arg15[%add3A_15, %dma_wait3A_60] : memref<10240x128xf32, #tpu.memory_space<vmem_shared>> -> memref<128x128xf32, #tpu.memory_space<vmem_shared>>
      tpu.wait_dma2 semaphore(%run_scoped3A : memref<!tpu.dma_semaphore, #tpu.memory_space<semaphore_mem>>) src(%arg10 : memref<128x128xf32, #tpu.memory_space<vmem>>) dst(%dma_wait3A_61 : memref<128x128xf32, #tpu.memory_space<vmem_shared>>)
      tpu.yield
    }) : () -> ()
    %add3A_16 = arith.constant 512 : i32
    %add3A_17 = arith.addi %mul3A_7, %add3A_16 : i32
    "tpu.region"() ({
      %run_scoped3A = tpu.sem_alloc : memref<!tpu.dma_semaphore, #tpu.memory_space<semaphore_mem>>
      %dma_start3A_54 = arith.constant 0 : i32
      %dma_start3A_55 = tpu.memref_slice %arg15[%add3A_17, %dma_start3A_54] : memref<10240x128xf32, #tpu.memory_space<vmem_shared>> -> memref<128x128xf32, #tpu.memory_space<vmem_shared>>
      %dma_start3A_56 = arith.constant 0 : i32
      %dma_start3A_57 = tpu.memref_slice %arg15[%add3A_17, %dma_start3A_56] : memref<10240x128xf32, #tpu.memory_space<vmem_shared>> -> memref<128x128xf32, #tpu.memory_space<vmem_shared>>
      tpu.enqueue_dma source(%arg10 : memref<128x128xf32, #tpu.memory_space<vmem>>) target(%dma_start3A_57 : memref<128x128xf32, #tpu.memory_space<vmem_shared>>) target_semaphore(%run_scoped3A : memref<!tpu.dma_semaphore, #tpu.memory_space<semaphore_mem>>)
      %dma_wait3A_58 = arith.constant 0 : i32
      %dma_wait3A_59 = tpu.memref_slice %arg15[%add3A_17, %dma_wait3A_58] : memref<10240x128xf32, #tpu.memory_space<vmem_shared>> -> memref<128x128xf32, #tpu.memory_space<vmem_shared>>
      %dma_wait3A_60 = arith.constant 0 : i32
      %dma_wait3A_61 = tpu.memref_slice %arg15[%add3A_17, %dma_wait3A_60] : memref<10240x128xf32, #tpu.memory_space<vmem_shared>> -> memref<128x128xf32, #tpu.memory_space<vmem_shared>>
      tpu.wait_dma2 semaphore(%run_scoped3A : memref<!tpu.dma_semaphore, #tpu.memory_space<semaphore_mem>>) src(%arg10 : memref<128x128xf32, #tpu.memory_space<vmem>>) dst(%dma_wait3A_61 : memref<128x128xf32, #tpu.memory_space<vmem_shared>>)
      tpu.yield
    }) : () -> ()
    %barrier3A = arith.constant 0 : index
    tpu.barrier barrier_id(%barrier3A)
    %mul3A_18 = arith.constant 10000 : i32
    %mul3A_19 = arith.muli %add3A, %mul3A_18 : i32
    %dma_start3A = tpu.memref_slice %arg2[%mul3A_19] : memref<320000xi32, #tpu.memory_space<hbm>> -> memref<128xi32, #tpu.memory_space<hbm>>
    %dma_start3A_20 = tpu.memref_slice %arg2[%mul3A_19] : memref<320000xi32, #tpu.memory_space<hbm>> -> memref<128xi32, #tpu.memory_space<hbm>>
    tpu.enqueue_dma source(%dma_start3A_20 : memref<128xi32, #tpu.memory_space<hbm>>) target(%arg6 : memref<128xi32, #tpu.memory_space<vmem>>) target_semaphore(%arg16 : memref<!tpu.dma_semaphore, #tpu.memory_space<semaphore_mem>>)
    %dma_start3A_21 = tpu.memref_slice %arg3[%mul3A_19] : memref<320000xi32, #tpu.memory_space<hbm>> -> memref<128xi32, #tpu.memory_space<hbm>>
    %dma_start3A_22 = tpu.memref_slice %arg3[%mul3A_19] : memref<320000xi32, #tpu.memory_space<hbm>> -> memref<128xi32, #tpu.memory_space<hbm>>
    tpu.enqueue_dma source(%dma_start3A_22 : memref<128xi32, #tpu.memory_space<hbm>>) target(%arg8 : memref<128xi32, #tpu.memory_space<vmem>>) target_semaphore(%arg16 : memref<!tpu.dma_semaphore, #tpu.memory_space<semaphore_mem>>)
    %add3A_23 = arith.constant 128 : i32
    %add3A_24 = arith.addi %mul3A_19, %add3A_23 : i32
    %dma_start3A_25 = tpu.memref_slice %arg2[%add3A_24] : memref<320000xi32, #tpu.memory_space<hbm>> -> memref<128xi32, #tpu.memory_space<hbm>>
    %dma_start3A_26 = tpu.memref_slice %arg2[%add3A_24] : memref<320000xi32, #tpu.memory_space<hbm>> -> memref<128xi32, #tpu.memory_space<hbm>>
    tpu.enqueue_dma source(%dma_start3A_26 : memref<128xi32, #tpu.memory_space<hbm>>) target(%arg7 : memref<128xi32, #tpu.memory_space<vmem>>) target_semaphore(%arg17 : memref<!tpu.dma_semaphore, #tpu.memory_space<semaphore_mem>>)
    %add3A_27 = arith.constant 128 : i32
    %add3A_28 = arith.addi %mul3A_19, %add3A_27 : i32
    %dma_start3A_29 = tpu.memref_slice %arg3[%add3A_28] : memref<320000xi32, #tpu.memory_space<hbm>> -> memref<128xi32, #tpu.memory_space<hbm>>
    %dma_start3A_30 = tpu.memref_slice %arg3[%add3A_28] : memref<320000xi32, #tpu.memory_space<hbm>> -> memref<128xi32, #tpu.memory_space<hbm>>
    tpu.enqueue_dma source(%dma_start3A_30 : memref<128xi32, #tpu.memory_space<hbm>>) target(%arg9 : memref<128xi32, #tpu.memory_space<vmem>>) target_semaphore(%arg17 : memref<!tpu.dma_semaphore, #tpu.memory_space<semaphore_mem>>)
    %dma_wait3A = tpu.memref_slice %arg2[%mul3A_19] : memref<320000xi32, #tpu.memory_space<hbm>> -> memref<128xi32, #tpu.memory_space<hbm>>
    %dma_wait3A_31 = tpu.memref_slice %arg2[%mul3A_19] : memref<320000xi32, #tpu.memory_space<hbm>> -> memref<128xi32, #tpu.memory_space<hbm>>
    tpu.wait_dma2 semaphore(%arg16 : memref<!tpu.dma_semaphore, #tpu.memory_space<semaphore_mem>>) src(%dma_wait3A_31 : memref<128xi32, #tpu.memory_space<hbm>>) dst(%arg6 : memref<128xi32, #tpu.memory_space<vmem>>)
    %dma_start3A_32 = arith.constant 0 : i32
    %dma_start3A_33 = arith.constant 0 : i32
    %dma_start3A_34 = tpu.memref_slice %arg4[%dma_start3A_32, %dma_start3A_33] : memref<10000x128xf32, #tpu.memory_space<hbm>> -> memref<10000x128xf32, #tpu.memory_space<hbm>>
    tpu.enqueue_indirect_dma source(%dma_start3A_34 : memref<10000x128xf32, #tpu.memory_space<hbm>>) target(%arg10 : memref<128x128xf32, #tpu.memory_space<vmem>>) offsets(%arg6 : memref<128xi32, #tpu.memory_space<vmem>>) semaphore(%arg18 : memref<!tpu.dma_semaphore, #tpu.memory_space<semaphore_mem>>)
    %dma_wait3A_35 = tpu.memref_slice %arg2[%mul3A_19] : memref<320000xi32, #tpu.memory_space<hbm>> -> memref<128xi32, #tpu.memory_space<hbm>>
    %dma_wait3A_36 = tpu.memref_slice %arg2[%mul3A_19] : memref<320000xi32, #tpu.memory_space<hbm>> -> memref<128xi32, #tpu.memory_space<hbm>>
    tpu.wait_dma2 semaphore(%arg17 : memref<!tpu.dma_semaphore, #tpu.memory_space<semaphore_mem>>) src(%dma_wait3A_36 : memref<128xi32, #tpu.memory_space<hbm>>) dst(%arg7 : memref<128xi32, #tpu.memory_space<vmem>>)
    %dma_start3A_37 = arith.constant 0 : i32
    %dma_start3A_38 = arith.constant 0 : i32
    %dma_start3A_39 = tpu.memref_slice %arg4[%dma_start3A_37, %dma_start3A_38] : memref<10000x128xf32, #tpu.memory_space<hbm>> -> memref<10000x128xf32, #tpu.memory_space<hbm>>
    tpu.enqueue_indirect_dma source(%dma_start3A_39 : memref<10000x128xf32, #tpu.memory_space<hbm>>) target(%arg11 : memref<128x128xf32, #tpu.memory_space<vmem>>) offsets(%arg7 : memref<128xi32, #tpu.memory_space<vmem>>) semaphore(%arg19 : memref<!tpu.dma_semaphore, #tpu.memory_space<semaphore_mem>>)
    %scan3A_40 = arith.constant 0 : i32
    %scan3A_41 = arith.constant 39 : i32
    %scan3A_42 = arith.addi %scan3A_40, %scan3A_41 : i32
    %scan3A_43 = arith.constant 1 : i32
    scf.for %scan3A_54 = %scan3A_40 to %scan3A_42 step %scan3A_43  : i32 {
      %mul3A_55 = arith.constant 2 : i32
      %mul3A_56 = arith.muli %mul3A_55, %scan3A_54 : i32
      %lt3A = arith.constant 38 : i32
      %lt3A_57 = arith.cmpi slt, %scan3A_54, %lt3A : i32
      %dma_wait3A_58 = arith.constant 0 : i32
      %dma_wait3A_59 = arith.constant 0 : i32
      %dma_wait3A_60 = tpu.memref_slice %arg4[%dma_wait3A_58, %dma_wait3A_59] : memref<10000x128xf32, #tpu.memory_space<hbm>> -> memref<10000x128xf32, #tpu.memory_space<hbm>>
      tpu.wait_indirect_dma semaphore(%arg18 : memref<!tpu.dma_semaphore, #tpu.memory_space<semaphore_mem>>) src(%dma_wait3A_60 : memref<10000x128xf32, #tpu.memory_space<hbm>>) dst(%arg10 : memref<128x128xf32, #tpu.memory_space<vmem>>)
      %convert_element_type3A = arith.extui %lt3A_57 : i1 to i32
      %cond3A = arith.constant 0 : i32
      %cond3A_61 = arith.cmpi ne, %convert_element_type3A, %cond3A : i32
      scf.if %cond3A_61 {
        %add3A_78 = arith.constant 2 : i32
        %add3A_79 = arith.addi %mul3A_56, %add3A_78 : i32
        %mul3A_80 = arith.constant 128 : i32
        %mul3A_81 = arith.muli %add3A_79, %mul3A_80 : i32
        %add3A_82 = arith.addi %mul3A_19, %mul3A_81 : i32
        %dma_start3A_83 = tpu.memref_slice %arg2[%add3A_82] : memref<320000xi32, #tpu.memory_space<hbm>> -> memref<128xi32, #tpu.memory_space<hbm>>
        %dma_start3A_84 = tpu.memref_slice %arg2[%add3A_82] : memref<320000xi32, #tpu.memory_space<hbm>> -> memref<128xi32, #tpu.memory_space<hbm>>
        tpu.enqueue_dma source(%dma_start3A_84 : memref<128xi32, #tpu.memory_space<hbm>>) target(%arg6 : memref<128xi32, #tpu.memory_space<vmem>>) target_semaphore(%arg16 : memref<!tpu.dma_semaphore, #tpu.memory_space<semaphore_mem>>)
      } else {
      }
      %dma_wait3A_62 = tpu.memref_slice %arg3[%mul3A_19] : memref<320000xi32, #tpu.memory_space<hbm>> -> memref<128xi32, #tpu.memory_space<hbm>>
      %dma_wait3A_63 = tpu.memref_slice %arg3[%mul3A_19] : memref<320000xi32, #tpu.memory_space<hbm>> -> memref<128xi32, #tpu.memory_space<hbm>>
      tpu.wait_dma2 semaphore(%arg16 : memref<!tpu.dma_semaphore, #tpu.memory_space<semaphore_mem>>) src(%dma_wait3A_63 : memref<128xi32, #tpu.memory_space<hbm>>) dst(%arg8 : memref<128xi32, #tpu.memory_space<vmem>>)
      "tpu.region"() ({
        %run_scoped3A = tpu.sem_alloc : memref<!tpu.dma_semaphore, #tpu.memory_space<semaphore_mem>>
        %dma_start3A_78 = arith.constant 0 : i32
        %dma_start3A_79 = arith.constant 0 : i32
        %dma_start3A_80 = tpu.memref_slice %arg15[%dma_start3A_78, %dma_start3A_79] : memref<10240x128xf32, #tpu.memory_space<vmem_shared>> -> memref<10240x128xf32, #tpu.memory_space<vmem_shared>>
        tpu.enqueue_indirect_dma source(%arg10 : memref<128x128xf32, #tpu.memory_space<vmem>>) target(%dma_start3A_80 : memref<10240x128xf32, #tpu.memory_space<vmem_shared>>) offsets(%arg8 : memref<128xi32, #tpu.memory_space<vmem>>) semaphore(%run_scoped3A : memref<!tpu.dma_semaphore, #tpu.memory_space<semaphore_mem>>) {add = true}
        %dma_wait3A_81 = arith.constant 0 : i32
        %dma_wait3A_82 = arith.constant 0 : i32
        %dma_wait3A_83 = tpu.memref_slice %arg15[%dma_wait3A_81, %dma_wait3A_82] : memref<10240x128xf32, #tpu.memory_space<vmem_shared>> -> memref<10240x128xf32, #tpu.memory_space<vmem_shared>>
        tpu.wait_indirect_dma semaphore(%run_scoped3A : memref<!tpu.dma_semaphore, #tpu.memory_space<semaphore_mem>>) src(%arg10 : memref<128x128xf32, #tpu.memory_space<vmem>>) dst(%dma_wait3A_83 : memref<10240x128xf32, #tpu.memory_space<vmem_shared>>)
        tpu.yield
      }) : () -> ()
      %convert_element_type3A_64 = arith.extui %lt3A_57 : i1 to i32
      %cond3A_65 = arith.constant 0 : i32
      %cond3A_66 = arith.cmpi ne, %convert_element_type3A_64, %cond3A_65 : i32
      scf.if %cond3A_66 {
        %add3A_78 = arith.constant 2 : i32
        %add3A_79 = arith.addi %mul3A_56, %add3A_78 : i32
        %mul3A_80 = arith.constant 128 : i32
        %mul3A_81 = arith.muli %add3A_79, %mul3A_80 : i32
        %add3A_82 = arith.addi %mul3A_19, %mul3A_81 : i32
        %dma_start3A_83 = tpu.memref_slice %arg3[%add3A_82] : memref<320000xi32, #tpu.memory_space<hbm>> -> memref<128xi32, #tpu.memory_space<hbm>>
        %dma_start3A_84 = tpu.memref_slice %arg3[%add3A_82] : memref<320000xi32, #tpu.memory_space<hbm>> -> memref<128xi32, #tpu.memory_space<hbm>>
        tpu.enqueue_dma source(%dma_start3A_84 : memref<128xi32, #tpu.memory_space<hbm>>) target(%arg8 : memref<128xi32, #tpu.memory_space<vmem>>) target_semaphore(%arg16 : memref<!tpu.dma_semaphore, #tpu.memory_space<semaphore_mem>>)
      } else {
      }
      %dma_wait3A_67 = arith.constant 0 : i32
      %dma_wait3A_68 = arith.constant 0 : i32
      %dma_wait3A_69 = tpu.memref_slice %arg4[%dma_wait3A_67, %dma_wait3A_68] : memref<10000x128xf32, #tpu.memory_space<hbm>> -> memref<10000x128xf32, #tpu.memory_space<hbm>>
      tpu.wait_indirect_dma semaphore(%arg19 : memref<!tpu.dma_semaphore, #tpu.memory_space<semaphore_mem>>) src(%dma_wait3A_69 : memref<10000x128xf32, #tpu.memory_space<hbm>>) dst(%arg11 : memref<128x128xf32, #tpu.memory_space<vmem>>)
      %convert_element_type3A_70 = arith.extui %lt3A_57 : i1 to i32
      %cond3A_71 = arith.constant 0 : i32
      %cond3A_72 = arith.cmpi ne, %convert_element_type3A_70, %cond3A_71 : i32
      scf.if %cond3A_72 {
        %add3A_78 = arith.constant 3 : i32
        %add3A_79 = arith.addi %mul3A_56, %add3A_78 : i32
        %mul3A_80 = arith.constant 128 : i32
        %mul3A_81 = arith.muli %add3A_79, %mul3A_80 : i32
        %add3A_82 = arith.addi %mul3A_19, %mul3A_81 : i32
        %dma_start3A_83 = tpu.memref_slice %arg2[%add3A_82] : memref<320000xi32, #tpu.memory_space<hbm>> -> memref<128xi32, #tpu.memory_space<hbm>>
        %dma_start3A_84 = tpu.memref_slice %arg2[%add3A_82] : memref<320000xi32, #tpu.memory_space<hbm>> -> memref<128xi32, #tpu.memory_space<hbm>>
        tpu.enqueue_dma source(%dma_start3A_84 : memref<128xi32, #tpu.memory_space<hbm>>) target(%arg7 : memref<128xi32, #tpu.memory_space<vmem>>) target_semaphore(%arg17 : memref<!tpu.dma_semaphore, #tpu.memory_space<semaphore_mem>>)
      } else {
      }
      %dma_wait3A_73 = tpu.memref_slice %arg3[%mul3A_19] : memref<320000xi32, #tpu.memory_space<hbm>> -> memref<128xi32, #tpu.memory_space<hbm>>
      %dma_wait3A_74 = tpu.memref_slice %arg3[%mul3A_19] : memref<320000xi32, #tpu.memory_space<hbm>> -> memref<128xi32, #tpu.memory_space<hbm>>
      tpu.wait_dma2 semaphore(%arg17 : memref<!tpu.dma_semaphore, #tpu.memory_space<semaphore_mem>>) src(%dma_wait3A_74 : memref<128xi32, #tpu.memory_space<hbm>>) dst(%arg9 : memref<128xi32, #tpu.memory_space<vmem>>)
      "tpu.region"() ({
        %run_scoped3A = tpu.sem_alloc : memref<!tpu.dma_semaphore, #tpu.memory_space<semaphore_mem>>
        %dma_start3A_78 = arith.constant 0 : i32
        %dma_start3A_79 = arith.constant 0 : i32
        %dma_start3A_80 = tpu.memref_slice %arg15[%dma_start3A_78, %dma_start3A_79] : memref<10240x128xf32, #tpu.memory_space<vmem_shared>> -> memref<10240x128xf32, #tpu.memory_space<vmem_shared>>
        tpu.enqueue_indirect_dma source(%arg11 : memref<128x128xf32, #tpu.memory_space<vmem>>) target(%dma_start3A_80 : memref<10240x128xf32, #tpu.memory_space<vmem_shared>>) offsets(%arg9 : memref<128xi32, #tpu.memory_space<vmem>>) semaphore(%run_scoped3A : memref<!tpu.dma_semaphore, #tpu.memory_space<semaphore_mem>>) {add = true}
        %dma_wait3A_81 = arith.constant 0 : i32
        %dma_wait3A_82 = arith.constant 0 : i32
        %dma_wait3A_83 = tpu.memref_slice %arg15[%dma_wait3A_81, %dma_wait3A_82] : memref<10240x128xf32, #tpu.memory_space<vmem_shared>> -> memref<10240x128xf32, #tpu.memory_space<vmem_shared>>
        tpu.wait_indirect_dma semaphore(%run_scoped3A : memref<!tpu.dma_semaphore, #tpu.memory_space<semaphore_mem>>) src(%arg11 : memref<128x128xf32, #tpu.memory_space<vmem>>) dst(%dma_wait3A_83 : memref<10240x128xf32, #tpu.memory_space<vmem_shared>>)
        tpu.yield
      }) : () -> ()
      %convert_element_type3A_75 = arith.extui %lt3A_57 : i1 to i32
      %cond3A_76 = arith.constant 0 : i32
      %cond3A_77 = arith.cmpi ne, %convert_element_type3A_75, %cond3A_76 : i32
      scf.if %cond3A_77 {
        %add3A_78 = arith.constant 3 : i32
        %add3A_79 = arith.addi %mul3A_56, %add3A_78 : i32
        %mul3A_80 = arith.constant 128 : i32
        %mul3A_81 = arith.muli %add3A_79, %mul3A_80 : i32
        %add3A_82 = arith.addi %mul3A_19, %mul3A_81 : i32
        %dma_start3A_83 = tpu.memref_slice %arg3[%add3A_82] : memref<320000xi32, #tpu.memory_space<hbm>> -> memref<128xi32, #tpu.memory_space<hbm>>
        %dma_start3A_84 = tpu.memref_slice %arg3[%add3A_82] : memref<320000xi32, #tpu.memory_space<hbm>> -> memref<128xi32, #tpu.memory_space<hbm>>
        tpu.enqueue_dma source(%dma_start3A_84 : memref<128xi32, #tpu.memory_space<hbm>>) target(%arg9 : memref<128xi32, #tpu.memory_space<vmem>>) target_semaphore(%arg17 : memref<!tpu.dma_semaphore, #tpu.memory_space<semaphore_mem>>)
        %dma_wait3A_85 = tpu.memref_slice %arg2[%mul3A_19] : memref<320000xi32, #tpu.memory_space<hbm>> -> memref<128xi32, #tpu.memory_space<hbm>>
        %dma_wait3A_86 = tpu.memref_slice %arg2[%mul3A_19] : memref<320000xi32, #tpu.memory_space<hbm>> -> memref<128xi32, #tpu.memory_space<hbm>>
        tpu.wait_dma2 semaphore(%arg16 : memref<!tpu.dma_semaphore, #tpu.memory_space<semaphore_mem>>) src(%dma_wait3A_86 : memref<128xi32, #tpu.memory_space<hbm>>) dst(%arg6 : memref<128xi32, #tpu.memory_space<vmem>>)
        %dma_start3A_87 = arith.constant 0 : i32
        %dma_start3A_88 = arith.constant 0 : i32
        %dma_start3A_89 = tpu.memref_slice %arg4[%dma_start3A_87, %dma_start3A_88] : memref<10000x128xf32, #tpu.memory_space<hbm>> -> memref<10000x128xf32, #tpu.memory_space<hbm>>
        tpu.enqueue_indirect_dma source(%dma_start3A_89 : memref<10000x128xf32, #tpu.memory_space<hbm>>) target(%arg10 : memref<128x128xf32, #tpu.memory_space<vmem>>) offsets(%arg6 : memref<128xi32, #tpu.memory_space<vmem>>) semaphore(%arg18 : memref<!tpu.dma_semaphore, #tpu.memory_space<semaphore_mem>>)
        %dma_wait3A_90 = tpu.memref_slice %arg2[%mul3A_19] : memref<320000xi32, #tpu.memory_space<hbm>> -> memref<128xi32, #tpu.memory_space<hbm>>
        %dma_wait3A_91 = tpu.memref_slice %arg2[%mul3A_19] : memref<320000xi32, #tpu.memory_space<hbm>> -> memref<128xi32, #tpu.memory_space<hbm>>
        tpu.wait_dma2 semaphore(%arg17 : memref<!tpu.dma_semaphore, #tpu.memory_space<semaphore_mem>>) src(%dma_wait3A_91 : memref<128xi32, #tpu.memory_space<hbm>>) dst(%arg7 : memref<128xi32, #tpu.memory_space<vmem>>)
        %dma_start3A_92 = arith.constant 0 : i32
        %dma_start3A_93 = arith.constant 0 : i32
        %dma_start3A_94 = tpu.memref_slice %arg4[%dma_start3A_92, %dma_start3A_93] : memref<10000x128xf32, #tpu.memory_space<hbm>> -> memref<10000x128xf32, #tpu.memory_space<hbm>>
        tpu.enqueue_indirect_dma source(%dma_start3A_94 : memref<10000x128xf32, #tpu.memory_space<hbm>>) target(%arg11 : memref<128x128xf32, #tpu.memory_space<vmem>>) offsets(%arg7 : memref<128xi32, #tpu.memory_space<vmem>>) semaphore(%arg19 : memref<!tpu.dma_semaphore, #tpu.memory_space<semaphore_mem>>)
      } else {
      }
    }
    %scan3A_44 = arith.constant 39 : i32
    %add3A_45 = arith.constant 9984 : i32
    %add3A_46 = arith.addi %mul3A_19, %add3A_45 : i32
    "tpu.region"() ({
      %run_scoped3A = tpu.sem_alloc : memref<!tpu.dma_semaphore, #tpu.memory_space<semaphore_mem>>
      %dma_start3A_54 = tpu.memref_slice %arg2[%add3A_46] : memref<320000xi32, #tpu.memory_space<hbm>> -> memref<16xi32, #tpu.memory_space<hbm>>
      %dma_start3A_55 = tpu.memref_slice %arg2[%add3A_46] : memref<320000xi32, #tpu.memory_space<hbm>> -> memref<16xi32, #tpu.memory_space<hbm>>
      tpu.enqueue_dma source(%dma_start3A_55 : memref<16xi32, #tpu.memory_space<hbm>>) target(%arg12 : memref<16xi32, #tpu.memory_space<vmem>>) target_semaphore(%run_scoped3A : memref<!tpu.dma_semaphore, #tpu.memory_space<semaphore_mem>>)
      %dma_wait3A_56 = tpu.memref_slice %arg2[%add3A_46] : memref<320000xi32, #tpu.memory_space<hbm>> -> memref<16xi32, #tpu.memory_space<hbm>>
      %dma_wait3A_57 = tpu.memref_slice %arg2[%add3A_46] : memref<320000xi32, #tpu.memory_space<hbm>> -> memref<16xi32, #tpu.memory_space<hbm>>
      tpu.wait_dma2 semaphore(%run_scoped3A : memref<!tpu.dma_semaphore, #tpu.memory_space<semaphore_mem>>) src(%dma_wait3A_57 : memref<16xi32, #tpu.memory_space<hbm>>) dst(%arg12 : memref<16xi32, #tpu.memory_space<vmem>>)
      tpu.yield
    }) : () -> ()
    "tpu.region"() ({
      %run_scoped3A = tpu.sem_alloc : memref<!tpu.dma_semaphore, #tpu.memory_space<semaphore_mem>>
      %dma_start3A_54 = tpu.memref_slice %arg3[%add3A_46] : memref<320000xi32, #tpu.memory_space<hbm>> -> memref<16xi32, #tpu.memory_space<hbm>>
      %dma_start3A_55 = tpu.memref_slice %arg3[%add3A_46] : memref<320000xi32, #tpu.memory_space<hbm>> -> memref<16xi32, #tpu.memory_space<hbm>>
      tpu.enqueue_dma source(%dma_start3A_55 : memref<16xi32, #tpu.memory_space<hbm>>) target(%arg13 : memref<16xi32, #tpu.memory_space<vmem>>) target_semaphore(%run_scoped3A : memref<!tpu.dma_semaphore, #tpu.memory_space<semaphore_mem>>)
      %dma_wait3A_56 = tpu.memref_slice %arg3[%add3A_46] : memref<320000xi32, #tpu.memory_space<hbm>> -> memref<16xi32, #tpu.memory_space<hbm>>
      %dma_wait3A_57 = tpu.memref_slice %arg3[%add3A_46] : memref<320000xi32, #tpu.memory_space<hbm>> -> memref<16xi32, #tpu.memory_space<hbm>>
      tpu.wait_dma2 semaphore(%run_scoped3A : memref<!tpu.dma_semaphore, #tpu.memory_space<semaphore_mem>>) src(%dma_wait3A_57 : memref<16xi32, #tpu.memory_space<hbm>>) dst(%arg13 : memref<16xi32, #tpu.memory_space<vmem>>)
      tpu.yield
    }) : () -> ()
    %dma_start3A_47 = arith.constant 0 : i32
    %dma_start3A_48 = arith.constant 0 : i32
    %dma_start3A_49 = tpu.memref_slice %arg4[%dma_start3A_47, %dma_start3A_48] : memref<10000x128xf32, #tpu.memory_space<hbm>> -> memref<10000x128xf32, #tpu.memory_space<hbm>>
    tpu.enqueue_indirect_dma source(%dma_start3A_49 : memref<10000x128xf32, #tpu.memory_space<hbm>>) target(%arg14 : memref<16x128xf32, #tpu.memory_space<vmem>>) offsets(%arg12 : memref<16xi32, #tpu.memory_space<vmem>>) semaphore(%arg18 : memref<!tpu.dma_semaphore, #tpu.memory_space<semaphore_mem>>)
    %dma_wait3A_50 = arith.constant 0 : i32
    %dma_wait3A_51 = arith.constant 0 : i32
    %dma_wait3A_52 = tpu.memref_slice %arg4[%dma_wait3A_50, %dma_wait3A_51] : memref<10000x128xf32, #tpu.memory_space<hbm>> -> memref<10000x128xf32, #tpu.memory_space<hbm>>
    tpu.wait_indirect_dma semaphore(%arg18 : memref<!tpu.dma_semaphore, #tpu.memory_space<semaphore_mem>>) src(%dma_wait3A_52 : memref<10000x128xf32, #tpu.memory_space<hbm>>) dst(%arg14 : memref<16x128xf32, #tpu.memory_space<vmem>>)
    "tpu.region"() ({
      %run_scoped3A = tpu.sem_alloc : memref<!tpu.dma_semaphore, #tpu.memory_space<semaphore_mem>>
      %dma_start3A_54 = arith.constant 0 : i32
      %dma_start3A_55 = arith.constant 0 : i32
      %dma_start3A_56 = tpu.memref_slice %arg15[%dma_start3A_54, %dma_start3A_55] : memref<10240x128xf32, #tpu.memory_space<vmem_shared>> -> memref<10240x128xf32, #tpu.memory_space<vmem_shared>>
      tpu.enqueue_indirect_dma source(%arg14 : memref<16x128xf32, #tpu.memory_space<vmem>>) target(%dma_start3A_56 : memref<10240x128xf32, #tpu.memory_space<vmem_shared>>) offsets(%arg13 : memref<16xi32, #tpu.memory_space<vmem>>) semaphore(%run_scoped3A : memref<!tpu.dma_semaphore, #tpu.memory_space<semaphore_mem>>) {add = true}
      %dma_wait3A_57 = arith.constant 0 : i32
      %dma_wait3A_58 = arith.constant 0 : i32
      %dma_wait3A_59 = tpu.memref_slice %arg15[%dma_wait3A_57, %dma_wait3A_58] : memref<10240x128xf32, #tpu.memory_space<vmem_shared>> -> memref<10240x128xf32, #tpu.memory_space<vmem_shared>>
      tpu.wait_indirect_dma semaphore(%run_scoped3A : memref<!tpu.dma_semaphore, #tpu.memory_space<semaphore_mem>>) src(%arg14 : memref<16x128xf32, #tpu.memory_space<vmem>>) dst(%dma_wait3A_59 : memref<10240x128xf32, #tpu.memory_space<vmem_shared>>)
      tpu.yield
    }) : () -> ()
    %barrier3A_53 = arith.constant 0 : index
    tpu.barrier barrier_id(%barrier3A_53)
    "tpu.region"() ({
      %run_scoped3A = tpu.sem_alloc : memref<!tpu.dma_semaphore, #tpu.memory_space<semaphore_mem>>
      %dma_start3A_54 = arith.constant 0 : i32
      %dma_start3A_55 = tpu.memref_slice %arg5[%arg0, %mul3A_7, %dma_start3A_54] : memref<2x10240x128xf32, #tpu.memory_space<hbm>> -> memref<1x640x128xf32, #tpu.memory_space<hbm>>
      %dma_start3A_56 = tpu.memref_squeeze %dma_start3A_55 : memref<1x640x128xf32, #tpu.memory_space<hbm>> -> memref<640x128xf32, #tpu.memory_space<hbm>>
      %dma_start3A_57 = arith.constant 0 : i32
      %dma_start3A_58 = tpu.memref_slice %arg15[%mul3A_7, %dma_start3A_57] : memref<10240x128xf32, #tpu.memory_space<vmem_shared>> -> memref<640x128xf32, #tpu.memory_space<vmem_shared>>
      tpu.enqueue_dma source(%dma_start3A_58 : memref<640x128xf32, #tpu.memory_space<vmem_shared>>) target(%dma_start3A_56 : memref<640x128xf32, #tpu.memory_space<hbm>>) target_semaphore(%run_scoped3A : memref<!tpu.dma_semaphore, #tpu.memory_space<semaphore_mem>>)
      %dma_wait3A_59 = arith.constant 0 : i32
      %dma_wait3A_60 = tpu.memref_slice %arg5[%arg0, %mul3A_7, %dma_wait3A_59] : memref<2x10240x128xf32, #tpu.memory_space<hbm>> -> memref<1x640x128xf32, #tpu.memory_space<hbm>>
      %dma_wait3A_61 = tpu.memref_squeeze %dma_wait3A_60 : memref<1x640x128xf32, #tpu.memory_space<hbm>> -> memref<640x128xf32, #tpu.memory_space<hbm>>
      %dma_wait3A_62 = arith.constant 0 : i32
      %dma_wait3A_63 = tpu.memref_slice %arg15[%mul3A_7, %dma_wait3A_62] : memref<10240x128xf32, #tpu.memory_space<vmem_shared>> -> memref<640x128xf32, #tpu.memory_space<vmem_shared>>
      tpu.wait_dma2 semaphore(%run_scoped3A : memref<!tpu.dma_semaphore, #tpu.memory_space<semaphore_mem>>) src(%dma_wait3A_63 : memref<640x128xf32, #tpu.memory_space<vmem_shared>>) dst(%dma_wait3A_61 : memref<640x128xf32, #tpu.memory_space<hbm>>)
      tpu.yield
    }) : () -> ()
    return
  }
}

#map = affine_map<(d0, d1) -> (0)>
#map1 = affine_map<(d0, d1) -> (0, 0, 0)>
module attributes {stable_mosaic.version = 14 : i64} {
  func.func @_deg_kernel(%arg0: i32, %arg1: i32, %arg2: memref<320000xi32, #tpu.memory_space<hbm>>, %arg3: memref<2x10240x16xf32, #tpu.memory_space<hbm>>, %arg4: memref<128xi32, #tpu.memory_space<vmem>>, %arg5: memref<128x16xf32, #tpu.memory_space<vmem>>, %arg6: memref<16xi32, #tpu.memory_space<vmem>>, %arg7: memref<10240x16xf32, #tpu.memory_space<vmem_shared>>) attributes {dimension_semantics = [#tpu.dimension_semantics<core_parallel>, #tpu.dimension_semantics<subcore_parallel>], iteration_bounds = array<i64: 2, 16>, scalar_prefetch = 0 : i64, scratch_operands = 4 : i64, tpu.core_type = #tpu.core_type<sc_vector_subcore>, window_params = [{transform_indices = #map}, {transform_indices = #map1}]} {
    %mul3A = arith.constant 2 : i32
    %mul3A_0 = arith.muli %arg1, %mul3A : i32
    %add3A = arith.addi %mul3A_0, %arg0 : i32
    %broadcast_in_dim3A = arith.constant 0.000000e+00 : f32
    %broadcast_in_dim3A_1 = vector.broadcast %broadcast_in_dim3A : f32 to vector<16xf32>
    %scan3A = arith.constant 0 : i32
    %scan3A_2 = arith.constant 128 : i32
    %scan3A_3 = arith.addi %scan3A, %scan3A_2 : i32
    %scan3A_4 = arith.constant 1 : i32
    scf.for %scan3A_35 = %scan3A to %scan3A_3 step %scan3A_4  : i32 {
      %swap3A = arith.index_cast %scan3A_35 : i32 to index
      %swap3A_36 = arith.constant 0 : index
      %swap3A_37 = tpu.vector_load %arg5[%swap3A, %swap3A_36] {strides = array<i32>} : memref<128x16xf32, #tpu.memory_space<vmem>>, vector<1x16xf32>,
      %swap3A_38 = vector.shape_cast %swap3A_37 : vector<1x16xf32> to vector<16xf32>
      %swap3A_39 = vector.shape_cast %broadcast_in_dim3A_1 : vector<16xf32> to vector<1x16xf32>
      tpu.vector_store %arg5[%swap3A, %swap3A_36], %swap3A_39 {strides = array<i32>} : memref<128x16xf32, #tpu.memory_space<vmem>>, vector<1x16xf32>,
    }
    %scan3A_5 = arith.constant 128 : i32
    %mul3A_6 = arith.constant 640 : i32
    %mul3A_7 = arith.muli %arg1, %mul3A_6 : i32
    %add3A_8 = arith.constant 0 : i32
    %add3A_9 = arith.addi %mul3A_7, %add3A_8 : i32
    "tpu.region"() ({
      %run_scoped3A = tpu.sem_alloc : memref<!tpu.dma_semaphore, #tpu.memory_space<semaphore_mem>>
      %dma_start3A = arith.constant 0 : i32
      %dma_start3A_35 = tpu.memref_slice %arg7[%add3A_9, %dma_start3A] : memref<10240x16xf32, #tpu.memory_space<vmem_shared>> -> memref<128x16xf32, #tpu.memory_space<vmem_shared>>
      %dma_start3A_36 = arith.constant 0 : i32
      %dma_start3A_37 = tpu.memref_slice %arg7[%add3A_9, %dma_start3A_36] : memref<10240x16xf32, #tpu.memory_space<vmem_shared>> -> memref<128x16xf32, #tpu.memory_space<vmem_shared>>
      tpu.enqueue_dma source(%arg5 : memref<128x16xf32, #tpu.memory_space<vmem>>) target(%dma_start3A_37 : memref<128x16xf32, #tpu.memory_space<vmem_shared>>) target_semaphore(%run_scoped3A : memref<!tpu.dma_semaphore, #tpu.memory_space<semaphore_mem>>)
      %dma_wait3A = arith.constant 0 : i32
      %dma_wait3A_38 = tpu.memref_slice %arg7[%add3A_9, %dma_wait3A] : memref<10240x16xf32, #tpu.memory_space<vmem_shared>> -> memref<128x16xf32, #tpu.memory_space<vmem_shared>>
      %dma_wait3A_39 = arith.constant 0 : i32
      %dma_wait3A_40 = tpu.memref_slice %arg7[%add3A_9, %dma_wait3A_39] : memref<10240x16xf32, #tpu.memory_space<vmem_shared>> -> memref<128x16xf32, #tpu.memory_space<vmem_shared>>
      tpu.wait_dma2 semaphore(%run_scoped3A : memref<!tpu.dma_semaphore, #tpu.memory_space<semaphore_mem>>) src(%arg5 : memref<128x16xf32, #tpu.memory_space<vmem>>) dst(%dma_wait3A_40 : memref<128x16xf32, #tpu.memory_space<vmem_shared>>)
      tpu.yield
    }) : () -> ()
    %add3A_10 = arith.constant 128 : i32
    %add3A_11 = arith.addi %mul3A_7, %add3A_10 : i32
    "tpu.region"() ({
      %run_scoped3A = tpu.sem_alloc : memref<!tpu.dma_semaphore, #tpu.memory_space<semaphore_mem>>
      %dma_start3A = arith.constant 0 : i32
      %dma_start3A_35 = tpu.memref_slice %arg7[%add3A_11, %dma_start3A] : memref<10240x16xf32, #tpu.memory_space<vmem_shared>> -> memref<128x16xf32, #tpu.memory_space<vmem_shared>>
      %dma_start3A_36 = arith.constant 0 : i32
      %dma_start3A_37 = tpu.memref_slice %arg7[%add3A_11, %dma_start3A_36] : memref<10240x16xf32, #tpu.memory_space<vmem_shared>> -> memref<128x16xf32, #tpu.memory_space<vmem_shared>>
      tpu.enqueue_dma source(%arg5 : memref<128x16xf32, #tpu.memory_space<vmem>>) target(%dma_start3A_37 : memref<128x16xf32, #tpu.memory_space<vmem_shared>>) target_semaphore(%run_scoped3A : memref<!tpu.dma_semaphore, #tpu.memory_space<semaphore_mem>>)
      %dma_wait3A = arith.constant 0 : i32
      %dma_wait3A_38 = tpu.memref_slice %arg7[%add3A_11, %dma_wait3A] : memref<10240x16xf32, #tpu.memory_space<vmem_shared>> -> memref<128x16xf32, #tpu.memory_space<vmem_shared>>
      %dma_wait3A_39 = arith.constant 0 : i32
      %dma_wait3A_40 = tpu.memref_slice %arg7[%add3A_11, %dma_wait3A_39] : memref<10240x16xf32, #tpu.memory_space<vmem_shared>> -> memref<128x16xf32, #tpu.memory_space<vmem_shared>>
      tpu.wait_dma2 semaphore(%run_scoped3A : memref<!tpu.dma_semaphore, #tpu.memory_space<semaphore_mem>>) src(%arg5 : memref<128x16xf32, #tpu.memory_space<vmem>>) dst(%dma_wait3A_40 : memref<128x16xf32, #tpu.memory_space<vmem_shared>>)
      tpu.yield
    }) : () -> ()
    %add3A_12 = arith.constant 256 : i32
    %add3A_13 = arith.addi %mul3A_7, %add3A_12 : i32
    "tpu.region"() ({
      %run_scoped3A = tpu.sem_alloc : memref<!tpu.dma_semaphore, #tpu.memory_space<semaphore_mem>>
      %dma_start3A = arith.constant 0 : i32
      %dma_start3A_35 = tpu.memref_slice %arg7[%add3A_13, %dma_start3A] : memref<10240x16xf32, #tpu.memory_space<vmem_shared>> -> memref<128x16xf32, #tpu.memory_space<vmem_shared>>
      %dma_start3A_36 = arith.constant 0 : i32
      %dma_start3A_37 = tpu.memref_slice %arg7[%add3A_13, %dma_start3A_36] : memref<10240x16xf32, #tpu.memory_space<vmem_shared>> -> memref<128x16xf32, #tpu.memory_space<vmem_shared>>
      tpu.enqueue_dma source(%arg5 : memref<128x16xf32, #tpu.memory_space<vmem>>) target(%dma_start3A_37 : memref<128x16xf32, #tpu.memory_space<vmem_shared>>) target_semaphore(%run_scoped3A : memref<!tpu.dma_semaphore, #tpu.memory_space<semaphore_mem>>)
      %dma_wait3A = arith.constant 0 : i32
      %dma_wait3A_38 = tpu.memref_slice %arg7[%add3A_13, %dma_wait3A] : memref<10240x16xf32, #tpu.memory_space<vmem_shared>> -> memref<128x16xf32, #tpu.memory_space<vmem_shared>>
      %dma_wait3A_39 = arith.constant 0 : i32
      %dma_wait3A_40 = tpu.memref_slice %arg7[%add3A_13, %dma_wait3A_39] : memref<10240x16xf32, #tpu.memory_space<vmem_shared>> -> memref<128x16xf32, #tpu.memory_space<vmem_shared>>
      tpu.wait_dma2 semaphore(%run_scoped3A : memref<!tpu.dma_semaphore, #tpu.memory_space<semaphore_mem>>) src(%arg5 : memref<128x16xf32, #tpu.memory_space<vmem>>) dst(%dma_wait3A_40 : memref<128x16xf32, #tpu.memory_space<vmem_shared>>)
      tpu.yield
    }) : () -> ()
    %add3A_14 = arith.constant 384 : i32
    %add3A_15 = arith.addi %mul3A_7, %add3A_14 : i32
    "tpu.region"() ({
      %run_scoped3A = tpu.sem_alloc : memref<!tpu.dma_semaphore, #tpu.memory_space<semaphore_mem>>
      %dma_start3A = arith.constant 0 : i32
      %dma_start3A_35 = tpu.memref_slice %arg7[%add3A_15, %dma_start3A] : memref<10240x16xf32, #tpu.memory_space<vmem_shared>> -> memref<128x16xf32, #tpu.memory_space<vmem_shared>>
      %dma_start3A_36 = arith.constant 0 : i32
      %dma_start3A_37 = tpu.memref_slice %arg7[%add3A_15, %dma_start3A_36] : memref<10240x16xf32, #tpu.memory_space<vmem_shared>> -> memref<128x16xf32, #tpu.memory_space<vmem_shared>>
      tpu.enqueue_dma source(%arg5 : memref<128x16xf32, #tpu.memory_space<vmem>>) target(%dma_start3A_37 : memref<128x16xf32, #tpu.memory_space<vmem_shared>>) target_semaphore(%run_scoped3A : memref<!tpu.dma_semaphore, #tpu.memory_space<semaphore_mem>>)
      %dma_wait3A = arith.constant 0 : i32
      %dma_wait3A_38 = tpu.memref_slice %arg7[%add3A_15, %dma_wait3A] : memref<10240x16xf32, #tpu.memory_space<vmem_shared>> -> memref<128x16xf32, #tpu.memory_space<vmem_shared>>
      %dma_wait3A_39 = arith.constant 0 : i32
      %dma_wait3A_40 = tpu.memref_slice %arg7[%add3A_15, %dma_wait3A_39] : memref<10240x16xf32, #tpu.memory_space<vmem_shared>> -> memref<128x16xf32, #tpu.memory_space<vmem_shared>>
      tpu.wait_dma2 semaphore(%run_scoped3A : memref<!tpu.dma_semaphore, #tpu.memory_space<semaphore_mem>>) src(%arg5 : memref<128x16xf32, #tpu.memory_space<vmem>>) dst(%dma_wait3A_40 : memref<128x16xf32, #tpu.memory_space<vmem_shared>>)
      tpu.yield
    }) : () -> ()
    %add3A_16 = arith.constant 512 : i32
    %add3A_17 = arith.addi %mul3A_7, %add3A_16 : i32
    "tpu.region"() ({
      %run_scoped3A = tpu.sem_alloc : memref<!tpu.dma_semaphore, #tpu.memory_space<semaphore_mem>>
      %dma_start3A = arith.constant 0 : i32
      %dma_start3A_35 = tpu.memref_slice %arg7[%add3A_17, %dma_start3A] : memref<10240x16xf32, #tpu.memory_space<vmem_shared>> -> memref<128x16xf32, #tpu.memory_space<vmem_shared>>
      %dma_start3A_36 = arith.constant 0 : i32
      %dma_start3A_37 = tpu.memref_slice %arg7[%add3A_17, %dma_start3A_36] : memref<10240x16xf32, #tpu.memory_space<vmem_shared>> -> memref<128x16xf32, #tpu.memory_space<vmem_shared>>
      tpu.enqueue_dma source(%arg5 : memref<128x16xf32, #tpu.memory_space<vmem>>) target(%dma_start3A_37 : memref<128x16xf32, #tpu.memory_space<vmem_shared>>) target_semaphore(%run_scoped3A : memref<!tpu.dma_semaphore, #tpu.memory_space<semaphore_mem>>)
      %dma_wait3A = arith.constant 0 : i32
      %dma_wait3A_38 = tpu.memref_slice %arg7[%add3A_17, %dma_wait3A] : memref<10240x16xf32, #tpu.memory_space<vmem_shared>> -> memref<128x16xf32, #tpu.memory_space<vmem_shared>>
      %dma_wait3A_39 = arith.constant 0 : i32
      %dma_wait3A_40 = tpu.memref_slice %arg7[%add3A_17, %dma_wait3A_39] : memref<10240x16xf32, #tpu.memory_space<vmem_shared>> -> memref<128x16xf32, #tpu.memory_space<vmem_shared>>
      tpu.wait_dma2 semaphore(%run_scoped3A : memref<!tpu.dma_semaphore, #tpu.memory_space<semaphore_mem>>) src(%arg5 : memref<128x16xf32, #tpu.memory_space<vmem>>) dst(%dma_wait3A_40 : memref<128x16xf32, #tpu.memory_space<vmem_shared>>)
      tpu.yield
    }) : () -> ()
    %broadcast_in_dim3A_18 = arith.constant 1.000000e+00 : f32
    %broadcast_in_dim3A_19 = vector.broadcast %broadcast_in_dim3A_18 : f32 to vector<16xf32>
    %scan3A_20 = arith.constant 0 : i32
    %scan3A_21 = arith.constant 128 : i32
    %scan3A_22 = arith.addi %scan3A_20, %scan3A_21 : i32
    %scan3A_23 = arith.constant 1 : i32
    scf.for %scan3A_35 = %scan3A_20 to %scan3A_22 step %scan3A_23  : i32 {
      %swap3A = arith.index_cast %scan3A_35 : i32 to index
      %swap3A_36 = arith.constant 0 : index
      %swap3A_37 = tpu.vector_load %arg5[%swap3A, %swap3A_36] {strides = array<i32>} : memref<128x16xf32, #tpu.memory_space<vmem>>, vector<1x16xf32>,
      %swap3A_38 = vector.shape_cast %swap3A_37 : vector<1x16xf32> to vector<16xf32>
      %swap3A_39 = vector.shape_cast %broadcast_in_dim3A_19 : vector<16xf32> to vector<1x16xf32>
      tpu.vector_store %arg5[%swap3A, %swap3A_36], %swap3A_39 {strides = array<i32>} : memref<128x16xf32, #tpu.memory_space<vmem>>, vector<1x16xf32>,
    }
    %scan3A_24 = arith.constant 128 : i32
    %barrier3A = arith.constant 0 : index
    tpu.barrier barrier_id(%barrier3A)
    %mul3A_25 = arith.constant 10000 : i32
    %mul3A_26 = arith.muli %add3A, %mul3A_25 : i32
    %scan3A_27 = arith.constant 0 : i32
    %scan3A_28 = arith.constant 78 : i32
    %scan3A_29 = arith.addi %scan3A_27, %scan3A_28 : i32
    %scan3A_30 = arith.constant 1 : i32
    scf.for %scan3A_35 = %scan3A_27 to %scan3A_29 step %scan3A_30  : i32 {
      %mul3A_36 = arith.constant 128 : i32
      %mul3A_37 = arith.muli %scan3A_35, %mul3A_36 : i32
      %add3A_38 = arith.addi %mul3A_26, %mul3A_37 : i32
      "tpu.region"() ({
        %run_scoped3A = tpu.sem_alloc : memref<!tpu.dma_semaphore, #tpu.memory_space<semaphore_mem>>
        %dma_start3A = tpu.memref_slice %arg2[%add3A_38] : memref<320000xi32, #tpu.memory_space<hbm>> -> memref<128xi32, #tpu.memory_space<hbm>>
        %dma_start3A_39 = tpu.memref_slice %arg2[%add3A_38] : memref<320000xi32, #tpu.memory_space<hbm>> -> memref<128xi32, #tpu.memory_space<hbm>>
        tpu.enqueue_dma source(%dma_start3A_39 : memref<128xi32, #tpu.memory_space<hbm>>) target(%arg4 : memref<128xi32, #tpu.memory_space<vmem>>) target_semaphore(%run_scoped3A : memref<!tpu.dma_semaphore, #tpu.memory_space<semaphore_mem>>)
        %dma_wait3A = tpu.memref_slice %arg2[%add3A_38] : memref<320000xi32, #tpu.memory_space<hbm>> -> memref<128xi32, #tpu.memory_space<hbm>>
        %dma_wait3A_40 = tpu.memref_slice %arg2[%add3A_38] : memref<320000xi32, #tpu.memory_space<hbm>> -> memref<128xi32, #tpu.memory_space<hbm>>
        tpu.wait_dma2 semaphore(%run_scoped3A : memref<!tpu.dma_semaphore, #tpu.memory_space<semaphore_mem>>) src(%dma_wait3A_40 : memref<128xi32, #tpu.memory_space<hbm>>) dst(%arg4 : memref<128xi32, #tpu.memory_space<vmem>>)
        tpu.yield
      }) : () -> ()
      "tpu.region"() ({
        %run_scoped3A = tpu.sem_alloc : memref<!tpu.dma_semaphore, #tpu.memory_space<semaphore_mem>>
        %dma_start3A = arith.constant 0 : i32
        %dma_start3A_39 = arith.constant 0 : i32
        %dma_start3A_40 = tpu.memref_slice %arg7[%dma_start3A, %dma_start3A_39] : memref<10240x16xf32, #tpu.memory_space<vmem_shared>> -> memref<10240x16xf32, #tpu.memory_space<vmem_shared>>
        tpu.enqueue_indirect_dma source(%arg5 : memref<128x16xf32, #tpu.memory_space<vmem>>) target(%dma_start3A_40 : memref<10240x16xf32, #tpu.memory_space<vmem_shared>>) offsets(%arg4 : memref<128xi32, #tpu.memory_space<vmem>>) semaphore(%run_scoped3A : memref<!tpu.dma_semaphore, #tpu.memory_space<semaphore_mem>>) {add = true}
        %dma_wait3A = arith.constant 0 : i32
        %dma_wait3A_41 = arith.constant 0 : i32
        %dma_wait3A_42 = tpu.memref_slice %arg7[%dma_wait3A, %dma_wait3A_41] : memref<10240x16xf32, #tpu.memory_space<vmem_shared>> -> memref<10240x16xf32, #tpu.memory_space<vmem_shared>>
        tpu.wait_indirect_dma semaphore(%run_scoped3A : memref<!tpu.dma_semaphore, #tpu.memory_space<semaphore_mem>>) src(%arg5 : memref<128x16xf32, #tpu.memory_space<vmem>>) dst(%dma_wait3A_42 : memref<10240x16xf32, #tpu.memory_space<vmem_shared>>)
        tpu.yield
      }) : () -> ()
    }
    %scan3A_31 = arith.constant 78 : i32
    %add3A_32 = arith.constant 9984 : i32
    %add3A_33 = arith.addi %mul3A_26, %add3A_32 : i32
    "tpu.region"() ({
      %run_scoped3A = tpu.sem_alloc : memref<!tpu.dma_semaphore, #tpu.memory_space<semaphore_mem>>
      %dma_start3A = tpu.memref_slice %arg2[%add3A_33] : memref<320000xi32, #tpu.memory_space<hbm>> -> memref<16xi32, #tpu.memory_space<hbm>>
      %dma_start3A_35 = tpu.memref_slice %arg2[%add3A_33] : memref<320000xi32, #tpu.memory_space<hbm>> -> memref<16xi32, #tpu.memory_space<hbm>>
      tpu.enqueue_dma source(%dma_start3A_35 : memref<16xi32, #tpu.memory_space<hbm>>) target(%arg6 : memref<16xi32, #tpu.memory_space<vmem>>) target_semaphore(%run_scoped3A : memref<!tpu.dma_semaphore, #tpu.memory_space<semaphore_mem>>)
      %dma_wait3A = tpu.memref_slice %arg2[%add3A_33] : memref<320000xi32, #tpu.memory_space<hbm>> -> memref<16xi32, #tpu.memory_space<hbm>>
      %dma_wait3A_36 = tpu.memref_slice %arg2[%add3A_33] : memref<320000xi32, #tpu.memory_space<hbm>> -> memref<16xi32, #tpu.memory_space<hbm>>
      tpu.wait_dma2 semaphore(%run_scoped3A : memref<!tpu.dma_semaphore, #tpu.memory_space<semaphore_mem>>) src(%dma_wait3A_36 : memref<16xi32, #tpu.memory_space<hbm>>) dst(%arg6 : memref<16xi32, #tpu.memory_space<vmem>>)
      tpu.yield
    }) : () -> ()
    "tpu.region"() ({
      %run_scoped3A = tpu.sem_alloc : memref<!tpu.dma_semaphore, #tpu.memory_space<semaphore_mem>>
      %dma_start3A = arith.constant 0 : i32
      %dma_start3A_35 = arith.constant 0 : i32
      %dma_start3A_36 = tpu.memref_slice %arg5[%dma_start3A, %dma_start3A_35] : memref<128x16xf32, #tpu.memory_space<vmem>> -> memref<16x16xf32, #tpu.memory_space<vmem>>
      %dma_start3A_37 = arith.constant 0 : i32
      %dma_start3A_38 = arith.constant 0 : i32
      %dma_start3A_39 = tpu.memref_slice %arg7[%dma_start3A_37, %dma_start3A_38] : memref<10240x16xf32, #tpu.memory_space<vmem_shared>> -> memref<10240x16xf32, #tpu.memory_space<vmem_shared>>
      tpu.enqueue_indirect_dma source(%dma_start3A_36 : memref<16x16xf32, #tpu.memory_space<vmem>>) target(%dma_start3A_39 : memref<10240x16xf32, #tpu.memory_space<vmem_shared>>) offsets(%arg6 : memref<16xi32, #tpu.memory_space<vmem>>) semaphore(%run_scoped3A : memref<!tpu.dma_semaphore, #tpu.memory_space<semaphore_mem>>) {add = true}
      %dma_wait3A = arith.constant 0 : i32
      %dma_wait3A_40 = arith.constant 0 : i32
      %dma_wait3A_41 = tpu.memref_slice %arg5[%dma_wait3A, %dma_wait3A_40] : memref<128x16xf32, #tpu.memory_space<vmem>> -> memref<16x16xf32, #tpu.memory_space<vmem>>
      %dma_wait3A_42 = arith.constant 0 : i32
      %dma_wait3A_43 = arith.constant 0 : i32
      %dma_wait3A_44 = tpu.memref_slice %arg7[%dma_wait3A_42, %dma_wait3A_43] : memref<10240x16xf32, #tpu.memory_space<vmem_shared>> -> memref<10240x16xf32, #tpu.memory_space<vmem_shared>>
      tpu.wait_indirect_dma semaphore(%run_scoped3A : memref<!tpu.dma_semaphore, #tpu.memory_space<semaphore_mem>>) src(%dma_wait3A_41 : memref<16x16xf32, #tpu.memory_space<vmem>>) dst(%dma_wait3A_44 : memref<10240x16xf32, #tpu.memory_space<vmem_shared>>)
      tpu.yield
    }) : () -> ()
    %barrier3A_34 = arith.constant 0 : index
    tpu.barrier barrier_id(%barrier3A_34)
    "tpu.region"() ({
      %run_scoped3A = tpu.sem_alloc : memref<!tpu.dma_semaphore, #tpu.memory_space<semaphore_mem>>
      %dma_start3A = arith.constant 0 : i32
      %dma_start3A_35 = tpu.memref_slice %arg3[%arg0, %mul3A_7, %dma_start3A] : memref<2x10240x16xf32, #tpu.memory_space<hbm>> -> memref<1x640x16xf32, #tpu.memory_space<hbm>>
      %dma_start3A_36 = tpu.memref_squeeze %dma_start3A_35 : memref<1x640x16xf32, #tpu.memory_space<hbm>> -> memref<640x16xf32, #tpu.memory_space<hbm>>
      %dma_start3A_37 = arith.constant 0 : i32
      %dma_start3A_38 = tpu.memref_slice %arg7[%mul3A_7, %dma_start3A_37] : memref<10240x16xf32, #tpu.memory_space<vmem_shared>> -> memref<640x16xf32, #tpu.memory_space<vmem_shared>>
      tpu.enqueue_dma source(%dma_start3A_38 : memref<640x16xf32, #tpu.memory_space<vmem_shared>>) target(%dma_start3A_36 : memref<640x16xf32, #tpu.memory_space<hbm>>) target_semaphore(%run_scoped3A : memref<!tpu.dma_semaphore, #tpu.memory_space<semaphore_mem>>)
      %dma_wait3A = arith.constant 0 : i32
      %dma_wait3A_39 = tpu.memref_slice %arg3[%arg0, %mul3A_7, %dma_wait3A] : memref<2x10240x16xf32, #tpu.memory_space<hbm>> -> memref<1x640x16xf32, #tpu.memory_space<hbm>>
      %dma_wait3A_40 = tpu.memref_squeeze %dma_wait3A_39 : memref<1x640x16xf32, #tpu.memory_space<hbm>> -> memref<640x16xf32, #tpu.memory_space<hbm>>
      %dma_wait3A_41 = arith.constant 0 : i32
      %dma_wait3A_42 = tpu.memref_slice %arg7[%mul3A_7, %dma_wait3A_41] : memref<10240x16xf32, #tpu.memory_space<vmem_shared>> -> memref<640x16xf32, #tpu.memory_space<vmem_shared>>
      tpu.wait_dma2 semaphore(%run_scoped3A : memref<!tpu.dma_semaphore, #tpu.memory_space<semaphore_mem>>) src(%dma_wait3A_42 : memref<640x16xf32, #tpu.memory_space<vmem_shared>>) dst(%dma_wait3A_40 : memref<640x16xf32, #tpu.memory_space<hbm>>)
      tpu.yield
    }) : () -> ()
    return
  }
}

module attributes {stable_mosaic.version = 14 : i64} {
  func.func @_pre1_body(%arg0: i32, %arg1: memref<1000x32xf32, #tpu.memory_space<vmem>>, %arg2: memref<1000x128xf32, #tpu.memory_space<vmem>>, %arg3: memref<128x128xf32, #tpu.memory_space<vmem>>, %arg4: memref<1000x128xf32, #tpu.memory_space<vmem>>, %arg5: memref<1000x1xf32, #tpu.memory_space<vmem>>) attributes {dimension_semantics = [#tpu.dimension_semantics<arbitrary>], iteration_bounds = array<i64: 10>, scalar_prefetch = 0 : i64, scratch_operands = 0 : i64, tpu.core_type = #tpu.core_type<tc>, window_params = [{transform_indices = @transform_0, window_bounds = array<i64: 1000, 32>}, {transform_indices = @transform_1, window_bounds = array<i64: 1000, 128>}, {pipeline_mode = #tpu.pipeline_mode<synchronous>, transform_indices = @transform_2, window_bounds = array<i64: 128, 128>}, {transform_indices = @transform_3, window_bounds = array<i64: 1000, 128>}, {transform_indices = @transform_4, window_bounds = array<i64: 1000, 1>}]} {
    %get3A = arith.constant 0 : index
    %get3A_0 = arith.constant 0 : index
    %get3A_1 = vector.load %arg1[%get3A, %get3A_0] : memref<1000x32xf32, #tpu.memory_space<vmem>>, vector<1000x32xf32>
    %reduce_sum3A = arith.constant dense<0.000000e+00> : vector<1000xf32>
    %reduce_sum3A_2 = vector.multi_reduction <add>, %get3A_1, %reduce_sum3A [1] : vector<1000x32xf32> to vector<1000xf32>
    %mul3A = arith.constant 6.250000e-02 : f32
    %mul3A_3 = vector.broadcast %mul3A : f32 to vector<1000xf32>
    %mul3A_4 = arith.mulf %reduce_sum3A_2, %mul3A_3 : vector<1000xf32>
    %add3A = arith.constant 1.000000e+00 : f32
    %add3A_5 = vector.broadcast %add3A : f32 to vector<1000xf32>
    %add3A_6 = arith.addf %mul3A_4, %add3A_5 : vector<1000xf32>
    %rsqrt3A = math.rsqrt %add3A_6 : vector<1000xf32>
    %get3A_7 = arith.constant 0 : index
    %get3A_8 = arith.constant 0 : index
    %get3A_9 = vector.load %arg2[%get3A_7, %get3A_8] : memref<1000x128xf32, #tpu.memory_space<vmem>>, vector<1000x128xf32>
    %get3A_10 = arith.constant 0 : index
    %get3A_11 = arith.constant 0 : index
    %get3A_12 = vector.load %arg3[%get3A_10, %get3A_11] : memref<128x128xf32, #tpu.memory_space<vmem>>, vector<128x128xf32>
    %dot_general3A = arith.constant dense<0.000000e+00> : vector<1000x128xf32>
    %dot_general3A_13 = tpu.matmul %get3A_9, %get3A_12, %dot_general3A {dimension_numbers = #tpu.dot_dimension_numbers<[1], [0], [0], [1], [0, 0, 1, 1], [], []>, transpose_lhs_hint = false} : vector<1000x128xf32>, vector<128x128xf32>, vector<1000x128xf32> -> vector<1000x128xf32>
    %broadcast_in_dim3A = vector.shape_cast %rsqrt3A : vector<1000xf32> to vector<1000x1xf32>
    %mul3A_14 = vector.broadcast %broadcast_in_dim3A : vector<1000x1xf32> to vector<1000x128xf32>
    %mul3A_15 = arith.mulf %mul3A_14, %dot_general3A_13 : vector<1000x128xf32>
    %swap3A = arith.constant 0 : index
    %swap3A_16 = arith.constant 0 : index
    %swap3A_17 = vector.load %arg4[%swap3A, %swap3A_16] : memref<1000x128xf32, #tpu.memory_space<vmem>>, vector<1000x128xf32>
    tpu.vector_store %arg4[%swap3A, %swap3A_16], %mul3A_15 {strides = array<i32>} : memref<1000x128xf32, #tpu.memory_space<vmem>>, vector<1000x128xf32>,
    %broadcast_in_dim3A_18 = vector.shape_cast %rsqrt3A : vector<1000xf32> to vector<1000x1xf32>
    %swap3A_19 = arith.constant 0 : index
    %swap3A_20 = arith.constant 0 : index
    %swap3A_21 = vector.load %arg5[%swap3A_19, %swap3A_20] : memref<1000x1xf32, #tpu.memory_space<vmem>>, vector<1000x1xf32>
    tpu.vector_store %arg5[%swap3A_19, %swap3A_20], %broadcast_in_dim3A_18 {strides = array<i32>} : memref<1000x1xf32, #tpu.memory_space<vmem>>, vector<1000x1xf32>,
    return
  }
  func.func @transform_0(%arg0: i32) -> (i32, i32) {
    %c0_i32 = arith.constant 0 : i32
    %c0_i32_0 = arith.constant 0 : i32
    return %arg0, %c0_i32 : i32, i32
  }
  func.func @transform_1(%arg0: i32) -> (i32, i32) {
    %c0_i32 = arith.constant 0 : i32
    %c0_i32_0 = arith.constant 0 : i32
    return %arg0, %c0_i32 : i32, i32
  }
  func.func @transform_2(%arg0: i32) -> (i32, i32) {
    %c0_i32 = arith.constant 0 : i32
    %c0_i32_0 = arith.constant 0 : i32
    %c0_i32_1 = arith.constant 0 : i32
    return %c0_i32, %c0_i32_0 : i32, i32
  }
  func.func @transform_3(%arg0: i32) -> (i32, i32) {
    %c0_i32 = arith.constant 0 : i32
    %c0_i32_0 = arith.constant 0 : i32
    return %arg0, %c0_i32 : i32, i32
  }
  func.func @transform_4(%arg0: i32) -> (i32, i32) {
    %c0_i32 = arith.constant 0 : i32
    %c0_i32_0 = arith.constant 0 : i32
    return %arg0, %c0_i32 : i32, i32
  }
}

module attributes {stable_mosaic.version = 14 : i64} {
  func.func @_trans_body(%arg0: i32, %arg1: memref<2x1000x128xf32, #tpu.memory_space<vmem>>, %arg2: memref<1000x128xf32, #tpu.memory_space<vmem>>, %arg3: memref<1000x1xf32, #tpu.memory_space<vmem>>, %arg4: memref<1x128xf32, #tpu.memory_space<vmem>>, %arg5: memref<128x128xf32, #tpu.memory_space<vmem>>, %arg6: memref<1000x128xf32, #tpu.memory_space<vmem>>) attributes {dimension_semantics = [#tpu.dimension_semantics<arbitrary>], iteration_bounds = array<i64: 10>, scalar_prefetch = 0 : i64, scratch_operands = 0 : i64, tpu.core_type = #tpu.core_type<tc>, window_params = [{transform_indices = @transform_0, window_bounds = array<i64: 2, 1000, 128>}, {transform_indices = @transform_1, window_bounds = array<i64: 1000, 128>}, {transform_indices = @transform_2, window_bounds = array<i64: 1000, 1>}, {pipeline_mode = #tpu.pipeline_mode<synchronous>, transform_indices = @transform_3, window_bounds = array<i64: 1, 128>}, {pipeline_mode = #tpu.pipeline_mode<synchronous>, transform_indices = @transform_4, window_bounds = array<i64: 128, 128>}, {transform_indices = @transform_5, window_bounds = array<i64: 1000, 128>}]} {
    %get3A = arith.constant 0 : index
    %get3A_0 = arith.constant 0 : index
    %get3A_1 = arith.constant 0 : index
    %get3A_2 = vector.load %arg1[%get3A, %get3A_0, %get3A_1] : memref<2x1000x128xf32, #tpu.memory_space<vmem>>, vector<1x1000x128xf32>
    %get3A_3 = vector.shape_cast %get3A_2 : vector<1x1000x128xf32> to vector<1000x128xf32>
    %get3A_4 = arith.constant 1 : index
    %get3A_5 = arith.constant 0 : index
    %get3A_6 = arith.constant 0 : index
    %get3A_7 = vector.load %arg1[%get3A_4, %get3A_5, %get3A_6] : memref<2x1000x128xf32, #tpu.memory_space<vmem>>, vector<1x1000x128xf32>
    %get3A_8 = vector.shape_cast %get3A_7 : vector<1x1000x128xf32> to vector<1000x128xf32>
    %add3A = arith.addf %get3A_3, %get3A_8 : vector<1000x128xf32>
    %get3A_9 = arith.constant 0 : index
    %get3A_10 = arith.constant 0 : index
    %get3A_11 = vector.load %arg2[%get3A_9, %get3A_10] : memref<1000x128xf32, #tpu.memory_space<vmem>>, vector<1000x128xf32>
    %add3A_12 = arith.addf %add3A, %get3A_11 : vector<1000x128xf32>
    %get3A_13 = arith.constant 0 : index
    %get3A_14 = arith.constant 0 : index
    %get3A_15 = vector.load %arg3[%get3A_13, %get3A_14] : memref<1000x1xf32, #tpu.memory_space<vmem>>, vector<1000x1xf32>
    %mul3A = vector.broadcast %get3A_15 : vector<1000x1xf32> to vector<1000x128xf32>
    %mul3A_16 = arith.mulf %mul3A, %add3A_12 : vector<1000x128xf32>
    %get3A_17 = arith.constant 0 : index
    %get3A_18 = arith.constant 0 : index
    %get3A_19 = vector.load %arg4[%get3A_17, %get3A_18] : memref<1x128xf32, #tpu.memory_space<vmem>>, vector<1x128xf32>
    %add3A_20 = vector.broadcast %get3A_19 : vector<1x128xf32> to vector<1000x128xf32>
    %add3A_21 = arith.addf %mul3A_16, %add3A_20 : vector<1000x128xf32>
    %tanh3A = math.tanh %add3A_21 : vector<1000x128xf32>
    %get3A_22 = arith.constant 0 : index
    %get3A_23 = arith.constant 0 : index
    %get3A_24 = vector.load %arg3[%get3A_22, %get3A_23] : memref<1000x1xf32, #tpu.memory_space<vmem>>, vector<1000x1xf32>
    %get3A_25 = arith.constant 0 : index
    %get3A_26 = arith.constant 0 : index
    %get3A_27 = vector.load %arg5[%get3A_25, %get3A_26] : memref<128x128xf32, #tpu.memory_space<vmem>>, vector<128x128xf32>
    %dot_general3A = arith.constant dense<0.000000e+00> : vector<1000x128xf32>
    %dot_general3A_28 = tpu.matmul %tanh3A, %get3A_27, %dot_general3A {dimension_numbers = #tpu.dot_dimension_numbers<[1], [0], [0], [1], [0, 0, 1, 1], [], []>, transpose_lhs_hint = false} : vector<1000x128xf32>, vector<128x128xf32>, vector<1000x128xf32> -> vector<1000x128xf32>
    %mul3A_29 = vector.broadcast %get3A_24 : vector<1000x1xf32> to vector<1000x128xf32>
    %mul3A_30 = arith.mulf %mul3A_29, %dot_general3A_28 : vector<1000x128xf32>
    %swap3A = arith.constant 0 : index
    %swap3A_31 = arith.constant 0 : index
    %swap3A_32 = vector.load %arg6[%swap3A, %swap3A_31] : memref<1000x128xf32, #tpu.memory_space<vmem>>, vector<1000x128xf32>
    tpu.vector_store %arg6[%swap3A, %swap3A_31], %mul3A_30 {strides = array<i32>} : memref<1000x128xf32, #tpu.memory_space<vmem>>, vector<1000x128xf32>,
    return
  }
  func.func @transform_0(%arg0: i32) -> (i32, i32, i32) {
    %c0_i32 = arith.constant 0 : i32
    %c0_i32_0 = arith.constant 0 : i32
    %c0_i32_1 = arith.constant 0 : i32
    return %c0_i32, %arg0, %c0_i32_0 : i32, i32, i32
  }
  func.func @transform_1(%arg0: i32) -> (i32, i32) {
    %c0_i32 = arith.constant 0 : i32
    %c0_i32_0 = arith.constant 0 : i32
    return %arg0, %c0_i32 : i32, i32
  }
  func.func @transform_2(%arg0: i32) -> (i32, i32) {
    %c0_i32 = arith.constant 0 : i32
    %c0_i32_0 = arith.constant 0 : i32
    return %arg0, %c0_i32 : i32, i32
  }
  func.func @transform_3(%arg0: i32) -> (i32, i32) {
    %c0_i32 = arith.constant 0 : i32
    %c0_i32_0 = arith.constant 0 : i32
    %c0_i32_1 = arith.constant 0 : i32
    return %c0_i32, %c0_i32_0 : i32, i32
  }
  func.func @transform_4(%arg0: i32) -> (i32, i32) {
    %c0_i32 = arith.constant 0 : i32
    %c0_i32_0 = arith.constant 0 : i32
    %c0_i32_1 = arith.constant 0 : i32
    return %c0_i32, %c0_i32_0 : i32, i32
  }
  func.func @transform_5(%arg0: i32) -> (i32, i32) {
    %c0_i32 = arith.constant 0 : i32
    %c0_i32_0 = arith.constant 0 : i32
    return %arg0, %c0_i32 : i32, i32
  }
}

module attributes {stable_mosaic.version = 14 : i64} {
  func.func @_final_body(%arg0: i32, %arg1: memref<2x1000x128xf32, #tpu.memory_space<vmem>>, %arg2: memref<1000x128xf32, #tpu.memory_space<vmem>>, %arg3: memref<1000x1xf32, #tpu.memory_space<vmem>>, %arg4: memref<1x128xf32, #tpu.memory_space<vmem>>, %arg5: memref<1x1x1000xi32, #tpu.memory_space<vmem>>, %arg6: memref<128x1xf32, #tpu.memory_space<vmem>>, %arg7: memref<1x1xf32, #tpu.memory_space<vmem>>, %arg8: memref<64x1xf32, #tpu.memory_space<vmem>>, %arg9: memref<64x128xf32, #tpu.memory_space<vmem>>, %arg10: memref<64x1xf32, #tpu.memory_space<vmem>>) attributes {dimension_semantics = [#tpu.dimension_semantics<arbitrary>], iteration_bounds = array<i64: 10>, scalar_prefetch = 0 : i64, scratch_operands = 2 : i64, tpu.core_type = #tpu.core_type<tc>, window_params = [{transform_indices = @transform_0, window_bounds = array<i64: 2, 1000, 128>}, {transform_indices = @transform_1, window_bounds = array<i64: 1000, 128>}, {transform_indices = @transform_2, window_bounds = array<i64: 1000, 1>}, {pipeline_mode = #tpu.pipeline_mode<synchronous>, transform_indices = @transform_3, window_bounds = array<i64: 1, 128>}, {transform_indices = @transform_4, window_bounds = array<i64: 1, 1, 1000>}, {pipeline_mode = #tpu.pipeline_mode<synchronous>, transform_indices = @transform_5, window_bounds = array<i64: 128, 1>}, {pipeline_mode = #tpu.pipeline_mode<synchronous>, transform_indices = @transform_6, window_bounds = array<i64: 1, 1>}, {pipeline_mode = #tpu.pipeline_mode<synchronous>, transform_indices = @transform_7, window_bounds = array<i64: 64, 1>}]} {
    %eq3A = arith.constant 0 : i32
    %eq3A_0 = arith.cmpi eq, %arg0, %eq3A : i32
    %convert_element_type3A = arith.extui %eq3A_0 : i1 to i32
    %cond3A = arith.constant 0 : i32
    %cond3A_1 = arith.cmpi ne, %convert_element_type3A, %cond3A : i32
    scf.if %cond3A_1 {
      %broadcast_in_dim3A_53 = arith.constant 0.000000e+00 : f32
      %broadcast_in_dim3A_54 = vector.broadcast %broadcast_in_dim3A_53 : f32 to vector<64x128xf32>
      %swap3A_55 = arith.constant 0 : index
      %swap3A_56 = arith.constant 0 : index
      %swap3A_57 = vector.load %arg9[%swap3A_55, %swap3A_56] : memref<64x128xf32, #tpu.memory_space<vmem>>, vector<64x128xf32>
      tpu.vector_store %arg9[%swap3A_55, %swap3A_56], %broadcast_in_dim3A_54 {strides = array<i32>} : memref<64x128xf32, #tpu.memory_space<vmem>>, vector<64x128xf32>,
      %broadcast_in_dim3A_58 = arith.constant 0.000000e+00 : f32
      %broadcast_in_dim3A_59 = vector.broadcast %broadcast_in_dim3A_58 : f32 to vector<64x1xf32>
      %swap3A_60 = arith.constant 0 : index
      %swap3A_61 = arith.constant 0 : index
      %swap3A_62 = vector.load %arg10[%swap3A_60, %swap3A_61] : memref<64x1xf32, #tpu.memory_space<vmem>>, vector<64x1xf32>
      tpu.vector_store %arg10[%swap3A_60, %swap3A_61], %broadcast_in_dim3A_59 {strides = array<i32>} : memref<64x1xf32, #tpu.memory_space<vmem>>, vector<64x1xf32>,
    } else {
    }
    %get3A = arith.constant 0 : index
    %get3A_2 = arith.constant 0 : index
    %get3A_3 = arith.constant 0 : index
    %get3A_4 = vector.load %arg1[%get3A, %get3A_2, %get3A_3] : memref<2x1000x128xf32, #tpu.memory_space<vmem>>, vector<1x1000x128xf32>
    %get3A_5 = vector.shape_cast %get3A_4 : vector<1x1000x128xf32> to vector<1000x128xf32>
    %get3A_6 = arith.constant 1 : index
    %get3A_7 = arith.constant 0 : index
    %get3A_8 = arith.constant 0 : index
    %get3A_9 = vector.load %arg1[%get3A_6, %get3A_7, %get3A_8] : memref<2x1000x128xf32, #tpu.memory_space<vmem>>, vector<1x1000x128xf32>
    %get3A_10 = vector.shape_cast %get3A_9 : vector<1x1000x128xf32> to vector<1000x128xf32>
    %add3A = arith.addf %get3A_5, %get3A_10 : vector<1000x128xf32>
    %get3A_11 = arith.constant 0 : index
    %get3A_12 = arith.constant 0 : index
    %get3A_13 = vector.load %arg2[%get3A_11, %get3A_12] : memref<1000x128xf32, #tpu.memory_space<vmem>>, vector<1000x128xf32>
    %add3A_14 = arith.addf %add3A, %get3A_13 : vector<1000x128xf32>
    %get3A_15 = arith.constant 0 : index
    %get3A_16 = arith.constant 0 : index
    %get3A_17 = vector.load %arg3[%get3A_15, %get3A_16] : memref<1000x1xf32, #tpu.memory_space<vmem>>, vector<1000x1xf32>
    %mul3A = vector.broadcast %get3A_17 : vector<1000x1xf32> to vector<1000x128xf32>
    %mul3A_18 = arith.mulf %mul3A, %add3A_14 : vector<1000x128xf32>
    %get3A_19 = arith.constant 0 : index
    %get3A_20 = arith.constant 0 : index
    %get3A_21 = vector.load %arg4[%get3A_19, %get3A_20] : memref<1x128xf32, #tpu.memory_space<vmem>>, vector<1x128xf32>
    %add3A_22 = vector.broadcast %get3A_21 : vector<1x128xf32> to vector<1000x128xf32>
    %add3A_23 = arith.addf %mul3A_18, %add3A_22 : vector<1000x128xf32>
    %get3A_24 = arith.constant 0 : index
    %get3A_25 = arith.constant 0 : index
    %get3A_26 = arith.constant 0 : index
    %get3A_27 = vector.load %arg5[%get3A_24, %get3A_25, %get3A_26] : memref<1x1x1000xi32, #tpu.memory_space<vmem>>, vector<1x1x1000xi32>
    %reshape3A = vector.shape_cast %get3A_27 : vector<1x1x1000xi32> to vector<1x1000xi32>
    %iota3A = tpu.iota {dimensions = array<i32: 0>} : vector<64x1000xi32>
    %broadcast_in_dim3A = vector.shape_cast %reshape3A : vector<1x1000xi32> to vector<1x1000xi32>
    %broadcast_in_dim3A_28 = vector.broadcast %broadcast_in_dim3A : vector<1x1000xi32> to vector<64x1000xi32>
    %eq3A_29 = arith.cmpi eq, %iota3A, %broadcast_in_dim3A_28 : vector<64x1000xi32>
    %convert_element_type3A_30 = arith.extui %eq3A_29 : vector<64x1000xi1> to vector<64x1000xi32>
    %convert_element_type3A_31 = arith.sitofp %convert_element_type3A_30 : vector<64x1000xi32> to vector<64x1000xf32>
    %get3A_32 = arith.constant 0 : index
    %get3A_33 = arith.constant 0 : index
    %get3A_34 = vector.load %arg9[%get3A_32, %get3A_33] : memref<64x128xf32, #tpu.memory_space<vmem>>, vector<64x128xf32>
    %dot_general3A = arith.constant dense<0.000000e+00> : vector<64x128xf32>
    %dot_general3A_35 = tpu.matmul %convert_element_type3A_31, %add3A_23, %dot_general3A {dimension_numbers = #tpu.dot_dimension_numbers<[1], [0], [0], [1], [0, 0, 1, 1], [], []>, transpose_lhs_hint = false} : vector<64x1000xf32>, vector<1000x128xf32>, vector<64x128xf32> -> vector<64x128xf32>
    %add3A_36 = arith.addf %get3A_34, %dot_general3A_35 : vector<64x128xf32>
    %swap3A = arith.constant 0 : index
    %swap3A_37 = arith.constant 0 : index
    %swap3A_38 = vector.load %arg9[%swap3A, %swap3A_37] : memref<64x128xf32, #tpu.memory_space<vmem>>, vector<64x128xf32>
    tpu.vector_store %arg9[%swap3A, %swap3A_37], %add3A_36 {strides = array<i32>} : memref<64x128xf32, #tpu.memory_space<vmem>>, vector<64x128xf32>,
    %get3A_39 = arith.constant 0 : index
    %get3A_40 = arith.constant 0 : index
    %get3A_41 = vector.load %arg10[%get3A_39, %get3A_40] : memref<64x1xf32, #tpu.memory_space<vmem>>, vector<64x1xf32>
    %reduce_sum3A = arith.constant dense<0.000000e+00> : vector<64xf32>
    %reduce_sum3A_42 = vector.multi_reduction <add>, %convert_element_type3A_31, %reduce_sum3A [1] : vector<64x1000xf32> to vector<64xf32>
    %broadcast_in_dim3A_43 = vector.shape_cast %reduce_sum3A_42 : vector<64xf32> to vector<64x1xf32>
    %add3A_44 = arith.addf %get3A_41, %broadcast_in_dim3A_43 : vector<64x1xf32>
    %swap3A_45 = arith.constant 0 : index
    %swap3A_46 = arith.constant 0 : index
    %swap3A_47 = vector.load %arg10[%swap3A_45, %swap3A_46] : memref<64x1xf32, #tpu.memory_space<vmem>>, vector<64x1xf32>
    tpu.vector_store %arg10[%swap3A_45, %swap3A_46], %add3A_44 {strides = array<i32>} : memref<64x1xf32, #tpu.memory_space<vmem>>, vector<64x1xf32>,
    %eq3A_48 = arith.constant 9 : i32
    %eq3A_49 = arith.cmpi eq, %arg0, %eq3A_48 : i32
    %convert_element_type3A_50 = arith.extui %eq3A_49 : i1 to i32
    %cond3A_51 = arith.constant 0 : i32
    %cond3A_52 = arith.cmpi ne, %convert_element_type3A_50, %cond3A_51 : i32
    scf.if %cond3A_52 {
      %get3A_53 = arith.constant 0 : index
      %get3A_54 = arith.constant 0 : index
      %get3A_55 = vector.load %arg10[%get3A_53, %get3A_54] : memref<64x1xf32, #tpu.memory_space<vmem>>, vector<64x1xf32>
      %gt3A = arith.constant 0.000000e+00 : f32
      %gt3A_56 = vector.broadcast %gt3A : f32 to vector<64x1xf32>
      %gt3A_57 = arith.cmpf ogt, %get3A_55, %gt3A_56 : vector<64x1xf32>
      %get3A_58 = arith.constant 0 : index
      %get3A_59 = arith.constant 0 : index
      %get3A_60 = vector.load %arg9[%get3A_58, %get3A_59] : memref<64x128xf32, #tpu.memory_space<vmem>>, vector<64x128xf32>
      %max3A = arith.constant 1.000000e+00 : f32
      %max3A_61 = vector.broadcast %max3A : f32 to vector<64x1xf32>
      %max3A_62 = arith.maximumf %get3A_55, %max3A_61 : vector<64x1xf32>
      %div3A = vector.broadcast %max3A_62 : vector<64x1xf32> to vector<64x128xf32>
      %div3A_63 = arith.divf %get3A_60, %div3A : vector<64x128xf32>
      %jit3A = arith.constant 0.000000e+00 : f32
      %broadcast_in_dim3A_64 = vector.shape_cast %gt3A_57 : vector<64x1xi1> to vector<64x1xi1>
      %broadcast_in_dim3A_65 = vector.broadcast %broadcast_in_dim3A_64 : vector<64x1xi1> to vector<64x128xi1>
      %broadcast_in_dim3A_66 = vector.broadcast %jit3A : f32 to vector<64x128xf32>
      %select_n3A = arith.select %broadcast_in_dim3A_65, %div3A_63, %broadcast_in_dim3A_66 : vector<64x128xi1>, vector<64x128xf32>
      %get3A_67 = arith.constant 0 : index
      %get3A_68 = arith.constant 0 : index
      %get3A_69 = vector.load %arg6[%get3A_67, %get3A_68] : memref<128x1xf32, #tpu.memory_space<vmem>>, vector<128x1xf32>
      %dot_general3A_70 = arith.constant dense<0.000000e+00> : vector<64x1xf32>
      %dot_general3A_71 = tpu.matmul %select_n3A, %get3A_69, %dot_general3A_70 {dimension_numbers = #tpu.dot_dimension_numbers<[1], [0], [0], [1], [0, 0, 1, 1], [], []>, transpose_lhs_hint = false} : vector<64x128xf32>, vector<128x1xf32>, vector<64x1xf32> -> vector<64x1xf32>
      %get3A_72 = arith.constant 0 : index
      %get3A_73 = arith.constant 0 : index
      %get3A_74 = vector.load %arg7[%get3A_72, %get3A_73] : memref<1x1xf32, #tpu.memory_space<vmem>>, vector<1x1xf32>
      %add3A_75 = vector.broadcast %get3A_74 : vector<1x1xf32> to vector<64x1xf32>
      %add3A_76 = arith.addf %dot_general3A_71, %add3A_75 : vector<64x1xf32>
      %swap3A_77 = arith.constant 0 : index
      %swap3A_78 = arith.constant 0 : index
      %swap3A_79 = vector.load %arg8[%swap3A_77, %swap3A_78] : memref<64x1xf32, #tpu.memory_space<vmem>>, vector<64x1xf32>
      tpu.vector_store %arg8[%swap3A_77, %swap3A_78], %add3A_76 {strides = array<i32>} : memref<64x1xf32, #tpu.memory_space<vmem>>, vector<64x1xf32>,
    } else {
    }
    return
  }
  func.func @transform_0(%arg0: i32) -> (i32, i32, i32) {
    %c0_i32 = arith.constant 0 : i32
    %c0_i32_0 = arith.constant 0 : i32
    %c0_i32_1 = arith.constant 0 : i32
    return %c0_i32, %arg0, %c0_i32_0 : i32, i32, i32
  }
  func.func @transform_1(%arg0: i32) -> (i32, i32) {
    %c0_i32 = arith.constant 0 : i32
    %c0_i32_0 = arith.constant 0 : i32
    return %arg0, %c0_i32 : i32, i32
  }
  func.func @transform_2(%arg0: i32) -> (i32, i32) {
    %c0_i32 = arith.constant 0 : i32
    %c0_i32_0 = arith.constant 0 : i32
    return %arg0, %c0_i32 : i32, i32
  }
  func.func @transform_3(%arg0: i32) -> (i32, i32) {
    %c0_i32 = arith.constant 0 : i32
    %c0_i32_0 = arith.constant 0 : i32
    %c0_i32_1 = arith.constant 0 : i32
    return %c0_i32, %c0_i32_0 : i32, i32
  }
  func.func @transform_4(%arg0: i32) -> (i32, i32, i32) {
    %c0_i32 = arith.constant 0 : i32
    %c0_i32_0 = arith.constant 0 : i32
    %c0_i32_1 = arith.constant 0 : i32
    return %arg0, %c0_i32, %c0_i32_0 : i32, i32, i32
  }
  func.func @transform_5(%arg0: i32) -> (i32, i32) {
    %c0_i32 = arith.constant 0 : i32
    %c0_i32_0 = arith.constant 0 : i32
    %c0_i32_1 = arith.constant 0 : i32
    return %c0_i32, %c0_i32_0 : i32, i32
  }
  func.func @transform_6(%arg0: i32) -> (i32, i32) {
    %c0_i32 = arith.constant 0 : i32
    %c0_i32_0 = arith.constant 0 : i32
    %c0_i32_1 = arith.constant 0 : i32
    return %c0_i32, %c0_i32_0 : i32, i32
  }
  func.func @transform_7(%arg0: i32) -> (i32, i32) {
    %c0_i32 = arith.constant 0 : i32
    %c0_i32_0 = arith.constant 0 : i32
    %c0_i32_1 = arith.constant 0 : i32
    return %c0_i32, %c0_i32_0 : i32, i32
  }
}

</mosaic_0001>

<sc_bundles>
// kernel: kernel.10.cloned.1.call-start
scs
__scs_entry_jumppad:
0x0: {  	(pc) =	sbr.rel $0x88, $3  }
0x1: {  	(tag) =	ssettag $0x0;
	lr =	simm.s32 $0x1  }
0x2: {  	[smem:$0x3F96] =	sst lr;
	_ =	strace $0xD0000000  }
0x3: {  	_ = 	snop  }
0x4: {  	_ = 	snop  }
0x5: {  	_ = 	snop  }
0x6: {  	_ = 	snop  }
0x7: {  	_ = 	snop  }
__scs_overlays_trampoline_lowered:
0x8: {  	[smem:$0x3FA5] =	sst s0  }
0x9: {  	[smem:$0x3FA6] =	sst s1  }
0xa: {  	[smem:$0x3FA7] =	sst s2  }
0xb: {  	[smem:$0x3FA8] =	sst s3  }
0xc: {  	[smem:$0x3FA9] =	sst s4  }
0xd: {  	[smem:$0x3FAA] =	sst s5  }
0xe: {  	[smem:$0x3FAB] =	sst s6  }
0xf: {  	[smem:$0x3FAC] =	sst s7  }
0x10: {  	[smem:$0x3FAD] =	sst s8  }
0x11: {  	[smem:$0x3FAE] =	sst s9;
	s0 =	simm.s32 @!p0 $0x0  }
0x12: {  	s1 =	sld [smem:$0x3F94];
	s0 =	simm.s32 @p0 $0x1  }
0x13: {  	[smem:$0x3FAF] =	sst s0;
	s0 =	simm.s32 @!p1 $0x0  }
0x14: {  	s2 =	sld [smem:$0x3F93];
	s0 =	simm.s32 @p1 $0x1  }
0x15: {  	[smem:$0x3FB0] =	sst s0;
	s0 =	simm.s32 @!p2 $0x0  }
0x16: {  	s3 =	sld [smem:$0x3FDB];
	s0 =	simm.s32 @p2 $0x1  }
0x17: {  	s4 =	simm.s32 $0x1BF5;
	[smem:$0x3FB2] =	sst s0  }
0x18: {  	s0 =	sld [smem:$0x3F95];
	_ =	swait.ge [sflag:s4], $0x0  }
0x19: {  	s7 =	sld [smem:$0x3F96]  }
0x1a: {  	s8 =	sadd.s32 $0xFFFFE003, lr  }
0x1b: {  	s9 =	sadd.s32 $0xFFFFFEF7, lr;
	s5 =	simm.s32 $0xFFFFFFFF;
	p2 =	slt.u32 s8, $0xFFFFF086  }
0x1c: {  	p1 =	slt.u32 s9, $0xF7A;
	s5 =	simm.s32 @!p2 $0x0  }
0x1d: {  	s5 =	simm.s32 @p1 $0x1;
	p0 =	seq.s32 s7, s2  }
0x1e: {  	s7 =	smul.u32 @!p0 $0xF7A, s2;
	p2 =	seq.s32 @!p0 s5, $0x0  }
0x1f: {  	s9 =	smul.u32 $0xF7A, s1;
	s8 =	simm.s32 @!p0 $0x1BF5;
	p2 =	por !p2, p0  }
0x20: {  	[sflag:s8] =	ssyncset.s32 @!p0 $0xFFFFF086;
	s6 =	sadd.s32 @!p0 s3, s7;
	s7 =	simm.s32 @!p0 $0x108  }
0x21: {  	s3 =	sadd.s32 s3, s9;
	s6 =	sadd.s32 @!p0 $0x88, s6;
	s7 =	simm.s32 @p2 $0x1082  }
0x22: {  	[simem:s7], [sflag:s8] =	dma.local @!p0 [hbm:s6], $0xF7A  }
0x23: {  	s9 =	sor.u32 $0xD0000000, s2;
	s6 =	simm.s32 $0x108;
	_ =	swait.ge @!p0 [sflag:s8], $0x0  }
0x24: {  	s3 =	sadd.s32 $0x88, s3;
	s6 =	simm.s32 @!p1 $0x1082;
	[sflag:s4] =	ssyncset.s32 $0xFFFFF086  }
0x25: {  	[simem:s6], [sflag:s4] =	dma.local [hbm:s3], $0xF7A  }
0x26: {  	[smem:$0x3F96] =	sst s1;
	(tag) =	ssettag s2;
	_ =	strace s9  }
0x27: {  	s1 =	sld [smem:$0x3FA6]  }
0x28: {  	s2 =	sld [smem:$0x3FA7]  }
0x29: {  	s4 =	sld [smem:$0x3FA9]  }
0x2a: {  	p0 =	seq.s32 s5, $0x0;
	s5 =	sld [smem:$0x3FAA]  }
0x2b: {  	s6 =	sld [smem:$0x3FAB]  }
0x2c: {  	s7 =	sld [smem:$0x3FAC]  }
0x2d: {  	s3 =	simm.s32 $0x108;
	s8 =	sld [smem:$0x3FAD]  }
0x2e: {  	s3 =	simm.s32 @!p0 $0x1082;
	s9 =	sld [smem:$0x3FAE]  }
0x2f: {  	lr =	sadd.s32 s0, s3;
	s0 =	sld [smem:$0x3FA5]  }
0x30: {  	s3 =	sld [smem:$0x3FA8]  }
0x31: {  	[smem:$0x3FB1] =	sst s10  }
0x32: {  	s10 =	sld [smem:$0x3FAF];
	_ =	sdelay $0x3  }
0x33: {  	p0 =	seq.s32 s10, $0x1;
	s10 =	sld [smem:$0x3FB1];
	_ =	sdelay $0x3  }
0x34: {  	[smem:$0x3FB1] =	sst s10  }
0x35: {  	s10 =	sld [smem:$0x3FB0];
	_ =	sdelay $0x3  }
0x36: {  	p1 =	seq.s32 s10, $0x1;
	s10 =	sld [smem:$0x3FB1];
	_ =	sdelay $0x3  }
0x37: {  	[smem:$0x3FB1] =	sst s10  }
0x38: {  	s10 =	sld [smem:$0x3FB2]  }
0x39: {  	_ = 	snop;
	(pc) =	sbr.ind lr, $3  }
0x3a: {  	_ = 	snop  }
0x3b: {  	_ = 	snop  }
0x3c: {  	p2 =	seq.s32 s10, $0x1;
	s10 =	sld [smem:$0x3FB1]  }
0x3d: {  	_ =	shalt  }
0x3e: {  	_ =	shalt  }
0x3f: {  	_ =	shalt  }
0x40: {  	_ =	shalt  }
0x41: {  	_ =	shalt  }
0x42: {  	_ =	shalt  }
0x43: {  	_ =	shalt  }
0x44: {  	_ =	shalt  }
0x45: {  	_ =	shalt  }
0x46: {  	_ =	shalt  }
0x47: {  	_ =	shalt  }
0x48: {  	_ =	shalt  }
0x49: {  	_ =	shalt  }
0x4a: {  	_ =	shalt  }
0x4b: {  	_ =	shalt  }
0x4c: {  	_ =	shalt  }
0x4d: {  	_ =	shalt  }
0x4e: {  	_ =	shalt  }
0x4f: {  	_ =	shalt  }
0x50: {  	_ =	shalt  }
0x51: {  	_ =	shalt  }
0x52: {  	_ =	shalt  }
0x53: {  	_ =	shalt  }
0x54: {  	_ =	shalt  }
0x55: {  	_ =	shalt  }
0x56: {  	_ =	shalt  }
0x57: {  	_ =	shalt  }
0x58: {  	_ =	shalt  }
0x59: {  	_ =	shalt  }
0x5a: {  	_ =	shalt  }
0x5b: {  	_ =	shalt  }
0x5c: {  	_ =	shalt  }
0x5d: {  	_ =	shalt  }
0x5e: {  	_ =	shalt  }
0x5f: {  	_ =	shalt  }
0x60: {  	_ =	shalt  }
0x61: {  	_ =	shalt  }
0x62: {  	_ =	shalt  }
0x63: {  	_ =	shalt  }
0x64: {  	_ =	shalt  }
0x65: {  	_ =	shalt  }
0x66: {  	_ =	shalt  }
0x67: {  	_ =	shalt  }
0x68: {  	_ =	shalt  }
0x69: {  	_ =	shalt  }
0x6a: {  	_ =	shalt  }
0x6b: {  	_ =	shalt  }
0x6c: {  	_ =	shalt  }
0x6d: {  	_ =	shalt  }
0x6e: {  	_ =	shalt  }
0x6f: {  	_ =	shalt  }
0x70: {  	_ =	shalt  }
0x71: {  	_ =	shalt  }
0x72: {  	_ =	shalt  }
0x73: {  	_ =	shalt  }
0x74: {  	_ =	shalt  }
0x75: {  	_ =	shalt  }
0x76: {  	_ =	shalt  }
0x77: {  	_ =	shalt  }
0x78: {  	_ =	shalt  }
0x79: {  	_ =	shalt  }
0x7a: {  	_ =	shalt  }
0x7b: {  	_ =	shalt  }
0x7c: {  	_ =	shalt  }
0x7d: {  	_ =	shalt  }
0x7e: {  	_ =	shalt  }
0x7f: {  	_ =	shalt  }
0x80: {  	_ =	shalt  }
0x81: {  	_ =	shalt  }
0x82: {  	_ =	shalt  }
0x83: {  	_ =	shalt  }
0x84: {  	_ =	shalt  }
0x85: {  	_ =	shalt  }
0x86: {  	_ =	shalt  }
0x87: {  	_ =	shalt  }
.Lfunc_end0:
.L_simem_size_0:
called_computation_lowered:
.L_overlay_start_0:
0x88: {  	s2 =	sld [smem:$0x3FD9]  }
0x89: {  	s3 =	sld [smem:$0x3FFE];
	_ =	sdelay $0x1  }
0x8a: {  	s1 =	srdreg.scid  }
0x8b: {  	s0 =	sand.u32 $0x1, s1  }
0x8c: {  	s16 =	sshll.u32 s0, $0xA;
	s2 =	sadd.s32 s3, s2  }
0x8d: {  	s2 =	sadd.s32 s2, s16  }
0x8e: {  	[smem:$0x3FBD] =	sst s2  }
0x8f: {  	_ = 	snop  }
0x90: {  	(tm) =	ssettm $0x1  }
0x91: {  	s17 =	sld [smem:$0x3FFB];
	_ =	sdelay $0x3  }
0x92: {  	_ =	strace s17  }
0x93: {  	s2 =	sld [smem:$0x3FFC];
	_ =	sdelay $0x3  }
0x94: {  	_ =	strace s2  }
0x95: {  	s2 =	sld [smem:$0x3FFD];
	_ =	sdelay $0x3  }
0x96: {  	_ =	strace s2  }
0x97: {  	_ =	strace $0x8FFFFFFF  }
0x98: {  	s18 =	sld [smem:$0x3FDB];
	_ =	sdelay $0x1  }
0x99: {  	s19 =	simm.s32 $_scs_section_size  }
0x9a: {  	s4 =	simm.s32 $_size__tile_overlayer_lowered;
	s5 =	simm.s32 $_tile_overlayer_lowered  }
0x9b: {  	s22 =	simm.s32 $0x1BFF;
	s21 =	sshll.u32 s5, $0x1;
	s2 =	sadd.s32 s19, s18  }
0x9c: {  	s6 =	simm.s32 $0x0;
	s20 =	sshll.u32 s4, $0x1;
	s4 =	sadd.s32 s21, s2  }
0x9d: {  	[timem:s6], [sflag:s22] =	dma.local [hbm:s4], s20  }
0x9e: {  	_ =	swait.ge [sflag:s22], s20  }
0x9f: {  	s3 =	ssub.s32 $0x0, s20;
	[sflag:s22] =	ssyncset.done $0x0  }
0xa0: {  	[sflag:s22] =	ssyncadd.s32 s3;
	_ =	sdelay $0x1  }
0xa1: {  	s23 =	simm.s32 $0x1B8B  }
0xa2: {  	_ =	swait.ge [sflag:s23], $0x1  }
0xa3: {  	[sflag:s23] =	ssyncset.done $0x0  }
0xa4: {  	s25 =	simm.s32 $0x1B8E;
	s24 =	sld [smem:$0x3FFE];
	[sflag:s23] =	ssyncadd.s32 $0xFFFFFFFF  }
0xa5: {  	s26 =	simm.s32 $execute0_lowered;
	[smem:$0x3FD2] =	sst s25  }
0xa6: {  	s4 =	sshll.u32 s26, $0x1;
	_ =	strace $0x80000046;
	[dreg:$0x1] =	wrdreg $0xFFFFFFFF  }
0xa7: {  	s28 =	simm.s32 $_size_execute0_lowered;
	s2 =	sadd.s32 s2, s4;
	[dreg:$0x0] =	wrdreg $0x0  }
0xa8: {  	s4 =	sshll.u32 s28, $0x1;
	[dreg:$0x2] =	wrdreg s2  }
0xa9: {  	[dreg:$0x3] =	wrdreg s4  }
0xaa: {  	[dreg:$0x4] =	wrdreg $0xC0  }
0xab: {  	_ =	task [dreg:s6], $0x5FFFF  }
0xac: {  	[dreg:$0x1] =	wrdreg $0xFFFFFFFF  }
0xad: {  	[dreg:$0x0] =	wrdreg $0x60  }
0xae: {  	[dreg:$0x2] =	wrdreg s24  }
0xaf: {  	[dreg:$0x3] =	wrdreg $0x41000  }
0xb0: {  	[dreg:$0x4] =	wrdreg $0x9  }
0xb1: {  	_ =	task.clear_ibuf [dreg:s6], $0x5FFFF;
	_ =	strace $0x90000046  }
0xb2: {  	s29 =	simm.s32 $0x9;
	_ =	strace $0x80000048  }
0xb3: {  	_ =	swait.ge [sflag:s29], $0x1  }
0xb4: {  	[sflag:s29] =	ssyncadd.s32 $0xFFFFFFFF  }
0xb5: {  	_ =	strace $0x90000048  }
0xb6: {  	_ =	sfence  }
0xb7: {  	s30 =	sld [smem:$0x0];
	_ =	sdelay $0x2  }
0xb8: {  	s31 =	sshll.u32 s1, $0xD;
	s1 =	sshrl.u32 s1, $0x2  }
0xb9: {  	s3 =	sand.u32 $0x4000, s31;
	s1 =	sadd.s32 s1, s30  }
0xba: {  	s0 =	sor.u32 s3, s0;
	s1 =	sshll.u32 s1, $0x11  }
0xbb: {  	s0 =	sor.u32 s1, s0  }
0xbc: {  	s0 =	sadd.s32 $0x8F2B, s0  }
0xbd: {  	[sflag:s0] =	ssyncadd.remote.s32 $0x1  }
0xbe: {  	_ =	sfence.sel $0xFFFF  }
0xbf: {  	[dreg:$0x0] =	wrdreg $0xFFFFFFFF;
	(pc) =	sbr.abs _section_cstart, $3  }
0xc0: {  	[dreg:$0x1] =	wrdreg $0xFFFFFFFF  }
0xc1: {  	_ =	task.clear_ibuf [dreg:s6], $0x2FFFF;
	_ =	strace $0x9FFFFFFF  }
0xc2: {  	(tm) =	ssettm $0x7FFFFFFF  }
0xc3: {  	_ =	shalt  }
tec
execute0_lowered:
.L_overlay_start_1:
0x0: {  	(tag) =	ssettag $0x1  }
0x1: {  	s4 =	rddreg [dreg:$0x0];
	s0 =	srdreg.scid  }
0x2: {  	s2 =	rddreg [dreg:$0x1];
	s1 =	stileid.u32  }
0x3: {  	s3 =	simm.s32 $0x0;
	s15 =	simm.s32 $0x4080;
	s16 =	simm.s32 $0x10  }
0x4: {  	s6 =	sand.u32 $0x1, s0;
	s0 =	rddreg [dreg:$0x2];
	s7 =	smul.u32 $0x14000, s1  }
0x5: {  	s19 =	simm.s32 $0x0;
	[smem:$0x7FF] =	sst s3;
	s8 =	smul.u32 $0x50000, s1  }
0x6: {  	s12 =	sadd.s32 $0x3000, s4;
	s26 =	sshll.u32 s1, $0x1;
	s13 =	smul.u32 $0x4E20, s1  }
0x7: {  	s17 =	sshll.u32 s1, $0x6;
	s5 =	smul.u32 $0x140000, s6;
	_ =	strace $0x80000047  }
0x8: {  	s28 =	ssub.s32 $0x2, s6;
	s29 =	sor.u32 s6, s26;
	s14 =	smul.u32 $0x2710, s6  }
0x9: {  	s17 =	sor.u32 $0x1C01, s17;
	s30 =	sshrl.u32 s28, $0x1;
	s8 =	sshrl.u32 s8, $0x2  }
0xa: {  	s9 =	smul.u32 $0x2710, s29;
	s5 =	sadd.s32 s7, s5;
	s11 =	ssub.s32 s28, s30  }
0xb: {  	s13 =	sadd.s32 s14, s13;
	s14 =	simm.s32 $0x1;
	s5 =	sshrl.u32 s5, $0x3  }
0xc: {  	s31 =	sshrl.u32 s9, $0x3;
	s11 =	smax.u32 s11, $0x1;
	s13 =	sshrl.u32 s13, $0x3  }
0xd: {  	s10 =	sadd.s32 s5, s4;
	s4 =	sadd.s32 s8, s2;
	s9 =	sadd.s32 s12, s31  }
0xe: {  	s12 =	sadd.s32 s13, s12;
	s13 =	simm.s32 $0x80;
	s5 =	sadd.s32 $0x4000, s4  }
0xf: {  	s6 =	sadd.s32 $0x8000, s4;
	s7 =	sadd.s32 $0xC000, s4;
	s8 =	sadd.s32 $0x10000, s4  }
0x10: {  	v0 =	vimm.f32 $0.0e+00;
	v1 =	vimm.f32 $1.000000000e+00;
	s9 =	sadd.s32 $0x4E0, s9;
	s10 =	sadd.s32 $0x16C00, s10;
	s18 =	sshrl.u32 s4, $0x3  }
.LBB2_1:
0x11: {  	s20 =	simm.s32 $0x200;
	s21 =	simm.s32 $0x0  }
.LBB2_2:
0x12: {  	p0 =	sne.s32 s20, $0xFE00;
	[tilespmem:s21+$0x80] =	vst v0;
	s21 =	smov.u32 s20;
	s20 =	sadd.s32 $0x200, s20  }
.Ltmp0:
0x13: {  	(pc) =	sbr.rel @p0 .LBB2_2-.Ltmp0, $2  }
0x14: {  	_ =	sdelay $0x2  }
0x15: {  	s21 =	sshra.s32 s21, $0x2  }
0x16: {  	[tilespmem:s21+$0x80] =	vst v0  }
0x17: {  	[spmem:s4] =	stream.linear.scatter [tilespmem:s13], [sflag:$0x1], $0x4000, $0x38;
	[tilespmem:$0x6900] =	vst v63  }
0x18: {  	_ =	swait.ge [sflag:s14], $0x4000  }
0x19: {  	[sflag:s14] =	ssyncset.done $0x0  }
0x1a: {  	[sflag:s14] =	ssyncadd.s32 $0xFFFFC000  }
0x1b: {  	[spmem:s5] =	stream.linear.scatter [tilespmem:s13], [sflag:$0x1], $0x4000, $0x38;
	[tilespmem:$0x6900] =	vst v63  }
0x1c: {  	_ =	swait.ge [sflag:s14], $0x4000  }
0x1d: {  	[sflag:s14] =	ssyncset.done $0x0  }
0x1e: {  	[sflag:s14] =	ssyncadd.s32 $0xFFFFC000  }
0x1f: {  	[spmem:s6] =	stream.linear.scatter [tilespmem:s13], [sflag:$0x1], $0x4000, $0x38;
	[tilespmem:$0x6900] =	vst v63  }
0x20: {  	_ =	swait.ge [sflag:s14], $0x4000  }
0x21: {  	[sflag:s14] =	ssyncset.done $0x0  }
0x22: {  	[sflag:s14] =	ssyncadd.s32 $0xFFFFC000  }
0x23: {  	[spmem:s7] =	stream.linear.scatter [tilespmem:s13], [sflag:$0x1], $0x4000, $0x38;
	[tilespmem:$0x6900] =	vst v63  }
0x24: {  	_ =	swait.ge [sflag:s14], $0x4000  }
0x25: {  	[sflag:s14] =	ssyncset.done $0x0  }
0x26: {  	[sflag:s14] =	ssyncadd.s32 $0xFFFFC000  }
0x27: {  	[spmem:s8] =	stream.linear.scatter [tilespmem:s13], [sflag:$0x1], $0x4000, $0x38;
	[tilespmem:$0x6900] =	vst v63  }
0x28: {  	_ =	swait.ge [sflag:s14], $0x4000  }
0x29: {  	[sflag:s14] =	ssyncset.done $0x0  }
0x2a: {  	s20 =	simm.s32 $0x200;
	s21 =	simm.s32 $0x0;
	[sflag:s14] =	ssyncadd.s32 $0xFFFFC000  }
.LBB2_4:
0x2b: {  	p0 =	sne.s32 s20, $0xFE00;
	[tilespmem:s21+$0x80] =	vst v1;
	s21 =	smov.u32 s20;
	s20 =	sadd.s32 $0x200, s20  }
.Ltmp1:
0x2c: {  	(pc) =	sbr.rel @p0 .LBB2_4-.Ltmp1, $2  }
0x2d: {  	_ =	sdelay $0x2  }
0x2e: {  	s21 =	sshra.s32 s21, $0x2  }
0x2f: {  	[tilespmem:s21+$0x80] =	vst v1  }
0x30: {  	s20 =	sadd.s32 $0x0, s12;
	[bflag:$0x0] =	sbarrier.arrive $0xFFFF  }
0x31: {  	[tilespmem:s3], [sflag:$0x1] =	stream.linear.gather [hbm4b:s20+s3], $0x80, $0x38;
	[tilespmem:$0x6900] =	vst v63  }
0x32: {  	_ =	swait.ge [sflag:s14], $0x80  }
0x33: {  	[sflag:s14] =	ssyncset.done $0x0  }
0x34: {  	[sflag:s14] =	ssyncadd.s32 $0xFFFFFF80  }
0x35: {  	[spmem:s2] =	stream.indirect.scatter.add.f32 [tilespmem:s13], [sflag:$0x1], $0x10, s3, s13, $0xb8;
	[tilespmem:$0x6900] =	vst v63  }
0x36: {  	_ =	swait.ge [sflag:s14], $0x800  }
0x37: {  	s21 =	simm.s32 $0x20;
	s20 =	simm.s32 $0x10;
	[sflag:s14] =	ssyncset.done $0x0  }
.LBB2_6:
0x38: {  	s22 =	sadd.s32 s20, s12  }
0x39: {  	[sflag:s14] =	ssyncadd.s32 $0xFFFFF800;
	s20 =	smov.u32 s21;
	s23 =	sadd.s32 $0x10, s21  }
0x3a: {  	[tilespmem:s3], [sflag:$0x1] =	stream.linear.gather [hbm4b:s22+s3], $0x80, $0x38;
	[tilespmem:$0x6900] =	vst v63  }
0x3b: {  	p0 =	sne.s32 s21, $0x4D0;
	_ =	swait.ge [sflag:s14], $0x80  }
.Ltmp2:
0x3c: {  	[sflag:s14] =	ssyncset.done $0x0;
	(pc) =	sbr.rel @p0 .LBB2_6-.Ltmp2, $4  }
0x3d: {  	[sflag:s14] =	ssyncadd.s32 $0xFFFFFF80  }
0x3e: {  	[spmem:s2] =	stream.indirect.scatter.add.f32 [tilespmem:s13], [sflag:$0x1], $0x10, s3, s13, $0xb8;
	[tilespmem:$0x6900] =	vst v63  }
0x3f: {  	_ =	swait.ge [sflag:s14], $0x800  }
0x40: {  	s21 =	smov.u32 s23;
	[sflag:s14] =	ssyncset.done $0x0  }
0x41: {  	s20 =	sadd.s32 s20, s12;
	[sflag:s14] =	ssyncadd.s32 $0xFFFFF800  }
0x42: {  	[tilespmem:s3], [sflag:$0x1] =	stream.linear.gather [hbm4b:s20+s3], $0x80, $0x38;
	[tilespmem:$0x6900] =	vst v63  }
0x43: {  	_ =	swait.ge [sflag:s14], $0x80  }
0x44: {  	[sflag:s14] =	ssyncset.done $0x0  }
0x45: {  	[sflag:s14] =	ssyncadd.s32 $0xFFFFFF80  }
0x46: {  	[spmem:s2] =	stream.indirect.scatter.add.f32 [tilespmem:s13], [sflag:$0x1], $0x10, s3, s13, $0xb8;
	[tilespmem:$0x6900] =	vst v63  }
0x47: {  	_ =	swait.ge [sflag:s14], $0x800  }
0x48: {  	[sflag:s14] =	ssyncset.done $0x0  }
0x49: {  	[sflag:s14] =	ssyncadd.s32 $0xFFFFF800  }
0x4a: {  	[tilespmem:s15], [sflag:$0x1] =	stream.linear.gather [hbm4b:s9+s3], $0x10, $0x38;
	[tilespmem:$0x6900] =	vst v63  }
0x4b: {  	_ =	swait.ge [sflag:s14], $0x10  }
0x4c: {  	[sflag:s14] =	ssyncset.done $0x0  }
0x4d: {  	[sflag:s14] =	ssyncadd.s32 $0xFFFFFFF0  }
0x4e: {  	[spmem:s2] =	stream.indirect.scatter.add.f32 [tilespmem:s13], [sflag:$0x1], $0x10, s15, s16, $0xb8;
	[tilespmem:$0x6900] =	vst v63  }
0x4f: {  	_ =	swait.ge [sflag:s14], $0x100  }
0x50: {  	s19 =	sadd.s32 $0x1, s19;
	[sflag:s14] =	ssyncset.done $0x0  }
0x51: {  	p0 =	sne.s32 s19, s11;
	[sflag:s14] =	ssyncadd.s32 $0xFFFFFF00  }
.Ltmp3:
0x52: {  	[bflag:$0x0] =	sbarrier.arrive $0xFFFF;
	(pc) =	sbr.rel @p0 .LBB2_1-.Ltmp3, $4  }
0x53: {  	[hbm:s10], [sflag:s17] =	dma.local [spmem:s18], $0x2800  }
0x54: {  	_ =	swait.ge [sflag:s14], $0x2800  }
0x55: {  	[sflag:s14] =	ssyncset.done $0x0  }
0x56: {  	[sflag:s14] =	ssyncadd.s32 $0xFFFFD800  }
0x57: {  	_ =	sfence.sel $0x180000  }
0x58: {  	[bflag:$0x0] =	sbarrier.arrive $0xFFFF  }
0x59: {  	p0 =	sne.s32 s1, $0x0;
	_ =	strace $0x90000047  }
0x5a: {  	s0 =	sadd.s32 @!p0 $0x100000, s0;
	[bflag:$0x2] =	sbarrier.arrive $0xFFFF  }
0x5b: {  	[sflag:s0] =	ssyncadd.tile.s32 @!p0 $0x1;
	_ =	shalt  }
.Lfunc_end2:
_tile_overlayer_lowered:
.L_overlay_start_2:
0x5c: {  	(tag) =	ssettag $0x2  }
0x5d: {  	s0 =	rddreg [dreg:$0x0];
	s2 =	stileid.u32  }
0x5e: {  	s1 =	rddreg [dreg:$0x1];
	p0 =	sne.s32 s2, $0x0  }
0x5f: {  	s3 =	rddreg [dreg:$0x2];
	[bflag:$0x3] =	sbarrier.arrive $0xFFFF;
	s2 =	simm.s32 @!p0 $0x1C01  }
0x60: {  	[timem:s3], [sflag:s2] =	dma.local @!p0 [hbm:s0], s1  }
0x61: {  	s0 =	simm.s32 @!p0 $0x1  }
0x62: {  	_ =	swait.ge @!p0 [sflag:s0], s1  }
0x63: {  	s1 =	ssub.s32 @!p0 $0x0, s1;
	[sflag:s0] =	ssyncset.done @!p0 $0x0  }
0x64: {  	[sflag:s0] =	ssyncadd.s32 @!p0 s1  }
0x65: {  	[bflag:$0x3] =	sbarrier.arrive $0xFFFF  }
0x66: {  	_ =	shalt  }

// kernel: kernel.13.cloned.1.call-start
scs
__scs_entry_jumppad:
0x0: {  	(pc) =	sbr.rel $0x88, $3  }
0x1: {  	(tag) =	ssettag $0x0;
	lr =	simm.s32 $0x1  }
0x2: {  	[smem:$0x3F96] =	sst lr;
	_ =	strace $0xD0000000  }
0x3: {  	_ = 	snop  }
0x4: {  	_ = 	snop  }
0x5: {  	_ = 	snop  }
0x6: {  	_ = 	snop  }
0x7: {  	_ = 	snop  }
__scs_overlays_trampoline_lowered:
0x8: {  	[smem:$0x3FA5] =	sst s0  }
0x9: {  	[smem:$0x3FA6] =	sst s1  }
0xa: {  	[smem:$0x3FA7] =	sst s2  }
0xb: {  	[smem:$0x3FA8] =	sst s3  }
0xc: {  	[smem:$0x3FA9] =	sst s4  }
0xd: {  	[smem:$0x3FAA] =	sst s5  }
0xe: {  	[smem:$0x3FAB] =	sst s6  }
0xf: {  	[smem:$0x3FAC] =	sst s7  }
0x10: {  	[smem:$0x3FAD] =	sst s8  }
0x11: {  	[smem:$0x3FAE] =	sst s9;
	s0 =	simm.s32 @!p0 $0x0  }
0x12: {  	s1 =	sld [smem:$0x3F94];
	s0 =	simm.s32 @p0 $0x1  }
0x13: {  	[smem:$0x3FAF] =	sst s0;
	s0 =	simm.s32 @!p1 $0x0  }
0x14: {  	s2 =	sld [smem:$0x3F93];
	s0 =	simm.s32 @p1 $0x1  }
0x15: {  	[smem:$0x3FB0] =	sst s0;
	s0 =	simm.s32 @!p2 $0x0  }
0x16: {  	s3 =	sld [smem:$0x3FDB];
	s0 =	simm.s32 @p2 $0x1  }
0x17: {  	s4 =	simm.s32 $0x1BF5;
	[smem:$0x3FB2] =	sst s0  }
0x18: {  	s0 =	sld [smem:$0x3F95];
	_ =	swait.ge [sflag:s4], $0x0  }
0x19: {  	s7 =	sld [smem:$0x3F96]  }
0x1a: {  	s8 =	sadd.s32 $0xFFFFE003, lr  }
0x1b: {  	s9 =	sadd.s32 $0xFFFFFEF7, lr;
	s5 =	simm.s32 $0xFFFFFFFF;
	p2 =	slt.u32 s8, $0xFFFFF086  }
0x1c: {  	p1 =	slt.u32 s9, $0xF7A;
	s5 =	simm.s32 @!p2 $0x0  }
0x1d: {  	s5 =	simm.s32 @p1 $0x1;
	p0 =	seq.s32 s7, s2  }
0x1e: {  	s7 =	smul.u32 @!p0 $0xF7A, s2;
	p2 =	seq.s32 @!p0 s5, $0x0  }
0x1f: {  	s9 =	smul.u32 $0xF7A, s1;
	s8 =	simm.s32 @!p0 $0x1BF5;
	p2 =	por !p2, p0  }
0x20: {  	[sflag:s8] =	ssyncset.s32 @!p0 $0xFFFFF086;
	s6 =	sadd.s32 @!p0 s3, s7;
	s7 =	simm.s32 @!p0 $0x108  }
0x21: {  	s3 =	sadd.s32 s3, s9;
	s6 =	sadd.s32 @!p0 $0x88, s6;
	s7 =	simm.s32 @p2 $0x1082  }
0x22: {  	[simem:s7], [sflag:s8] =	dma.local @!p0 [hbm:s6], $0xF7A  }
0x23: {  	s9 =	sor.u32 $0xD0000000, s2;
	s6 =	simm.s32 $0x108;
	_ =	swait.ge @!p0 [sflag:s8], $0x0  }
0x24: {  	s3 =	sadd.s32 $0x88, s3;
	s6 =	simm.s32 @!p1 $0x1082;
	[sflag:s4] =	ssyncset.s32 $0xFFFFF086  }
0x25: {  	[simem:s6], [sflag:s4] =	dma.local [hbm:s3], $0xF7A  }
0x26: {  	[smem:$0x3F96] =	sst s1;
	(tag) =	ssettag s2;
	_ =	strace s9  }
0x27: {  	s1 =	sld [smem:$0x3FA6]  }
0x28: {  	s2 =	sld [smem:$0x3FA7]  }
0x29: {  	s4 =	sld [smem:$0x3FA9]  }
0x2a: {  	p0 =	seq.s32 s5, $0x0;
	s5 =	sld [smem:$0x3FAA]  }
0x2b: {  	s6 =	sld [smem:$0x3FAB]  }
0x2c: {  	s7 =	sld [smem:$0x3FAC]  }
0x2d: {  	s3 =	simm.s32 $0x108;
	s8 =	sld [smem:$0x3FAD]  }
0x2e: {  	s3 =	simm.s32 @!p0 $0x1082;
	s9 =	sld [smem:$0x3FAE]  }
0x2f: {  	lr =	sadd.s32 s0, s3;
	s0 =	sld [smem:$0x3FA5]  }
0x30: {  	s3 =	sld [smem:$0x3FA8]  }
0x31: {  	[smem:$0x3FB1] =	sst s10  }
0x32: {  	s10 =	sld [smem:$0x3FAF];
	_ =	sdelay $0x3  }
0x33: {  	p0 =	seq.s32 s10, $0x1;
	s10 =	sld [smem:$0x3FB1];
	_ =	sdelay $0x3  }
0x34: {  	[smem:$0x3FB1] =	sst s10  }
0x35: {  	s10 =	sld [smem:$0x3FB0];
	_ =	sdelay $0x3  }
0x36: {  	p1 =	seq.s32 s10, $0x1;
	s10 =	sld [smem:$0x3FB1];
	_ =	sdelay $0x3  }
0x37: {  	[smem:$0x3FB1] =	sst s10  }
0x38: {  	s10 =	sld [smem:$0x3FB2]  }
0x39: {  	_ = 	snop;
	(pc) =	sbr.ind lr, $3  }
0x3a: {  	_ = 	snop  }
0x3b: {  	_ = 	snop  }
0x3c: {  	p2 =	seq.s32 s10, $0x1;
	s10 =	sld [smem:$0x3FB1]  }
0x3d: {  	_ =	shalt  }
0x3e: {  	_ =	shalt  }
0x3f: {  	_ =	shalt  }
0x40: {  	_ =	shalt  }
0x41: {  	_ =	shalt  }
0x42: {  	_ =	shalt  }
0x43: {  	_ =	shalt  }
0x44: {  	_ =	shalt  }
0x45: {  	_ =	shalt  }
0x46: {  	_ =	shalt  }
0x47: {  	_ =	shalt  }
0x48: {  	_ =	shalt  }
0x49: {  	_ =	shalt  }
0x4a: {  	_ =	shalt  }
0x4b: {  	_ =	shalt  }
0x4c: {  	_ =	shalt  }
0x4d: {  	_ =	shalt  }
0x4e: {  	_ =	shalt  }
0x4f: {  	_ =	shalt  }
0x50: {  	_ =	shalt  }
0x51: {  	_ =	shalt  }
0x52: {  	_ =	shalt  }
0x53: {  	_ =	shalt  }
0x54: {  	_ =	shalt  }
0x55: {  	_ =	shalt  }
0x56: {  	_ =	shalt  }
0x57: {  	_ =	shalt  }
0x58: {  	_ =	shalt  }
0x59: {  	_ =	shalt  }
0x5a: {  	_ =	shalt  }
0x5b: {  	_ =	shalt  }
0x5c: {  	_ =	shalt  }
0x5d: {  	_ =	shalt  }
0x5e: {  	_ =	shalt  }
0x5f: {  	_ =	shalt  }
0x60: {  	_ =	shalt  }
0x61: {  	_ =	shalt  }
0x62: {  	_ =	shalt  }
0x63: {  	_ =	shalt  }
0x64: {  	_ =	shalt  }
0x65: {  	_ =	shalt  }
0x66: {  	_ =	shalt  }
0x67: {  	_ =	shalt  }
0x68: {  	_ =	shalt  }
0x69: {  	_ =	shalt  }
0x6a: {  	_ =	shalt  }
0x6b: {  	_ =	shalt  }
0x6c: {  	_ =	shalt  }
0x6d: {  	_ =	shalt  }
0x6e: {  	_ =	shalt  }
0x6f: {  	_ =	shalt  }
0x70: {  	_ =	shalt  }
0x71: {  	_ =	shalt  }
0x72: {  	_ =	shalt  }
0x73: {  	_ =	shalt  }
0x74: {  	_ =	shalt  }
0x75: {  	_ =	shalt  }
0x76: {  	_ =	shalt  }
0x77: {  	_ =	shalt  }
0x78: {  	_ =	shalt  }
0x79: {  	_ =	shalt  }
0x7a: {  	_ =	shalt  }
0x7b: {  	_ =	shalt  }
0x7c: {  	_ =	shalt  }
0x7d: {  	_ =	shalt  }
0x7e: {  	_ =	shalt  }
0x7f: {  	_ =	shalt  }
0x80: {  	_ =	shalt  }
0x81: {  	_ =	shalt  }
0x82: {  	_ =	shalt  }
0x83: {  	_ =	shalt  }
0x84: {  	_ =	shalt  }
0x85: {  	_ =	shalt  }
0x86: {  	_ =	shalt  }
0x87: {  	_ =	shalt  }
.Lfunc_end0:
.L_simem_size_0:
called_computation.1_lowered:
.L_overlay_start_0:
0x88: {  	s2 =	sld [smem:$0x3FD9]  }
0x89: {  	s3 =	sld [smem:$0x3FFE];
	_ =	sdelay $0x1  }
0x8a: {  	s1 =	srdreg.scid  }
0x8b: {  	s0 =	sand.u32 $0x1, s1  }
0x8c: {  	s16 =	sshll.u32 s0, $0xA;
	s2 =	sadd.s32 s3, s2  }
0x8d: {  	s2 =	sadd.s32 s2, s16  }
0x8e: {  	[smem:$0x3FBD] =	sst s2  }
0x8f: {  	_ = 	snop  }
0x90: {  	(tm) =	ssettm $0x1  }
0x91: {  	s17 =	sld [smem:$0x3FFB];
	_ =	sdelay $0x3  }
0x92: {  	_ =	strace s17  }
0x93: {  	s2 =	sld [smem:$0x3FFC];
	_ =	sdelay $0x3  }
0x94: {  	_ =	strace s2  }
0x95: {  	s2 =	sld [smem:$0x3FFD];
	_ =	sdelay $0x3  }
0x96: {  	_ =	strace s2  }
0x97: {  	_ =	strace $0x8FFFFFFF  }
0x98: {  	s18 =	sld [smem:$0x3FDB];
	_ =	sdelay $0x1  }
0x99: {  	s19 =	simm.s32 $_scs_section_size  }
0x9a: {  	s4 =	simm.s32 $_size__tile_overlayer_lowered;
	s5 =	simm.s32 $_tile_overlayer_lowered  }
0x9b: {  	s22 =	simm.s32 $0x1BFF;
	s21 =	sshll.u32 s5, $0x1;
	s2 =	sadd.s32 s19, s18  }
0x9c: {  	s6 =	simm.s32 $0x0;
	s20 =	sshll.u32 s4, $0x1;
	s4 =	sadd.s32 s21, s2  }
0x9d: {  	[timem:s6], [sflag:s22] =	dma.local [hbm:s4], s20  }
0x9e: {  	_ =	swait.ge [sflag:s22], s20  }
0x9f: {  	s3 =	ssub.s32 $0x0, s20;
	[sflag:s22] =	ssyncset.done $0x0  }
0xa0: {  	[sflag:s22] =	ssyncadd.s32 s3;
	_ =	sdelay $0x1  }
0xa1: {  	s23 =	simm.s32 $0x1B8B  }
0xa2: {  	_ =	swait.ge [sflag:s23], $0x1  }
0xa3: {  	[sflag:s23] =	ssyncset.done $0x0  }
0xa4: {  	s25 =	simm.s32 $0x1B8E;
	s24 =	sld [smem:$0x3FFE];
	[sflag:s23] =	ssyncadd.s32 $0xFFFFFFFF  }
0xa5: {  	s26 =	simm.s32 $execute0_lowered;
	[smem:$0x3FD2] =	sst s25  }
0xa6: {  	s4 =	sshll.u32 s26, $0x1;
	_ =	strace $0x80000049;
	[dreg:$0x1] =	wrdreg $0xFFFFFFFF  }
0xa7: {  	s28 =	simm.s32 $_size_execute0_lowered;
	s2 =	sadd.s32 s2, s4;
	[dreg:$0x0] =	wrdreg $0x0  }
0xa8: {  	s4 =	sshll.u32 s28, $0x1;
	[dreg:$0x2] =	wrdreg s2  }
0xa9: {  	[dreg:$0x3] =	wrdreg s4  }
0xaa: {  	[dreg:$0x4] =	wrdreg $0xC0  }
0xab: {  	_ =	task [dreg:s6], $0x5FFFF  }
0xac: {  	[dreg:$0x1] =	wrdreg $0xFFFFFFFF  }
0xad: {  	[dreg:$0x0] =	wrdreg $0x60  }
0xae: {  	[dreg:$0x2] =	wrdreg s24  }
0xaf: {  	[dreg:$0x3] =	wrdreg $0x8B000  }
0xb0: {  	[dreg:$0x4] =	wrdreg $0x9  }
0xb1: {  	_ =	task.clear_ibuf [dreg:s6], $0x5FFFF;
	_ =	strace $0x90000049  }
0xb2: {  	s29 =	simm.s32 $0x9;
	_ =	strace $0x8000004B  }
0xb3: {  	_ =	swait.ge [sflag:s29], $0x1  }
0xb4: {  	[sflag:s29] =	ssyncadd.s32 $0xFFFFFFFF  }
0xb5: {  	_ =	strace $0x9000004B  }
0xb6: {  	_ =	sfence  }
0xb7: {  	s30 =	sld [smem:$0x0];
	_ =	sdelay $0x2  }
0xb8: {  	s31 =	sshll.u32 s1, $0xD;
	s1 =	sshrl.u32 s1, $0x2  }
0xb9: {  	s3 =	sand.u32 $0x4000, s31;
	s1 =	sadd.s32 s1, s30  }
0xba: {  	s0 =	sor.u32 s3, s0;
	s1 =	sshll.u32 s1, $0x11  }
0xbb: {  	s0 =	sor.u32 s1, s0  }
0xbc: {  	s0 =	sadd.s32 $0x8F2B, s0  }
0xbd: {  	[sflag:s0] =	ssyncadd.remote.s32 $0x1  }
0xbe: {  	_ =	sfence.sel $0xFFFF  }
0xbf: {  	[dreg:$0x0] =	wrdreg $0xFFFFFFFF;
	(pc) =	sbr.abs _section_cstart, $3  }
0xc0: {  	[dreg:$0x1] =	wrdreg $0xFFFFFFFF  }
0xc1: {  	_ =	task.clear_ibuf [dreg:s6], $0x2FFFF;
	_ =	strace $0x9FFFFFFF  }
0xc2: {  	(tm) =	ssettm $0x7FFFFFFF  }
0xc3: {  	_ =	shalt  }
tec
execute0_lowered:
.L_overlay_start_1:
0x0: {  	(tag) =	ssettag $0x1  }
0x1: {  	s0 =	rddreg [dreg:$0x0];
	s1 =	srdreg.scid  }
0x2: {  	s2 =	rddreg [dreg:$0x1];
	s11 =	stileid.u32  }
0x3: {  	s3 =	simm.s32 $0x0;
	s28 =	simm.s32 $0x180;
	s29 =	simm.s32 $0x1  }
0x4: {  	s30 =	simm.s32 $0x2;
	s31 =	simm.s32 $0x4200;
	s6 =	smul.u32 $0x14000, s11  }
0x5: {  	s1 =	sand.u32 $0x1, s1;
	[smem:$0x7FF] =	sst s3;
	s8 =	smul.u32 $0x50000, s11  }
0x6: {  	s4 =	sadd.s32 $0xCE00, s0;
	s12 =	sshll.u32 s11, $0x1;
	s19 =	smul.u32 $0x4E20, s11  }
0x7: {  	s5 =	smul.u32 $0x140000, s1;
	_ =	strace $0x8000004A;
	s9 =	ssub.s32 $0x2, s1  }
0x8: {  	s10 =	sor.u32 s1, s12;
	s1 =	smul.u32 $0x2710, s1;
	s13 =	sshrl.u32 s8, $0x2  }
0x9: {  	s14 =	sshrl.u32 s9, $0x1;
	s10 =	smul.u32 $0x2710, s10;
	s6 =	sadd.s32 s6, s5  }
0xa: {  	s5 =	sadd.s32 $0x3000, s0;
	s8 =	ssub.s32 s9, s14;
	s1 =	sadd.s32 s1, s19  }
0xb: {  	s7 =	sshrl.u32 s6, $0x3;
	s6 =	sadd.s32 $0x16C00, s0;
	s18 =	sshrl.u32 s10, $0x3  }
0xc: {  	s25 =	sadd.s32 $0x180, s1;
	s19 =	smax.u32 s8, $0x1;
	s8 =	simm.s32 $0x8200  }
0xd: {  	s10 =	simm.s32 $0x10;
	s0 =	sadd.s32 s7, s0;
	s12 =	sadd.s32 s4, s18  }
0xe: {  	s7 =	sadd.s32 s13, s2;
	s22 =	sadd.s32 s5, s18;
	[dreg:$0x7] =	wrdreg s12  }
0xf: {  	s21 =	sadd.s32 $0x10, s18;
	s15 =	sadd.s32 $0x4000, s7;
	[dreg:$0x8] =	wrdreg s22  }
0x10: {  	s9 =	sadd.s32 $0x4E0, s18;
	s16 =	sadd.s32 $0x8000, s7;
	[dreg:$0x3] =	wrdreg s15  }
0x11: {  	s26 =	sshrl.u32 s25, $0x3;
	s17 =	sadd.s32 $0xC000, s7;
	[dreg:$0x4] =	wrdreg s16  }
0x12: {  	s25 =	simm.s32 $0x100;
	s20 =	sadd.s32 $0x10000, s7;
	[dreg:$0x5] =	wrdreg s17  }
0x13: {  	s23 =	sadd.s32 s4, s21;
	s11 =	sadd.s32 s5, s21;
	[dreg:$0x6] =	wrdreg s20  }
0x14: {  	s24 =	sadd.s32 s4, s9;
	s9 =	sadd.s32 s5, s9;
	[dreg:$0x9] =	wrdreg s23  }
0x15: {  	s18 =	sadd.s32 $0x3DE00, s0;
	s21 =	sadd.s32 s26, s4;
	[dreg:$0xa] =	wrdreg s11  }
0x16: {  	s22 =	sadd.s32 $0x100, s1;
	s0 =	simm.s32 $0x3;
	[dreg:$0xb] =	wrdreg s24  }
0x17: {  	s1 =	simm.s32 $0x4;
	s12 =	simm.s32 $0x0;
	[dreg:$0xc] =	wrdreg s9  }
0x18: {  	s20 =	sadd.s32 s26, s5;
	s23 =	simm.s32 $0x200;
	s24 =	simm.s32 $0x5  }
0x19: {  	v0 =	vimm.f32 $0.0e+00;
	s26 =	simm.s32 $0x80;
	s9 =	simm.s32 $0x8280;
	s11 =	simm.s32 $0x8300  }
.LBB2_1:
0x1a: {  	s13 =	simm.s32 $0x0;
	s14 =	simm.s32 $0x200  }
.LBB2_2:
0x1b: {  	p0 =	sne.s32 s14, $0xFE00;
	[tilespmem:s13+$0x270] =	vst v0  }
0x1c: {  	[tilespmem:s13+$0x200] =	vst v0  }
0x1d: {  	[tilespmem:s13+$0x210] =	vst v0  }
.Ltmp0:
0x1e: {  	[tilespmem:s13+$0x220] =	vst v0;
	(pc) =	sbr.rel @p0 .LBB2_2-.Ltmp0, $4  }
0x1f: {  	[tilespmem:s13+$0x230] =	vst v0  }
0x20: {  	[tilespmem:s13+$0x240] =	vst v0  }
0x21: {  	[tilespmem:s13+$0x250] =	vst v0  }
0x22: {  	[tilespmem:s13+$0x260] =	vst v0;
	s13 =	sshra.s32 s14, $0x2;
	s14 =	sadd.s32 $0x200, s14  }
0x23: {  	[tilespmem:s13+$0x270] =	vst v0  }
0x24: {  	[tilespmem:s13+$0x200] =	vst v0  }
0x25: {  	[tilespmem:s13+$0x210] =	vst v0  }
0x26: {  	[tilespmem:s13+$0x220] =	vst v0  }
0x27: {  	[tilespmem:s13+$0x230] =	vst v0  }
0x28: {  	[tilespmem:s13+$0x240] =	vst v0  }
0x29: {  	[tilespmem:s13+$0x250] =	vst v0  }
0x2a: {  	[tilespmem:s13+$0x260] =	vst v0  }
0x2b: {  	[spmem:s7] =	stream.linear.scatter [tilespmem:s23], [sflag:$0x5], $0x4000, $0x38;
	[tilespmem:$0x1CB00] =	vst v63  }
0x2c: {  	_ =	swait.ge [sflag:s24], $0x4000  }
0x2d: {  	[sflag:s24] =	ssyncset.done $0x0  }
0x2e: {  	s17 =	rddreg [dreg:$0x3];
	[sflag:s24] =	ssyncadd.s32 $0xFFFFC000  }
0x2f: {  	[spmem:s17] =	stream.linear.scatter [tilespmem:s23], [sflag:$0x5], $0x4000, $0x38;
	[tilespmem:$0x1CB00] =	vst v63  }
0x30: {  	_ =	swait.ge [sflag:s24], $0x4000  }
0x31: {  	[sflag:s24] =	ssyncset.done $0x0  }
0x32: {  	s14 =	rddreg [dreg:$0x4];
	[sflag:s24] =	ssyncadd.s32 $0xFFFFC000  }
0x33: {  	[spmem:s14] =	stream.linear.scatter [tilespmem:s23], [sflag:$0x5], $0x4000, $0x38;
	[tilespmem:$0x1CB00] =	vst v63  }
0x34: {  	_ =	swait.ge [sflag:s24], $0x4000  }
0x35: {  	[sflag:s24] =	ssyncset.done $0x0  }
0x36: {  	s15 =	rddreg [dreg:$0x5];
	[sflag:s24] =	ssyncadd.s32 $0xFFFFC000  }
0x37: {  	[spmem:s15] =	stream.linear.scatter [tilespmem:s23], [sflag:$0x5], $0x4000, $0x38;
	[tilespmem:$0x1CB00] =	vst v63  }
0x38: {  	_ =	swait.ge [sflag:s24], $0x4000  }
0x39: {  	[sflag:s24] =	ssyncset.done $0x0  }
0x3a: {  	s16 =	rddreg [dreg:$0x6];
	[sflag:s24] =	ssyncadd.s32 $0xFFFFC000  }
0x3b: {  	[spmem:s16] =	stream.linear.scatter [tilespmem:s23], [sflag:$0x5], $0x4000, $0x38;
	[tilespmem:$0x1CB00] =	vst v63  }
0x3c: {  	_ =	swait.ge [sflag:s24], $0x4000  }
0x3d: {  	[sflag:s24] =	ssyncset.done $0x0  }
0x3e: {  	[sflag:s24] =	ssyncadd.s32 $0xFFFFC000  }
0x3f: {  	[bflag:$0x0] =	sbarrier.arrive $0xFFFF  }
0x40: {  	s13 =	simm.s32 $0x0;
	s14 =	rddreg [dreg:$0x7]  }
0x41: {  	[tilespmem:s13], [sflag:$0x1] =	stream.linear.gather [hbm4b:s14+s13], $0x80, $0x38;
	[tilespmem:$0x1CB00] =	vst v63  }
0x42: {  	s17 =	rddreg [dreg:$0x8]  }
0x43: {  	[tilespmem:s25], [sflag:$0x1] =	stream.linear.gather [hbm4b:s17+s13], $0x80, $0x38;
	[tilespmem:$0x1CB00] =	vst v63  }
0x44: {  	s15 =	rddreg [dreg:$0x9]  }
0x45: {  	[tilespmem:s26], [sflag:$0x2] =	stream.linear.gather [hbm4b:s15+s13], $0x80, $0x38;
	[tilespmem:$0x1CB00] =	vst v63  }
0x46: {  	s16 =	rddreg [dreg:$0xa]  }
0x47: {  	[tilespmem:s28], [sflag:$0x2] =	stream.linear.gather [hbm4b:s16+s13], $0x80, $0x38;
	[tilespmem:$0x1CB00] =	vst v63  }
0x48: {  	_ =	swait.ge [sflag:s29], $0x80  }
0x49: {  	[sflag:s29] =	ssyncset.done $0x0  }
0x4a: {  	[sflag:s29] =	ssyncadd.s32 $0xFFFFFF80  }
0x4b: {  	[tilespmem:s23], [sflag:$0x3] =	stream.indirect.gather [hbm4b:s6+s26], $0x80, s13, s26, $0xb8;
	[tilespmem:$0x1CB00] =	vst v63  }
0x4c: {  	_ =	swait.ge [sflag:s30], $0x80  }
0x4d: {  	[sflag:s30] =	ssyncset.done $0x0  }
0x4e: {  	[sflag:s30] =	ssyncadd.s32 $0xFFFFFF80  }
0x4f: {  	[tilespmem:s31], [sflag:$0x4] =	stream.indirect.gather [hbm4b:s6+s26], $0x80, s26, s26, $0xb8;
	[tilespmem:$0x1CB00] =	vst v63  }
0x50: {  	_ =	swait.ge [sflag:s0], $0x4000  }
0x51: {  	s17 =	sshrl.u32 s22, $0x3;
	[sflag:s0] =	ssyncset.done $0x0  }
0x52: {  	s15 =	sadd.s32 s4, s17;
	[sflag:s0] =	ssyncadd.s32 $0xFFFFC000  }
0x53: {  	[tilespmem:s3], [sflag:$0x1] =	stream.linear.gather [hbm4b:s15+s3], $0x80, $0x38;
	[tilespmem:$0x1CB00] =	vst v63  }
0x54: {  	_ =	swait.ge [sflag:s29], $0x80  }
0x55: {  	[sflag:s29] =	ssyncset.done $0x0  }
0x56: {  	[sflag:s29] =	ssyncadd.s32 $0xFFFFFF80  }
0x57: {  	[spmem:s2] =	stream.indirect.scatter.add.f32 [tilespmem:s23], [sflag:$0x5], $0x80, s25, s26, $0xb8;
	[tilespmem:$0x1CB00] =	vst v63  }
0x58: {  	_ =	swait.ge [sflag:s24], $0x4000  }
0x59: {  	[sflag:s24] =	ssyncset.done $0x0  }
0x5a: {  	s13 =	sadd.s32 s5, s17;
	[sflag:s24] =	ssyncadd.s32 $0xFFFFC000  }
0x5b: {  	[tilespmem:s25], [sflag:$0x1] =	stream.linear.gather [hbm4b:s13+s3], $0x80, $0x38;
	[tilespmem:$0x1CB00] =	vst v63  }
0x5c: {  	_ =	swait.ge [sflag:s1], $0x4000  }
0x5d: {  	[sflag:s1] =	ssyncset.done $0x0  }
0x5e: {  	s16 =	sadd.s32 $0x0, s21;
	[sflag:s1] =	ssyncadd.s32 $0xFFFFC000  }
0x5f: {  	[tilespmem:s26], [sflag:$0x2] =	stream.linear.gather [hbm4b:s16+s3], $0x80, $0x38;
	[tilespmem:$0x1CB00] =	vst v63  }
0x60: {  	_ =	swait.ge [sflag:s30], $0x80  }
0x61: {  	[sflag:s30] =	ssyncset.done $0x0  }
0x62: {  	[sflag:s30] =	ssyncadd.s32 $0xFFFFFF80  }
0x63: {  	[spmem:s2] =	stream.indirect.scatter.add.f32 [tilespmem:s31], [sflag:$0x5], $0x80, s28, s26, $0xb8;
	[tilespmem:$0x1CB00] =	vst v63  }
0x64: {  	_ =	swait.ge [sflag:s24], $0x4000  }
0x65: {  	[sflag:s24] =	ssyncset.done $0x0  }
0x66: {  	s17 =	sadd.s32 $0x0, s20;
	[sflag:s24] =	ssyncadd.s32 $0xFFFFC000  }
0x67: {  	[tilespmem:s28], [sflag:$0x2] =	stream.linear.gather [hbm4b:s17+s3], $0x80, $0x38;
	[tilespmem:$0x1CB00] =	vst v63  }
0x68: {  	_ =	swait.ge [sflag:s29], $0x80  }
0x69: {  	[sflag:s29] =	ssyncset.done $0x0  }
0x6a: {  	[sflag:s29] =	ssyncadd.s32 $0xFFFFFF80  }
0x6b: {  	[tilespmem:s23], [sflag:$0x3] =	stream.indirect.gather [hbm4b:s6+s26], $0x80, s3, s26, $0xb8;
	[tilespmem:$0x1CB00] =	vst v63  }
0x6c: {  	_ =	swait.ge [sflag:s30], $0x80  }
0x6d: {  	[sflag:s30] =	ssyncset.done $0x0  }
0x6e: {  	s14 =	sadd.s32 $0x100, s22;
	s13 =	simm.s32 $0x20;
	[sflag:s30] =	ssyncadd.s32 $0xFFFFFF80  }
.LBB2_4:
0x6f: {  	[tilespmem:s31], [sflag:$0x4] =	stream.indirect.gather [hbm4b:s6+s26], $0x80, s26, s26, $0xb8;
	[tilespmem:$0x1CB00] =	vst v63  }
0x70: {  	s15 =	smov.u32 s13  }
0x71: {  	p0 =	sne.s32 s13, $0x4A0;
	s13 =	sadd.s32 $0x20, s13;
	_ =	swait.ge [sflag:s0], $0x4000  }
0x72: {  	s16 =	sshrl.u32 s14, $0x3;
	[sflag:s0] =	ssyncset.done $0x0  }
0x73: {  	s17 =	sadd.s32 s4, s16;
	[sflag:s0] =	ssyncadd.s32 $0xFFFFC000  }
0x74: {  	[tilespmem:s3], [sflag:$0x1] =	stream.linear.gather [hbm4b:s17+s3], $0x80, $0x38;
	[tilespmem:$0x1CB00] =	vst v63  }
0x75: {  	_ =	swait.ge [sflag:s29], $0x80  }
0x76: {  	[sflag:s29] =	ssyncset.done $0x0  }
0x77: {  	[sflag:s29] =	ssyncadd.s32 $0xFFFFFF80  }
0x78: {  	[spmem:s2] =	stream.indirect.scatter.add.f32 [tilespmem:s23], [sflag:$0x5], $0x80, s25, s26, $0xb8;
	[tilespmem:$0x1CB00] =	vst v63  }
0x79: {  	_ =	swait.ge [sflag:s24], $0x4000  }
0x7a: {  	[sflag:s24] =	ssyncset.done $0x0  }
0x7b: {  	s16 =	sadd.s32 s5, s16;
	[sflag:s24] =	ssyncadd.s32 $0xFFFFC000  }
0x7c: {  	[tilespmem:s25], [sflag:$0x1] =	stream.linear.gather [hbm4b:s16+s3], $0x80, $0x38;
	[tilespmem:$0x1CB00] =	vst v63  }
0x7d: {  	_ =	swait.ge [sflag:s1], $0x4000  }
0x7e: {  	[sflag:s1] =	ssyncset.done $0x0  }
0x7f: {  	s16 =	sadd.s32 s15, s21;
	[sflag:s1] =	ssyncadd.s32 $0xFFFFC000  }
0x80: {  	[tilespmem:s26], [sflag:$0x2] =	stream.linear.gather [hbm4b:s16+s3], $0x80, $0x38;
	[tilespmem:$0x1CB00] =	vst v63  }
0x81: {  	_ =	swait.ge [sflag:s30], $0x80  }
0x82: {  	[sflag:s30] =	ssyncset.done $0x0  }
0x83: {  	[sflag:s30] =	ssyncadd.s32 $0xFFFFFF80  }
0x84: {  	[spmem:s2] =	stream.indirect.scatter.add.f32 [tilespmem:s31], [sflag:$0x5], $0x80, s28, s26, $0xb8;
	[tilespmem:$0x1CB00] =	vst v63  }
0x85: {  	_ =	swait.ge [sflag:s24], $0x4000  }
0x86: {  	[sflag:s24] =	ssyncset.done $0x0  }
0x87: {  	s15 =	sadd.s32 s15, s20;
	[sflag:s24] =	ssyncadd.s32 $0xFFFFC000  }
0x88: {  	[tilespmem:s28], [sflag:$0x2] =	stream.linear.gather [hbm4b:s15+s3], $0x80, $0x38;
	[tilespmem:$0x1CB00] =	vst v63  }
0x89: {  	_ =	swait.ge [sflag:s29], $0x80  }
0x8a: {  	[sflag:s29] =	ssyncset.done $0x0  }
.Ltmp1:
0x8b: {  	[sflag:s29] =	ssyncadd.s32 $0xFFFFFF80;
	(pc) =	sbr.rel @p0 .LBB2_4-.Ltmp1, $4  }
0x8c: {  	[tilespmem:s23], [sflag:$0x3] =	stream.indirect.gather [hbm4b:s6+s26], $0x80, s3, s26, $0xb8;
	[tilespmem:$0x1CB00] =	vst v63  }
0x8d: {  	_ =	swait.ge [sflag:s30], $0x80  }
0x8e: {  	[sflag:s30] =	ssyncset.done $0x0  }
0x8f: {  	s14 =	sadd.s32 $0x100, s14;
	[sflag:s30] =	ssyncadd.s32 $0xFFFFFF80  }
0x90: {  	[tilespmem:s31], [sflag:$0x4] =	stream.indirect.gather [hbm4b:s6+s26], $0x80, s26, s26, $0xb8;
	[tilespmem:$0x1CB00] =	vst v63  }
0x91: {  	_ =	swait.ge [sflag:s0], $0x4000  }
0x92: {  	[sflag:s0] =	ssyncset.done $0x0  }
0x93: {  	[sflag:s0] =	ssyncadd.s32 $0xFFFFC000  }
0x94: {  	_ =	swait.ge [sflag:s29], $0x80  }
0x95: {  	[sflag:s29] =	ssyncset.done $0x0  }
0x96: {  	[sflag:s29] =	ssyncadd.s32 $0xFFFFFF80  }
0x97: {  	[spmem:s2] =	stream.indirect.scatter.add.f32 [tilespmem:s23], [sflag:$0x5], $0x80, s25, s26, $0xb8;
	[tilespmem:$0x1CB00] =	vst v63  }
0x98: {  	_ =	swait.ge [sflag:s24], $0x4000  }
0x99: {  	[sflag:s24] =	ssyncset.done $0x0  }
0x9a: {  	[sflag:s24] =	ssyncadd.s32 $0xFFFFC000  }
0x9b: {  	_ =	swait.ge [sflag:s1], $0x4000  }
0x9c: {  	[sflag:s1] =	ssyncset.done $0x0  }
0x9d: {  	[sflag:s1] =	ssyncadd.s32 $0xFFFFC000  }
0x9e: {  	_ =	swait.ge [sflag:s30], $0x80  }
0x9f: {  	[sflag:s30] =	ssyncset.done $0x0  }
0xa0: {  	[sflag:s30] =	ssyncadd.s32 $0xFFFFFF80  }
0xa1: {  	[spmem:s2] =	stream.indirect.scatter.add.f32 [tilespmem:s31], [sflag:$0x5], $0x80, s28, s26, $0xb8;
	[tilespmem:$0x1CB00] =	vst v63  }
0xa2: {  	_ =	swait.ge [sflag:s24], $0x4000  }
0xa3: {  	[sflag:s24] =	ssyncset.done $0x0  }
0xa4: {  	s13 =	rddreg [dreg:$0xb];
	[sflag:s24] =	ssyncadd.s32 $0xFFFFC000  }
0xa5: {  	[tilespmem:s8], [sflag:$0x5] =	stream.linear.gather [hbm4b:s13+s3], $0x10, $0x38;
	[tilespmem:$0x1CB00] =	vst v63  }
0xa6: {  	_ =	swait.ge [sflag:s24], $0x10  }
0xa7: {  	[sflag:s24] =	ssyncset.done $0x0  }
0xa8: {  	s16 =	rddreg [dreg:$0xc];
	[sflag:s24] =	ssyncadd.s32 $0xFFFFFFF0  }
0xa9: {  	[tilespmem:s9], [sflag:$0x5] =	stream.linear.gather [hbm4b:s16+s3], $0x10, $0x38;
	[tilespmem:$0x1CB00] =	vst v63  }
0xaa: {  	_ =	swait.ge [sflag:s24], $0x10  }
0xab: {  	[sflag:s24] =	ssyncset.done $0x0  }
0xac: {  	[sflag:s24] =	ssyncadd.s32 $0xFFFFFFF0  }
0xad: {  	[tilespmem:s11], [sflag:$0x3] =	stream.indirect.gather [hbm4b:s6+s10], $0x80, s8, s10, $0xb8;
	[tilespmem:$0x1CB00] =	vst v63  }
0xae: {  	_ =	swait.ge [sflag:s0], $0x800  }
0xaf: {  	[sflag:s0] =	ssyncset.done $0x0  }
0xb0: {  	[sflag:s0] =	ssyncadd.s32 $0xFFFFF800  }
0xb1: {  	[spmem:s2] =	stream.indirect.scatter.add.f32 [tilespmem:s11], [sflag:$0x5], $0x80, s9, s10, $0xb8;
	[tilespmem:$0x1CB00] =	vst v63  }
0xb2: {  	s17 =	stileid.u32;
	_ =	swait.ge [sflag:s24], $0x800  }
0xb3: {  	s14 =	sshrl.u32 s7, $0x3;
	s12 =	sadd.s32 $0x1, s12;
	[sflag:s24] =	ssyncset.done $0x0  }
0xb4: {  	p0 =	sne.s32 s12, s19;
	s13 =	sshll.u32 s17, $0x6;
	[sflag:s24] =	ssyncadd.s32 $0xFFFFF800  }
.Ltmp2:
0xb5: {  	s13 =	sor.u32 $0x1C05, s13;
	[bflag:$0x0] =	sbarrier.arrive $0xFFFF;
	(pc) =	sbr.rel @p0 .LBB2_1-.Ltmp2, $4  }
0xb6: {  	[hbm:s18], [sflag:s13] =	dma.local [spmem:s14], $0x2800  }
0xb7: {  	_ =	swait.ge [sflag:s24], $0x2800  }
0xb8: {  	[sflag:s24] =	ssyncset.done $0x0  }
0xb9: {  	[sflag:s24] =	ssyncadd.s32 $0xFFFFD800  }
0xba: {  	_ =	sfence.sel $0x180000  }
0xbb: {  	[bflag:$0x0] =	sbarrier.arrive $0xFFFF  }
0xbc: {  	_ =	strace $0x9000004A  }
0xbd: {  	s0 =	stileid.u32;
	[bflag:$0x2] =	sbarrier.arrive $0xFFFF  }
0xbe: {  	p0 =	sne.s32 s0, $0x0;
	s0 =	rddreg [dreg:$0x2]  }
0xbf: {  	s0 =	sadd.s32 @!p0 $0x100000, s0  }
0xc0: {  	[sflag:s0] =	ssyncadd.tile.s32 @!p0 $0x1;
	_ =	shalt  }
.Lfunc_end2:
_tile_overlayer_lowered:
.L_overlay_start_2:
0xc1: {  	(tag) =	ssettag $0x2  }
0xc2: {  	s0 =	rddreg [dreg:$0x0];
	s2 =	stileid.u32  }
0xc3: {  	s1 =	rddreg [dreg:$0x1];
	p0 =	sne.s32 s2, $0x0  }
0xc4: {  	s3 =	rddreg [dreg:$0x2];
	[bflag:$0x3] =	sbarrier.arrive $0xFFFF;
	s2 =	simm.s32 @!p0 $0x1C05  }
0xc5: {  	[timem:s3], [sflag:s2] =	dma.local @!p0 [hbm:s0], s1  }
0xc6: {  	s0 =	simm.s32 @!p0 $0x5  }
0xc7: {  	_ =	swait.ge @!p0 [sflag:s0], s1  }
0xc8: {  	s1 =	ssub.s32 @!p0 $0x0, s1;
	[sflag:s0] =	ssyncset.done @!p0 $0x0  }
0xc9: {  	[sflag:s0] =	ssyncadd.s32 @!p0 s1  }
0xca: {  	[bflag:$0x3] =	sbarrier.arrive $0xFFFF  }
0xcb: {  	_ =	shalt  }

// kernel: kernel.16.cloned.1.call-start
scs
__scs_entry_jumppad:
0x0: {  	(pc) =	sbr.rel $0x88, $3  }
0x1: {  	(tag) =	ssettag $0x0;
	lr =	simm.s32 $0x1  }
0x2: {  	[smem:$0x3F96] =	sst lr;
	_ =	strace $0xD0000000  }
0x3: {  	_ = 	snop  }
0x4: {  	_ = 	snop  }
0x5: {  	_ = 	snop  }
0x6: {  	_ = 	snop  }
0x7: {  	_ = 	snop  }
__scs_overlays_trampoline_lowered:
0x8: {  	[smem:$0x3FA5] =	sst s0  }
0x9: {  	[smem:$0x3FA6] =	sst s1  }
0xa: {  	[smem:$0x3FA7] =	sst s2  }
0xb: {  	[smem:$0x3FA8] =	sst s3  }
0xc: {  	[smem:$0x3FA9] =	sst s4  }
0xd: {  	[smem:$0x3FAA] =	sst s5  }
0xe: {  	[smem:$0x3FAB] =	sst s6  }
0xf: {  	[smem:$0x3FAC] =	sst s7  }
0x10: {  	[smem:$0x3FAD] =	sst s8  }
0x11: {  	[smem:$0x3FAE] =	sst s9;
	s0 =	simm.s32 @!p0 $0x0  }
0x12: {  	s1 =	sld [smem:$0x3F94];
	s0 =	simm.s32 @p0 $0x1  }
0x13: {  	[smem:$0x3FAF] =	sst s0;
	s0 =	simm.s32 @!p1 $0x0  }
0x14: {  	s2 =	sld [smem:$0x3F93];
	s0 =	simm.s32 @p1 $0x1  }
0x15: {  	[smem:$0x3FB0] =	sst s0;
	s0 =	simm.s32 @!p2 $0x0  }
0x16: {  	s3 =	sld [smem:$0x3FDB];
	s0 =	simm.s32 @p2 $0x1  }
0x17: {  	s4 =	simm.s32 $0x1BF5;
	[smem:$0x3FB2] =	sst s0  }
0x18: {  	s0 =	sld [smem:$0x3F95];
	_ =	swait.ge [sflag:s4], $0x0  }
0x19: {  	s7 =	sld [smem:$0x3F96]  }
0x1a: {  	s8 =	sadd.s32 $0xFFFFE003, lr  }
0x1b: {  	s9 =	sadd.s32 $0xFFFFFEF7, lr;
	s5 =	simm.s32 $0xFFFFFFFF;
	p2 =	slt.u32 s8, $0xFFFFF086  }
0x1c: {  	p1 =	slt.u32 s9, $0xF7A;
	s5 =	simm.s32 @!p2 $0x0  }
0x1d: {  	s5 =	simm.s32 @p1 $0x1;
	p0 =	seq.s32 s7, s2  }
0x1e: {  	s7 =	smul.u32 @!p0 $0xF7A, s2;
	p2 =	seq.s32 @!p0 s5, $0x0  }
0x1f: {  	s9 =	smul.u32 $0xF7A, s1;
	s8 =	simm.s32 @!p0 $0x1BF5;
	p2 =	por !p2, p0  }
0x20: {  	[sflag:s8] =	ssyncset.s32 @!p0 $0xFFFFF086;
	s6 =	sadd.s32 @!p0 s3, s7;
	s7 =	simm.s32 @!p0 $0x108  }
0x21: {  	s3 =	sadd.s32 s3, s9;
	s6 =	sadd.s32 @!p0 $0x88, s6;
	s7 =	simm.s32 @p2 $0x1082  }
0x22: {  	[simem:s7], [sflag:s8] =	dma.local @!p0 [hbm:s6], $0xF7A  }
0x23: {  	s9 =	sor.u32 $0xD0000000, s2;
	s6 =	simm.s32 $0x108;
	_ =	swait.ge @!p0 [sflag:s8], $0x0  }
0x24: {  	s3 =	sadd.s32 $0x88, s3;
	s6 =	simm.s32 @!p1 $0x1082;
	[sflag:s4] =	ssyncset.s32 $0xFFFFF086  }
0x25: {  	[simem:s6], [sflag:s4] =	dma.local [hbm:s3], $0xF7A  }
0x26: {  	[smem:$0x3F96] =	sst s1;
	(tag) =	ssettag s2;
	_ =	strace s9  }
0x27: {  	s1 =	sld [smem:$0x3FA6]  }
0x28: {  	s2 =	sld [smem:$0x3FA7]  }
0x29: {  	s4 =	sld [smem:$0x3FA9]  }
0x2a: {  	p0 =	seq.s32 s5, $0x0;
	s5 =	sld [smem:$0x3FAA]  }
0x2b: {  	s6 =	sld [smem:$0x3FAB]  }
0x2c: {  	s7 =	sld [smem:$0x3FAC]  }
0x2d: {  	s3 =	simm.s32 $0x108;
	s8 =	sld [smem:$0x3FAD]  }
0x2e: {  	s3 =	simm.s32 @!p0 $0x1082;
	s9 =	sld [smem:$0x3FAE]  }
0x2f: {  	lr =	sadd.s32 s0, s3;
	s0 =	sld [smem:$0x3FA5]  }
0x30: {  	s3 =	sld [smem:$0x3FA8]  }
0x31: {  	[smem:$0x3FB1] =	sst s10  }
0x32: {  	s10 =	sld [smem:$0x3FAF];
	_ =	sdelay $0x3  }
0x33: {  	p0 =	seq.s32 s10, $0x1;
	s10 =	sld [smem:$0x3FB1];
	_ =	sdelay $0x3  }
0x34: {  	[smem:$0x3FB1] =	sst s10  }
0x35: {  	s10 =	sld [smem:$0x3FB0];
	_ =	sdelay $0x3  }
0x36: {  	p1 =	seq.s32 s10, $0x1;
	s10 =	sld [smem:$0x3FB1];
	_ =	sdelay $0x3  }
0x37: {  	[smem:$0x3FB1] =	sst s10  }
0x38: {  	s10 =	sld [smem:$0x3FB2]  }
0x39: {  	_ = 	snop;
	(pc) =	sbr.ind lr, $3  }
0x3a: {  	_ = 	snop  }
0x3b: {  	_ = 	snop  }
0x3c: {  	p2 =	seq.s32 s10, $0x1;
	s10 =	sld [smem:$0x3FB1]  }
0x3d: {  	_ =	shalt  }
0x3e: {  	_ =	shalt  }
0x3f: {  	_ =	shalt  }
0x40: {  	_ =	shalt  }
0x41: {  	_ =	shalt  }
0x42: {  	_ =	shalt  }
0x43: {  	_ =	shalt  }
0x44: {  	_ =	shalt  }
0x45: {  	_ =	shalt  }
0x46: {  	_ =	shalt  }
0x47: {  	_ =	shalt  }
0x48: {  	_ =	shalt  }
0x49: {  	_ =	shalt  }
0x4a: {  	_ =	shalt  }
0x4b: {  	_ =	shalt  }
0x4c: {  	_ =	shalt  }
0x4d: {  	_ =	shalt  }
0x4e: {  	_ =	shalt  }
0x4f: {  	_ =	shalt  }
0x50: {  	_ =	shalt  }
0x51: {  	_ =	shalt  }
0x52: {  	_ =	shalt  }
0x53: {  	_ =	shalt  }
0x54: {  	_ =	shalt  }
0x55: {  	_ =	shalt  }
0x56: {  	_ =	shalt  }
0x57: {  	_ =	shalt  }
0x58: {  	_ =	shalt  }
0x59: {  	_ =	shalt  }
0x5a: {  	_ =	shalt  }
0x5b: {  	_ =	shalt  }
0x5c: {  	_ =	shalt  }
0x5d: {  	_ =	shalt  }
0x5e: {  	_ =	shalt  }
0x5f: {  	_ =	shalt  }
0x60: {  	_ =	shalt  }
0x61: {  	_ =	shalt  }
0x62: {  	_ =	shalt  }
0x63: {  	_ =	shalt  }
0x64: {  	_ =	shalt  }
0x65: {  	_ =	shalt  }
0x66: {  	_ =	shalt  }
0x67: {  	_ =	shalt  }
0x68: {  	_ =	shalt  }
0x69: {  	_ =	shalt  }
0x6a: {  	_ =	shalt  }
0x6b: {  	_ =	shalt  }
0x6c: {  	_ =	shalt  }
0x6d: {  	_ =	shalt  }
0x6e: {  	_ =	shalt  }
0x6f: {  	_ =	shalt  }
0x70: {  	_ =	shalt  }
0x71: {  	_ =	shalt  }
0x72: {  	_ =	shalt  }
0x73: {  	_ =	shalt  }
0x74: {  	_ =	shalt  }
0x75: {  	_ =	shalt  }
0x76: {  	_ =	shalt  }
0x77: {  	_ =	shalt  }
0x78: {  	_ =	shalt  }
0x79: {  	_ =	shalt  }
0x7a: {  	_ =	shalt  }
0x7b: {  	_ =	shalt  }
0x7c: {  	_ =	shalt  }
0x7d: {  	_ =	shalt  }
0x7e: {  	_ =	shalt  }
0x7f: {  	_ =	shalt  }
0x80: {  	_ =	shalt  }
0x81: {  	_ =	shalt  }
0x82: {  	_ =	shalt  }
0x83: {  	_ =	shalt  }
0x84: {  	_ =	shalt  }
0x85: {  	_ =	shalt  }
0x86: {  	_ =	shalt  }
0x87: {  	_ =	shalt  }
.Lfunc_end0:
.L_simem_size_0:
called_computation.2_lowered:
.L_overlay_start_0:
0x88: {  	s2 =	sld [smem:$0x3FD9]  }
0x89: {  	s3 =	sld [smem:$0x3FFE];
	_ =	sdelay $0x1  }
0x8a: {  	s1 =	srdreg.scid  }
0x8b: {  	s0 =	sand.u32 $0x1, s1  }
0x8c: {  	s16 =	sshll.u32 s0, $0xA;
	s2 =	sadd.s32 s3, s2  }
0x8d: {  	s2 =	sadd.s32 s2, s16  }
0x8e: {  	[smem:$0x3FBD] =	sst s2  }
0x8f: {  	_ = 	snop  }
0x90: {  	(tm) =	ssettm $0x1  }
0x91: {  	s17 =	sld [smem:$0x3FFB];
	_ =	sdelay $0x3  }
0x92: {  	_ =	strace s17  }
0x93: {  	s2 =	sld [smem:$0x3FFC];
	_ =	sdelay $0x3  }
0x94: {  	_ =	strace s2  }
0x95: {  	s2 =	sld [smem:$0x3FFD];
	_ =	sdelay $0x3  }
0x96: {  	_ =	strace s2  }
0x97: {  	_ =	strace $0x8FFFFFFF  }
0x98: {  	s18 =	sld [smem:$0x3FDB];
	_ =	sdelay $0x1  }
0x99: {  	s19 =	simm.s32 $_scs_section_size  }
0x9a: {  	s4 =	simm.s32 $_size__tile_overlayer_lowered;
	s5 =	simm.s32 $_tile_overlayer_lowered  }
0x9b: {  	s22 =	simm.s32 $0x1BFF;
	s21 =	sshll.u32 s5, $0x1;
	s2 =	sadd.s32 s19, s18  }
0x9c: {  	s6 =	simm.s32 $0x0;
	s20 =	sshll.u32 s4, $0x1;
	s4 =	sadd.s32 s21, s2  }
0x9d: {  	[timem:s6], [sflag:s22] =	dma.local [hbm:s4], s20  }
0x9e: {  	_ =	swait.ge [sflag:s22], s20  }
0x9f: {  	s3 =	ssub.s32 $0x0, s20;
	[sflag:s22] =	ssyncset.done $0x0  }
0xa0: {  	[sflag:s22] =	ssyncadd.s32 s3;
	_ =	sdelay $0x1  }
0xa1: {  	s23 =	simm.s32 $0x1B8B  }
0xa2: {  	_ =	swait.ge [sflag:s23], $0x1  }
0xa3: {  	[sflag:s23] =	ssyncset.done $0x0  }
0xa4: {  	s25 =	simm.s32 $0x1B8E;
	s24 =	sld [smem:$0x3FFE];
	[sflag:s23] =	ssyncadd.s32 $0xFFFFFFFF  }
0xa5: {  	s26 =	simm.s32 $execute0_lowered;
	[smem:$0x3FD2] =	sst s25  }
0xa6: {  	s4 =	sshll.u32 s26, $0x1;
	_ =	strace $0x8000004C;
	[dreg:$0x1] =	wrdreg $0xFFFFFFFF  }
0xa7: {  	s28 =	simm.s32 $_size_execute0_lowered;
	s2 =	sadd.s32 s2, s4;
	[dreg:$0x0] =	wrdreg $0x0  }
0xa8: {  	s4 =	sshll.u32 s28, $0x1;
	[dreg:$0x2] =	wrdreg s2  }
0xa9: {  	[dreg:$0x3] =	wrdreg s4  }
0xaa: {  	[dreg:$0x4] =	wrdreg $0xC0  }
0xab: {  	_ =	task [dreg:s6], $0x5FFFF  }
0xac: {  	[dreg:$0x1] =	wrdreg $0xFFFFFFFF  }
0xad: {  	[dreg:$0x0] =	wrdreg $0x60  }
0xae: {  	[dreg:$0x2] =	wrdreg s24  }
0xaf: {  	[dreg:$0x3] =	wrdreg $0x8B000  }
0xb0: {  	[dreg:$0x4] =	wrdreg $0x9  }
0xb1: {  	_ =	task.clear_ibuf [dreg:s6], $0x5FFFF;
	_ =	strace $0x9000004C  }
0xb2: {  	s29 =	simm.s32 $0x9;
	_ =	strace $0x8000004E  }
0xb3: {  	_ =	swait.ge [sflag:s29], $0x1  }
0xb4: {  	[sflag:s29] =	ssyncadd.s32 $0xFFFFFFFF  }
0xb5: {  	_ =	strace $0x9000004E  }
0xb6: {  	_ =	sfence  }
0xb7: {  	s30 =	sld [smem:$0x0];
	_ =	sdelay $0x2  }
0xb8: {  	s31 =	sshll.u32 s1, $0xD;
	s1 =	sshrl.u32 s1, $0x2  }
0xb9: {  	s3 =	sand.u32 $0x4000, s31;
	s1 =	sadd.s32 s1, s30  }
0xba: {  	s0 =	sor.u32 s3, s0;
	s1 =	sshll.u32 s1, $0x11  }
0xbb: {  	s0 =	sor.u32 s1, s0  }
0xbc: {  	s0 =	sadd.s32 $0x8F2B, s0  }
0xbd: {  	[sflag:s0] =	ssyncadd.remote.s32 $0x1  }
0xbe: {  	_ =	sfence.sel $0xFFFF  }
0xbf: {  	[dreg:$0x0] =	wrdreg $0xFFFFFFFF;
	(pc) =	sbr.abs _section_cstart, $3  }
0xc0: {  	[dreg:$0x1] =	wrdreg $0xFFFFFFFF  }
0xc1: {  	_ =	task.clear_ibuf [dreg:s6], $0x2FFFF;
	_ =	strace $0x9FFFFFFF  }
0xc2: {  	(tm) =	ssettm $0x7FFFFFFF  }
0xc3: {  	_ =	shalt  }
tec
execute0_lowered:
.L_overlay_start_1:
0x0: {  	(tag) =	ssettag $0x1  }
0x1: {  	s0 =	rddreg [dreg:$0x0];
	s1 =	srdreg.scid  }
0x2: {  	s2 =	rddreg [dreg:$0x1];
	s11 =	stileid.u32  }
0x3: {  	s3 =	simm.s32 $0x0;
	s28 =	simm.s32 $0x180;
	s29 =	simm.s32 $0x1  }
0x4: {  	s30 =	simm.s32 $0x2;
	s31 =	simm.s32 $0x4200;
	s6 =	smul.u32 $0x14000, s11  }
0x5: {  	s1 =	sand.u32 $0x1, s1;
	[smem:$0x7FF] =	sst s3;
	s8 =	smul.u32 $0x50000, s11  }
0x6: {  	s4 =	sadd.s32 $0xCE00, s0;
	s12 =	sshll.u32 s11, $0x1;
	s19 =	smul.u32 $0x4E20, s11  }
0x7: {  	s5 =	smul.u32 $0x140000, s1;
	_ =	strace $0x8000004D;
	s9 =	ssub.s32 $0x2, s1  }
0x8: {  	s10 =	sor.u32 s1, s12;
	s1 =	smul.u32 $0x2710, s1;
	s13 =	sshrl.u32 s8, $0x2  }
0x9: {  	s14 =	sshrl.u32 s9, $0x1;
	s10 =	smul.u32 $0x2710, s10;
	s6 =	sadd.s32 s6, s5  }
0xa: {  	s5 =	sadd.s32 $0x3000, s0;
	s8 =	ssub.s32 s9, s14;
	s1 =	sadd.s32 s1, s19  }
0xb: {  	s7 =	sshrl.u32 s6, $0x3;
	s6 =	sadd.s32 $0x16C00, s0;
	s18 =	sshrl.u32 s10, $0x3  }
0xc: {  	s25 =	sadd.s32 $0x180, s1;
	s19 =	smax.u32 s8, $0x1;
	s8 =	simm.s32 $0x8200  }
0xd: {  	s10 =	simm.s32 $0x10;
	s0 =	sadd.s32 s7, s0;
	s12 =	sadd.s32 s4, s18  }
0xe: {  	s7 =	sadd.s32 s13, s2;
	s22 =	sadd.s32 s5, s18;
	[dreg:$0x7] =	wrdreg s12  }
0xf: {  	s21 =	sadd.s32 $0x10, s18;
	s15 =	sadd.s32 $0x4000, s7;
	[dreg:$0x8] =	wrdreg s22  }
0x10: {  	s9 =	sadd.s32 $0x4E0, s18;
	s16 =	sadd.s32 $0x8000, s7;
	[dreg:$0x3] =	wrdreg s15  }
0x11: {  	s26 =	sshrl.u32 s25, $0x3;
	s17 =	sadd.s32 $0xC000, s7;
	[dreg:$0x4] =	wrdreg s16  }
0x12: {  	s25 =	simm.s32 $0x100;
	s20 =	sadd.s32 $0x10000, s7;
	[dreg:$0x5] =	wrdreg s17  }
0x13: {  	s23 =	sadd.s32 s4, s21;
	s11 =	sadd.s32 s5, s21;
	[dreg:$0x6] =	wrdreg s20  }
0x14: {  	s24 =	sadd.s32 s4, s9;
	s9 =	sadd.s32 s5, s9;
	[dreg:$0x9] =	wrdreg s23  }
0x15: {  	s18 =	sadd.s32 $0x3DE00, s0;
	s21 =	sadd.s32 s26, s4;
	[dreg:$0xa] =	wrdreg s11  }
0x16: {  	s22 =	sadd.s32 $0x100, s1;
	s0 =	simm.s32 $0x3;
	[dreg:$0xb] =	wrdreg s24  }
0x17: {  	s1 =	simm.s32 $0x4;
	s12 =	simm.s32 $0x0;
	[dreg:$0xc] =	wrdreg s9  }
0x18: {  	s20 =	sadd.s32 s26, s5;
	s23 =	simm.s32 $0x200;
	s24 =	simm.s32 $0x5  }
0x19: {  	v0 =	vimm.f32 $0.0e+00;
	s26 =	simm.s32 $0x80;
	s9 =	simm.s32 $0x8280;
	s11 =	simm.s32 $0x8300  }
.LBB2_1:
0x1a: {  	s13 =	simm.s32 $0x0;
	s14 =	simm.s32 $0x200  }
.LBB2_2:
0x1b: {  	p0 =	sne.s32 s14, $0xFE00;
	[tilespmem:s13+$0x270] =	vst v0  }
0x1c: {  	[tilespmem:s13+$0x200] =	vst v0  }
0x1d: {  	[tilespmem:s13+$0x210] =	vst v0  }
.Ltmp0:
0x1e: {  	[tilespmem:s13+$0x220] =	vst v0;
	(pc) =	sbr.rel @p0 .LBB2_2-.Ltmp0, $4  }
0x1f: {  	[tilespmem:s13+$0x230] =	vst v0  }
0x20: {  	[tilespmem:s13+$0x240] =	vst v0  }
0x21: {  	[tilespmem:s13+$0x250] =	vst v0  }
0x22: {  	[tilespmem:s13+$0x260] =	vst v0;
	s13 =	sshra.s32 s14, $0x2;
	s14 =	sadd.s32 $0x200, s14  }
0x23: {  	[tilespmem:s13+$0x270] =	vst v0  }
0x24: {  	[tilespmem:s13+$0x200] =	vst v0  }
0x25: {  	[tilespmem:s13+$0x210] =	vst v0  }
0x26: {  	[tilespmem:s13+$0x220] =	vst v0  }
0x27: {  	[tilespmem:s13+$0x230] =	vst v0  }
0x28: {  	[tilespmem:s13+$0x240] =	vst v0  }
0x29: {  	[tilespmem:s13+$0x250] =	vst v0  }
0x2a: {  	[tilespmem:s13+$0x260] =	vst v0  }
0x2b: {  	[spmem:s7] =	stream.linear.scatter [tilespmem:s23], [sflag:$0x5], $0x4000, $0x38;
	[tilespmem:$0x1CB00] =	vst v63  }
0x2c: {  	_ =	swait.ge [sflag:s24], $0x4000  }
0x2d: {  	[sflag:s24] =	ssyncset.done $0x0  }
0x2e: {  	s17 =	rddreg [dreg:$0x3];
	[sflag:s24] =	ssyncadd.s32 $0xFFFFC000  }
0x2f: {  	[spmem:s17] =	stream.linear.scatter [tilespmem:s23], [sflag:$0x5], $0x4000, $0x38;
	[tilespmem:$0x1CB00] =	vst v63  }
0x30: {  	_ =	swait.ge [sflag:s24], $0x4000  }
0x31: {  	[sflag:s24] =	ssyncset.done $0x0  }
0x32: {  	s14 =	rddreg [dreg:$0x4];
	[sflag:s24] =	ssyncadd.s32 $0xFFFFC000  }
0x33: {  	[spmem:s14] =	stream.linear.scatter [tilespmem:s23], [sflag:$0x5], $0x4000, $0x38;
	[tilespmem:$0x1CB00] =	vst v63  }
0x34: {  	_ =	swait.ge [sflag:s24], $0x4000  }
0x35: {  	[sflag:s24] =	ssyncset.done $0x0  }
0x36: {  	s15 =	rddreg [dreg:$0x5];
	[sflag:s24] =	ssyncadd.s32 $0xFFFFC000  }
0x37: {  	[spmem:s15] =	stream.linear.scatter [tilespmem:s23], [sflag:$0x5], $0x4000, $0x38;
	[tilespmem:$0x1CB00] =	vst v63  }
0x38: {  	_ =	swait.ge [sflag:s24], $0x4000  }
0x39: {  	[sflag:s24] =	ssyncset.done $0x0  }
0x3a: {  	s16 =	rddreg [dreg:$0x6];
	[sflag:s24] =	ssyncadd.s32 $0xFFFFC000  }
0x3b: {  	[spmem:s16] =	stream.linear.scatter [tilespmem:s23], [sflag:$0x5], $0x4000, $0x38;
	[tilespmem:$0x1CB00] =	vst v63  }
0x3c: {  	_ =	swait.ge [sflag:s24], $0x4000  }
0x3d: {  	[sflag:s24] =	ssyncset.done $0x0  }
0x3e: {  	[sflag:s24] =	ssyncadd.s32 $0xFFFFC000  }
0x3f: {  	[bflag:$0x0] =	sbarrier.arrive $0xFFFF  }
0x40: {  	s13 =	simm.s32 $0x0;
	s14 =	rddreg [dreg:$0x7]  }
0x41: {  	[tilespmem:s13], [sflag:$0x1] =	stream.linear.gather [hbm4b:s14+s13], $0x80, $0x38;
	[tilespmem:$0x1CB00] =	vst v63  }
0x42: {  	s17 =	rddreg [dreg:$0x8]  }
0x43: {  	[tilespmem:s25], [sflag:$0x1] =	stream.linear.gather [hbm4b:s17+s13], $0x80, $0x38;
	[tilespmem:$0x1CB00] =	vst v63  }
0x44: {  	s15 =	rddreg [dreg:$0x9]  }
0x45: {  	[tilespmem:s26], [sflag:$0x2] =	stream.linear.gather [hbm4b:s15+s13], $0x80, $0x38;
	[tilespmem:$0x1CB00] =	vst v63  }
0x46: {  	s16 =	rddreg [dreg:$0xa]  }
0x47: {  	[tilespmem:s28], [sflag:$0x2] =	stream.linear.gather [hbm4b:s16+s13], $0x80, $0x38;
	[tilespmem:$0x1CB00] =	vst v63  }
0x48: {  	_ =	swait.ge [sflag:s29], $0x80  }
0x49: {  	[sflag:s29] =	ssyncset.done $0x0  }
0x4a: {  	[sflag:s29] =	ssyncadd.s32 $0xFFFFFF80  }
0x4b: {  	[tilespmem:s23], [sflag:$0x3] =	stream.indirect.gather [hbm4b:s6+s26], $0x80, s13, s26, $0xb8;
	[tilespmem:$0x1CB00] =	vst v63  }
0x4c: {  	_ =	swait.ge [sflag:s30], $0x80  }
0x4d: {  	[sflag:s30] =	ssyncset.done $0x0  }
0x4e: {  	[sflag:s30] =	ssyncadd.s32 $0xFFFFFF80  }
0x4f: {  	[tilespmem:s31], [sflag:$0x4] =	stream.indirect.gather [hbm4b:s6+s26], $0x80, s26, s26, $0xb8;
	[tilespmem:$0x1CB00] =	vst v63  }
0x50: {  	_ =	swait.ge [sflag:s0], $0x4000  }
0x51: {  	s17 =	sshrl.u32 s22, $0x3;
	[sflag:s0] =	ssyncset.done $0x0  }
0x52: {  	s15 =	sadd.s32 s4, s17;
	[sflag:s0] =	ssyncadd.s32 $0xFFFFC000  }
0x53: {  	[tilespmem:s3], [sflag:$0x1] =	stream.linear.gather [hbm4b:s15+s3], $0x80, $0x38;
	[tilespmem:$0x1CB00] =	vst v63  }
0x54: {  	_ =	swait.ge [sflag:s29], $0x80  }
0x55: {  	[sflag:s29] =	ssyncset.done $0x0  }
0x56: {  	[sflag:s29] =	ssyncadd.s32 $0xFFFFFF80  }
0x57: {  	[spmem:s2] =	stream.indirect.scatter.add.f32 [tilespmem:s23], [sflag:$0x5], $0x80, s25, s26, $0xb8;
	[tilespmem:$0x1CB00] =	vst v63  }
0x58: {  	_ =	swait.ge [sflag:s24], $0x4000  }
0x59: {  	[sflag:s24] =	ssyncset.done $0x0  }
0x5a: {  	s13 =	sadd.s32 s5, s17;
	[sflag:s24] =	ssyncadd.s32 $0xFFFFC000  }
0x5b: {  	[tilespmem:s25], [sflag:$0x1] =	stream.linear.gather [hbm4b:s13+s3], $0x80, $0x38;
	[tilespmem:$0x1CB00] =	vst v63  }
0x5c: {  	_ =	swait.ge [sflag:s1], $0x4000  }
0x5d: {  	[sflag:s1] =	ssyncset.done $0x0  }
0x5e: {  	s16 =	sadd.s32 $0x0, s21;
	[sflag:s1] =	ssyncadd.s32 $0xFFFFC000  }
0x5f: {  	[tilespmem:s26], [sflag:$0x2] =	stream.linear.gather [hbm4b:s16+s3], $0x80, $0x38;
	[tilespmem:$0x1CB00] =	vst v63  }
0x60: {  	_ =	swait.ge [sflag:s30], $0x80  }
0x61: {  	[sflag:s30] =	ssyncset.done $0x0  }
0x62: {  	[sflag:s30] =	ssyncadd.s32 $0xFFFFFF80  }
0x63: {  	[spmem:s2] =	stream.indirect.scatter.add.f32 [tilespmem:s31], [sflag:$0x5], $0x80, s28, s26, $0xb8;
	[tilespmem:$0x1CB00] =	vst v63  }
0x64: {  	_ =	swait.ge [sflag:s24], $0x4000  }
0x65: {  	[sflag:s24] =	ssyncset.done $0x0  }
0x66: {  	s17 =	sadd.s32 $0x0, s20;
	[sflag:s24] =	ssyncadd.s32 $0xFFFFC000  }
0x67: {  	[tilespmem:s28], [sflag:$0x2] =	stream.linear.gather [hbm4b:s17+s3], $0x80, $0x38;
	[tilespmem:$0x1CB00] =	vst v63  }
0x68: {  	_ =	swait.ge [sflag:s29], $0x80  }
0x69: {  	[sflag:s29] =	ssyncset.done $0x0  }
0x6a: {  	[sflag:s29] =	ssyncadd.s32 $0xFFFFFF80  }
0x6b: {  	[tilespmem:s23], [sflag:$0x3] =	stream.indirect.gather [hbm4b:s6+s26], $0x80, s3, s26, $0xb8;
	[tilespmem:$0x1CB00] =	vst v63  }
0x6c: {  	_ =	swait.ge [sflag:s30], $0x80  }
0x6d: {  	[sflag:s30] =	ssyncset.done $0x0  }
0x6e: {  	s14 =	sadd.s32 $0x100, s22;
	s13 =	simm.s32 $0x20;
	[sflag:s30] =	ssyncadd.s32 $0xFFFFFF80  }
.LBB2_4:
0x6f: {  	[tilespmem:s31], [sflag:$0x4] =	stream.indirect.gather [hbm4b:s6+s26], $0x80, s26, s26, $0xb8;
	[tilespmem:$0x1CB00] =	vst v63  }
0x70: {  	s15 =	smov.u32 s13  }
0x71: {  	p0 =	sne.s32 s13, $0x4A0;
	s13 =	sadd.s32 $0x20, s13;
	_ =	swait.ge [sflag:s0], $0x4000  }
0x72: {  	s16 =	sshrl.u32 s14, $0x3;
	[sflag:s0] =	ssyncset.done $0x0  }
0x73: {  	s17 =	sadd.s32 s4, s16;
	[sflag:s0] =	ssyncadd.s32 $0xFFFFC000  }
0x74: {  	[tilespmem:s3], [sflag:$0x1] =	stream.linear.gather [hbm4b:s17+s3], $0x80, $0x38;
	[tilespmem:$0x1CB00] =	vst v63  }
0x75: {  	_ =	swait.ge [sflag:s29], $0x80  }
0x76: {  	[sflag:s29] =	ssyncset.done $0x0  }
0x77: {  	[sflag:s29] =	ssyncadd.s32 $0xFFFFFF80  }
0x78: {  	[spmem:s2] =	stream.indirect.scatter.add.f32 [tilespmem:s23], [sflag:$0x5], $0x80, s25, s26, $0xb8;
	[tilespmem:$0x1CB00] =	vst v63  }
0x79: {  	_ =	swait.ge [sflag:s24], $0x4000  }
0x7a: {  	[sflag:s24] =	ssyncset.done $0x0  }
0x7b: {  	s16 =	sadd.s32 s5, s16;
	[sflag:s24] =	ssyncadd.s32 $0xFFFFC000  }
0x7c: {  	[tilespmem:s25], [sflag:$0x1] =	stream.linear.gather [hbm4b:s16+s3], $0x80, $0x38;
	[tilespmem:$0x1CB00] =	vst v63  }
0x7d: {  	_ =	swait.ge [sflag:s1], $0x4000  }
0x7e: {  	[sflag:s1] =	ssyncset.done $0x0  }
0x7f: {  	s16 =	sadd.s32 s15, s21;
	[sflag:s1] =	ssyncadd.s32 $0xFFFFC000  }
0x80: {  	[tilespmem:s26], [sflag:$0x2] =	stream.linear.gather [hbm4b:s16+s3], $0x80, $0x38;
	[tilespmem:$0x1CB00] =	vst v63  }
0x81: {  	_ =	swait.ge [sflag:s30], $0x80  }
0x82: {  	[sflag:s30] =	ssyncset.done $0x0  }
0x83: {  	[sflag:s30] =	ssyncadd.s32 $0xFFFFFF80  }
0x84: {  	[spmem:s2] =	stream.indirect.scatter.add.f32 [tilespmem:s31], [sflag:$0x5], $0x80, s28, s26, $0xb8;
	[tilespmem:$0x1CB00] =	vst v63  }
0x85: {  	_ =	swait.ge [sflag:s24], $0x4000  }
0x86: {  	[sflag:s24] =	ssyncset.done $0x0  }
0x87: {  	s15 =	sadd.s32 s15, s20;
	[sflag:s24] =	ssyncadd.s32 $0xFFFFC000  }
0x88: {  	[tilespmem:s28], [sflag:$0x2] =	stream.linear.gather [hbm4b:s15+s3], $0x80, $0x38;
	[tilespmem:$0x1CB00] =	vst v63  }
0x89: {  	_ =	swait.ge [sflag:s29], $0x80  }
0x8a: {  	[sflag:s29] =	ssyncset.done $0x0  }
.Ltmp1:
0x8b: {  	[sflag:s29] =	ssyncadd.s32 $0xFFFFFF80;
	(pc) =	sbr.rel @p0 .LBB2_4-.Ltmp1, $4  }
0x8c: {  	[tilespmem:s23], [sflag:$0x3] =	stream.indirect.gather [hbm4b:s6+s26], $0x80, s3, s26, $0xb8;
	[tilespmem:$0x1CB00] =	vst v63  }
0x8d: {  	_ =	swait.ge [sflag:s30], $0x80  }
0x8e: {  	[sflag:s30] =	ssyncset.done $0x0  }
0x8f: {  	s14 =	sadd.s32 $0x100, s14;
	[sflag:s30] =	ssyncadd.s32 $0xFFFFFF80  }
0x90: {  	[tilespmem:s31], [sflag:$0x4] =	stream.indirect.gather [hbm4b:s6+s26], $0x80, s26, s26, $0xb8;
	[tilespmem:$0x1CB00] =	vst v63  }
0x91: {  	_ =	swait.ge [sflag:s0], $0x4000  }
0x92: {  	[sflag:s0] =	ssyncset.done $0x0  }
0x93: {  	[sflag:s0] =	ssyncadd.s32 $0xFFFFC000  }
0x94: {  	_ =	swait.ge [sflag:s29], $0x80  }
0x95: {  	[sflag:s29] =	ssyncset.done $0x0  }
0x96: {  	[sflag:s29] =	ssyncadd.s32 $0xFFFFFF80  }
0x97: {  	[spmem:s2] =	stream.indirect.scatter.add.f32 [tilespmem:s23], [sflag:$0x5], $0x80, s25, s26, $0xb8;
	[tilespmem:$0x1CB00] =	vst v63  }
0x98: {  	_ =	swait.ge [sflag:s24], $0x4000  }
0x99: {  	[sflag:s24] =	ssyncset.done $0x0  }
0x9a: {  	[sflag:s24] =	ssyncadd.s32 $0xFFFFC000  }
0x9b: {  	_ =	swait.ge [sflag:s1], $0x4000  }
0x9c: {  	[sflag:s1] =	ssyncset.done $0x0  }
0x9d: {  	[sflag:s1] =	ssyncadd.s32 $0xFFFFC000  }
0x9e: {  	_ =	swait.ge [sflag:s30], $0x80  }
0x9f: {  	[sflag:s30] =	ssyncset.done $0x0  }
0xa0: {  	[sflag:s30] =	ssyncadd.s32 $0xFFFFFF80  }
0xa1: {  	[spmem:s2] =	stream.indirect.scatter.add.f32 [tilespmem:s31], [sflag:$0x5], $0x80, s28, s26, $0xb8;
	[tilespmem:$0x1CB00] =	vst v63  }
0xa2: {  	_ =	swait.ge [sflag:s24], $0x4000  }
0xa3: {  	[sflag:s24] =	ssyncset.done $0x0  }
0xa4: {  	s13 =	rddreg [dreg:$0xb];
	[sflag:s24] =	ssyncadd.s32 $0xFFFFC000  }
0xa5: {  	[tilespmem:s8], [sflag:$0x5] =	stream.linear.gather [hbm4b:s13+s3], $0x10, $0x38;
	[tilespmem:$0x1CB00] =	vst v63  }
0xa6: {  	_ =	swait.ge [sflag:s24], $0x10  }
0xa7: {  	[sflag:s24] =	ssyncset.done $0x0  }
0xa8: {  	s16 =	rddreg [dreg:$0xc];
	[sflag:s24] =	ssyncadd.s32 $0xFFFFFFF0  }
0xa9: {  	[tilespmem:s9], [sflag:$0x5] =	stream.linear.gather [hbm4b:s16+s3], $0x10, $0x38;
	[tilespmem:$0x1CB00] =	vst v63  }
0xaa: {  	_ =	swait.ge [sflag:s24], $0x10  }
0xab: {  	[sflag:s24] =	ssyncset.done $0x0  }
0xac: {  	[sflag:s24] =	ssyncadd.s32 $0xFFFFFFF0  }
0xad: {  	[tilespmem:s11], [sflag:$0x3] =	stream.indirect.gather [hbm4b:s6+s10], $0x80, s8, s10, $0xb8;
	[tilespmem:$0x1CB00] =	vst v63  }
0xae: {  	_ =	swait.ge [sflag:s0], $0x800  }
0xaf: {  	[sflag:s0] =	ssyncset.done $0x0  }
0xb0: {  	[sflag:s0] =	ssyncadd.s32 $0xFFFFF800  }
0xb1: {  	[spmem:s2] =	stream.indirect.scatter.add.f32 [tilespmem:s11], [sflag:$0x5], $0x80, s9, s10, $0xb8;
	[tilespmem:$0x1CB00] =	vst v63  }
0xb2: {  	s17 =	stileid.u32;
	_ =	swait.ge [sflag:s24], $0x800  }
0xb3: {  	s14 =	sshrl.u32 s7, $0x3;
	s12 =	sadd.s32 $0x1, s12;
	[sflag:s24] =	ssyncset.done $0x0  }
0xb4: {  	p0 =	sne.s32 s12, s19;
	s13 =	sshll.u32 s17, $0x6;
	[sflag:s24] =	ssyncadd.s32 $0xFFFFF800  }
.Ltmp2:
0xb5: {  	s13 =	sor.u32 $0x1C05, s13;
	[bflag:$0x0] =	sbarrier.arrive $0xFFFF;
	(pc) =	sbr.rel @p0 .LBB2_1-.Ltmp2, $4  }
0xb6: {  	[hbm:s18], [sflag:s13] =	dma.local [spmem:s14], $0x2800  }
0xb7: {  	_ =	swait.ge [sflag:s24], $0x2800  }
0xb8: {  	[sflag:s24] =	ssyncset.done $0x0  }
0xb9: {  	[sflag:s24] =	ssyncadd.s32 $0xFFFFD800  }
0xba: {  	_ =	sfence.sel $0x180000  }
0xbb: {  	[bflag:$0x0] =	sbarrier.arrive $0xFFFF  }
0xbc: {  	_ =	strace $0x9000004D  }
0xbd: {  	s0 =	stileid.u32;
	[bflag:$0x2] =	sbarrier.arrive $0xFFFF  }
0xbe: {  	p0 =	sne.s32 s0, $0x0;
	s0 =	rddreg [dreg:$0x2]  }
0xbf: {  	s0 =	sadd.s32 @!p0 $0x100000, s0  }
0xc0: {  	[sflag:s0] =	ssyncadd.tile.s32 @!p0 $0x1;
	_ =	shalt  }
.Lfunc_end2:
_tile_overlayer_lowered:
.L_overlay_start_2:
0xc1: {  	(tag) =	ssettag $0x2  }
0xc2: {  	s0 =	rddreg [dreg:$0x0];
	s2 =	stileid.u32  }
0xc3: {  	s1 =	rddreg [dreg:$0x1];
	p0 =	sne.s32 s2, $0x0  }
0xc4: {  	s3 =	rddreg [dreg:$0x2];
	[bflag:$0x3] =	sbarrier.arrive $0xFFFF;
	s2 =	simm.s32 @!p0 $0x1C05  }
0xc5: {  	[timem:s3], [sflag:s2] =	dma.local @!p0 [hbm:s0], s1  }
0xc6: {  	s0 =	simm.s32 @!p0 $0x5  }
0xc7: {  	_ =	swait.ge @!p0 [sflag:s0], s1  }
0xc8: {  	s1 =	ssub.s32 @!p0 $0x0, s1;
	[sflag:s0] =	ssyncset.done @!p0 $0x0  }
0xc9: {  	[sflag:s0] =	ssyncadd.s32 @!p0 s1  }
0xca: {  	[bflag:$0x3] =	sbarrier.arrive $0xFFFF  }
0xcb: {  	_ =	shalt  }

// kernel: kernel.19.cloned.1.call-start
scs
__scs_entry_jumppad:
0x0: {  	(pc) =	sbr.rel $0x88, $3  }
0x1: {  	(tag) =	ssettag $0x0;
	lr =	simm.s32 $0x1  }
0x2: {  	[smem:$0x3F96] =	sst lr;
	_ =	strace $0xD0000000  }
0x3: {  	_ = 	snop  }
0x4: {  	_ = 	snop  }
0x5: {  	_ = 	snop  }
0x6: {  	_ = 	snop  }
0x7: {  	_ = 	snop  }
__scs_overlays_trampoline_lowered:
0x8: {  	[smem:$0x3FA5] =	sst s0  }
0x9: {  	[smem:$0x3FA6] =	sst s1  }
0xa: {  	[smem:$0x3FA7] =	sst s2  }
0xb: {  	[smem:$0x3FA8] =	sst s3  }
0xc: {  	[smem:$0x3FA9] =	sst s4  }
0xd: {  	[smem:$0x3FAA] =	sst s5  }
0xe: {  	[smem:$0x3FAB] =	sst s6  }
0xf: {  	[smem:$0x3FAC] =	sst s7  }
0x10: {  	[smem:$0x3FAD] =	sst s8  }
0x11: {  	[smem:$0x3FAE] =	sst s9;
	s0 =	simm.s32 @!p0 $0x0  }
0x12: {  	s1 =	sld [smem:$0x3F94];
	s0 =	simm.s32 @p0 $0x1  }
0x13: {  	[smem:$0x3FAF] =	sst s0;
	s0 =	simm.s32 @!p1 $0x0  }
0x14: {  	s2 =	sld [smem:$0x3F93];
	s0 =	simm.s32 @p1 $0x1  }
0x15: {  	[smem:$0x3FB0] =	sst s0;
	s0 =	simm.s32 @!p2 $0x0  }
0x16: {  	s3 =	sld [smem:$0x3FDB];
	s0 =	simm.s32 @p2 $0x1  }
0x17: {  	s4 =	simm.s32 $0x1BF5;
	[smem:$0x3FB2] =	sst s0  }
0x18: {  	s0 =	sld [smem:$0x3F95];
	_ =	swait.ge [sflag:s4], $0x0  }
0x19: {  	s7 =	sld [smem:$0x3F96]  }
0x1a: {  	s8 =	sadd.s32 $0xFFFFE003, lr  }
0x1b: {  	s9 =	sadd.s32 $0xFFFFFEF7, lr;
	s5 =	simm.s32 $0xFFFFFFFF;
	p2 =	slt.u32 s8, $0xFFFFF086  }
0x1c: {  	p1 =	slt.u32 s9, $0xF7A;
	s5 =	simm.s32 @!p2 $0x0  }
0x1d: {  	s5 =	simm.s32 @p1 $0x1;
	p0 =	seq.s32 s7, s2  }
0x1e: {  	s7 =	smul.u32 @!p0 $0xF7A, s2;
	p2 =	seq.s32 @!p0 s5, $0x0  }
0x1f: {  	s9 =	smul.u32 $0xF7A, s1;
	s8 =	simm.s32 @!p0 $0x1BF5;
	p2 =	por !p2, p0  }
0x20: {  	[sflag:s8] =	ssyncset.s32 @!p0 $0xFFFFF086;
	s6 =	sadd.s32 @!p0 s3, s7;
	s7 =	simm.s32 @!p0 $0x108  }
0x21: {  	s3 =	sadd.s32 s3, s9;
	s6 =	sadd.s32 @!p0 $0x88, s6;
	s7 =	simm.s32 @p2 $0x1082  }
0x22: {  	[simem:s7], [sflag:s8] =	dma.local @!p0 [hbm:s6], $0xF7A  }
0x23: {  	s9 =	sor.u32 $0xD0000000, s2;
	s6 =	simm.s32 $0x108;
	_ =	swait.ge @!p0 [sflag:s8], $0x0  }
0x24: {  	s3 =	sadd.s32 $0x88, s3;
	s6 =	simm.s32 @!p1 $0x1082;
	[sflag:s4] =	ssyncset.s32 $0xFFFFF086  }
0x25: {  	[simem:s6], [sflag:s4] =	dma.local [hbm:s3], $0xF7A  }
0x26: {  	[smem:$0x3F96] =	sst s1;
	(tag) =	ssettag s2;
	_ =	strace s9  }
0x27: {  	s1 =	sld [smem:$0x3FA6]  }
0x28: {  	s2 =	sld [smem:$0x3FA7]  }
0x29: {  	s4 =	sld [smem:$0x3FA9]  }
0x2a: {  	p0 =	seq.s32 s5, $0x0;
	s5 =	sld [smem:$0x3FAA]  }
0x2b: {  	s6 =	sld [smem:$0x3FAB]  }
0x2c: {  	s7 =	sld [smem:$0x3FAC]  }
0x2d: {  	s3 =	simm.s32 $0x108;
	s8 =	sld [smem:$0x3FAD]  }
0x2e: {  	s3 =	simm.s32 @!p0 $0x1082;
	s9 =	sld [smem:$0x3FAE]  }
0x2f: {  	lr =	sadd.s32 s0, s3;
	s0 =	sld [smem:$0x3FA5]  }
0x30: {  	s3 =	sld [smem:$0x3FA8]  }
0x31: {  	[smem:$0x3FB1] =	sst s10  }
0x32: {  	s10 =	sld [smem:$0x3FAF];
	_ =	sdelay $0x3  }
0x33: {  	p0 =	seq.s32 s10, $0x1;
	s10 =	sld [smem:$0x3FB1];
	_ =	sdelay $0x3  }
0x34: {  	[smem:$0x3FB1] =	sst s10  }
0x35: {  	s10 =	sld [smem:$0x3FB0];
	_ =	sdelay $0x3  }
0x36: {  	p1 =	seq.s32 s10, $0x1;
	s10 =	sld [smem:$0x3FB1];
	_ =	sdelay $0x3  }
0x37: {  	[smem:$0x3FB1] =	sst s10  }
0x38: {  	s10 =	sld [smem:$0x3FB2]  }
0x39: {  	_ = 	snop;
	(pc) =	sbr.ind lr, $3  }
0x3a: {  	_ = 	snop  }
0x3b: {  	_ = 	snop  }
0x3c: {  	p2 =	seq.s32 s10, $0x1;
	s10 =	sld [smem:$0x3FB1]  }
0x3d: {  	_ =	shalt  }
0x3e: {  	_ =	shalt  }
0x3f: {  	_ =	shalt  }
0x40: {  	_ =	shalt  }
0x41: {  	_ =	shalt  }
0x42: {  	_ =	shalt  }
0x43: {  	_ =	shalt  }
0x44: {  	_ =	shalt  }
0x45: {  	_ =	shalt  }
0x46: {  	_ =	shalt  }
0x47: {  	_ =	shalt  }
0x48: {  	_ =	shalt  }
0x49: {  	_ =	shalt  }
0x4a: {  	_ =	shalt  }
0x4b: {  	_ =	shalt  }
0x4c: {  	_ =	shalt  }
0x4d: {  	_ =	shalt  }
0x4e: {  	_ =	shalt  }
0x4f: {  	_ =	shalt  }
0x50: {  	_ =	shalt  }
0x51: {  	_ =	shalt  }
0x52: {  	_ =	shalt  }
0x53: {  	_ =	shalt  }
0x54: {  	_ =	shalt  }
0x55: {  	_ =	shalt  }
0x56: {  	_ =	shalt  }
0x57: {  	_ =	shalt  }
0x58: {  	_ =	shalt  }
0x59: {  	_ =	shalt  }
0x5a: {  	_ =	shalt  }
0x5b: {  	_ =	shalt  }
0x5c: {  	_ =	shalt  }
0x5d: {  	_ =	shalt  }
0x5e: {  	_ =	shalt  }
0x5f: {  	_ =	shalt  }
0x60: {  	_ =	shalt  }
0x61: {  	_ =	shalt  }
0x62: {  	_ =	shalt  }
0x63: {  	_ =	shalt  }
0x64: {  	_ =	shalt  }
0x65: {  	_ =	shalt  }
0x66: {  	_ =	shalt  }
0x67: {  	_ =	shalt  }
0x68: {  	_ =	shalt  }
0x69: {  	_ =	shalt  }
0x6a: {  	_ =	shalt  }
0x6b: {  	_ =	shalt  }
0x6c: {  	_ =	shalt  }
0x6d: {  	_ =	shalt  }
0x6e: {  	_ =	shalt  }
0x6f: {  	_ =	shalt  }
0x70: {  	_ =	shalt  }
0x71: {  	_ =	shalt  }
0x72: {  	_ =	shalt  }
0x73: {  	_ =	shalt  }
0x74: {  	_ =	shalt  }
0x75: {  	_ =	shalt  }
0x76: {  	_ =	shalt  }
0x77: {  	_ =	shalt  }
0x78: {  	_ =	shalt  }
0x79: {  	_ =	shalt  }
0x7a: {  	_ =	shalt  }
0x7b: {  	_ =	shalt  }
0x7c: {  	_ =	shalt  }
0x7d: {  	_ =	shalt  }
0x7e: {  	_ =	shalt  }
0x7f: {  	_ =	shalt  }
0x80: {  	_ =	shalt  }
0x81: {  	_ =	shalt  }
0x82: {  	_ =	shalt  }
0x83: {  	_ =	shalt  }
0x84: {  	_ =	shalt  }
0x85: {  	_ =	shalt  }
0x86: {  	_ =	shalt  }
0x87: {  	_ =	shalt  }
.Lfunc_end0:
.L_simem_size_0:
called_computation.3_lowered:
.L_overlay_start_0:
0x88: {  	s2 =	sld [smem:$0x3FD9]  }
0x89: {  	s3 =	sld [smem:$0x3FFE];
	_ =	sdelay $0x1  }
0x8a: {  	s1 =	srdreg.scid  }
0x8b: {  	s0 =	sand.u32 $0x1, s1  }
0x8c: {  	s16 =	sshll.u32 s0, $0xA;
	s2 =	sadd.s32 s3, s2  }
0x8d: {  	s2 =	sadd.s32 s2, s16  }
0x8e: {  	[smem:$0x3FBD] =	sst s2  }
0x8f: {  	_ = 	snop  }
0x90: {  	(tm) =	ssettm $0x1  }
0x91: {  	s17 =	sld [smem:$0x3FFB];
	_ =	sdelay $0x3  }
0x92: {  	_ =	strace s17  }
0x93: {  	s2 =	sld [smem:$0x3FFC];
	_ =	sdelay $0x3  }
0x94: {  	_ =	strace s2  }
0x95: {  	s2 =	sld [smem:$0x3FFD];
	_ =	sdelay $0x3  }
0x96: {  	_ =	strace s2  }
0x97: {  	_ =	strace $0x8FFFFFFF  }
0x98: {  	s18 =	sld [smem:$0x3FDB];
	_ =	sdelay $0x1  }
0x99: {  	s19 =	simm.s32 $_scs_section_size  }
0x9a: {  	s4 =	simm.s32 $_size__tile_overlayer_lowered;
	s5 =	simm.s32 $_tile_overlayer_lowered  }
0x9b: {  	s22 =	simm.s32 $0x1BFF;
	s21 =	sshll.u32 s5, $0x1;
	s2 =	sadd.s32 s19, s18  }
0x9c: {  	s6 =	simm.s32 $0x0;
	s20 =	sshll.u32 s4, $0x1;
	s4 =	sadd.s32 s21, s2  }
0x9d: {  	[timem:s6], [sflag:s22] =	dma.local [hbm:s4], s20  }
0x9e: {  	_ =	swait.ge [sflag:s22], s20  }
0x9f: {  	s3 =	ssub.s32 $0x0, s20;
	[sflag:s22] =	ssyncset.done $0x0  }
0xa0: {  	[sflag:s22] =	ssyncadd.s32 s3;
	_ =	sdelay $0x1  }
0xa1: {  	s23 =	simm.s32 $0x1B8B  }
0xa2: {  	_ =	swait.ge [sflag:s23], $0x1  }
0xa3: {  	[sflag:s23] =	ssyncset.done $0x0  }
0xa4: {  	s25 =	simm.s32 $0x1B8E;
	s24 =	sld [smem:$0x3FFE];
	[sflag:s23] =	ssyncadd.s32 $0xFFFFFFFF  }
0xa5: {  	s26 =	simm.s32 $execute0_lowered;
	[smem:$0x3FD2] =	sst s25  }
0xa6: {  	s4 =	sshll.u32 s26, $0x1;
	_ =	strace $0x8000004F;
	[dreg:$0x1] =	wrdreg $0xFFFFFFFF  }
0xa7: {  	s28 =	simm.s32 $_size_execute0_lowered;
	s2 =	sadd.s32 s2, s4;
	[dreg:$0x0] =	wrdreg $0x0  }
0xa8: {  	s4 =	sshll.u32 s28, $0x1;
	[dreg:$0x2] =	wrdreg s2  }
0xa9: {  	[dreg:$0x3] =	wrdreg s4  }
0xaa: {  	[dreg:$0x4] =	wrdreg $0xC0  }
0xab: {  	_ =	task [dreg:s6], $0x5FFFF  }
0xac: {  	[dreg:$0x1] =	wrdreg $0xFFFFFFFF  }
0xad: {  	[dreg:$0x0] =	wrdreg $0x60  }
0xae: {  	[dreg:$0x2] =	wrdreg s24  }
0xaf: {  	[dreg:$0x3] =	wrdreg $0x8B000  }
0xb0: {  	[dreg:$0x4] =	wrdreg $0x9  }
0xb1: {  	_ =	task.clear_ibuf [dreg:s6], $0x5FFFF;
	_ =	strace $0x9000004F  }
0xb2: {  	s29 =	simm.s32 $0x9;
	_ =	strace $0x80000051  }
0xb3: {  	_ =	swait.ge [sflag:s29], $0x1  }
0xb4: {  	[sflag:s29] =	ssyncadd.s32 $0xFFFFFFFF  }
0xb5: {  	_ =	strace $0x90000051  }
0xb6: {  	_ =	sfence  }
0xb7: {  	s30 =	sld [smem:$0x0];
	_ =	sdelay $0x2  }
0xb8: {  	s31 =	sshll.u32 s1, $0xD;
	s1 =	sshrl.u32 s1, $0x2  }
0xb9: {  	s3 =	sand.u32 $0x4000, s31;
	s1 =	sadd.s32 s1, s30  }
0xba: {  	s0 =	sor.u32 s3, s0;
	s1 =	sshll.u32 s1, $0x11  }
0xbb: {  	s0 =	sor.u32 s1, s0  }
0xbc: {  	s0 =	sadd.s32 $0x8F2B, s0  }
0xbd: {  	[sflag:s0] =	ssyncadd.remote.s32 $0x1  }
0xbe: {  	_ =	sfence.sel $0xFFFF  }
0xbf: {  	[dreg:$0x0] =	wrdreg $0xFFFFFFFF;
	(pc) =	sbr.abs _section_cstart, $3  }
0xc0: {  	[dreg:$0x1] =	wrdreg $0xFFFFFFFF  }
0xc1: {  	_ =	task.clear_ibuf [dreg:s6], $0x2FFFF;
	_ =	strace $0x9FFFFFFF  }
0xc2: {  	(tm) =	ssettm $0x7FFFFFFF  }
0xc3: {  	_ =	shalt  }
tec
execute0_lowered:
.L_overlay_start_1:
0x0: {  	(tag) =	ssettag $0x1  }
0x1: {  	s0 =	rddreg [dreg:$0x0];
	s1 =	srdreg.scid  }
0x2: {  	s2 =	rddreg [dreg:$0x1];
	s11 =	stileid.u32  }
0x3: {  	s3 =	simm.s32 $0x0;
	s28 =	simm.s32 $0x180;
	s29 =	simm.s32 $0x1  }
0x4: {  	s30 =	simm.s32 $0x2;
	s31 =	simm.s32 $0x4200;
	s6 =	smul.u32 $0x14000, s11  }
0x5: {  	s1 =	sand.u32 $0x1, s1;
	[smem:$0x7FF] =	sst s3;
	s8 =	smul.u32 $0x50000, s11  }
0x6: {  	s4 =	sadd.s32 $0xCE00, s0;
	s12 =	sshll.u32 s11, $0x1;
	s19 =	smul.u32 $0x4E20, s11  }
0x7: {  	s5 =	smul.u32 $0x140000, s1;
	_ =	strace $0x80000050;
	s9 =	ssub.s32 $0x2, s1  }
0x8: {  	s10 =	sor.u32 s1, s12;
	s1 =	smul.u32 $0x2710, s1;
	s13 =	sshrl.u32 s8, $0x2  }
0x9: {  	s14 =	sshrl.u32 s9, $0x1;
	s10 =	smul.u32 $0x2710, s10;
	s6 =	sadd.s32 s6, s5  }
0xa: {  	s5 =	sadd.s32 $0x3000, s0;
	s8 =	ssub.s32 s9, s14;
	s1 =	sadd.s32 s1, s19  }
0xb: {  	s7 =	sshrl.u32 s6, $0x3;
	s6 =	sadd.s32 $0x16C00, s0;
	s18 =	sshrl.u32 s10, $0x3  }
0xc: {  	s25 =	sadd.s32 $0x180, s1;
	s19 =	smax.u32 s8, $0x1;
	s8 =	simm.s32 $0x8200  }
0xd: {  	s10 =	simm.s32 $0x10;
	s0 =	sadd.s32 s7, s0;
	s12 =	sadd.s32 s4, s18  }
0xe: {  	s7 =	sadd.s32 s13, s2;
	s22 =	sadd.s32 s5, s18;
	[dreg:$0x7] =	wrdreg s12  }
0xf: {  	s21 =	sadd.s32 $0x10, s18;
	s15 =	sadd.s32 $0x4000, s7;
	[dreg:$0x8] =	wrdreg s22  }
0x10: {  	s9 =	sadd.s32 $0x4E0, s18;
	s16 =	sadd.s32 $0x8000, s7;
	[dreg:$0x3] =	wrdreg s15  }
0x11: {  	s26 =	sshrl.u32 s25, $0x3;
	s17 =	sadd.s32 $0xC000, s7;
	[dreg:$0x4] =	wrdreg s16  }
0x12: {  	s25 =	simm.s32 $0x100;
	s20 =	sadd.s32 $0x10000, s7;
	[dreg:$0x5] =	wrdreg s17  }
0x13: {  	s23 =	sadd.s32 s4, s21;
	s11 =	sadd.s32 s5, s21;
	[dreg:$0x6] =	wrdreg s20  }
0x14: {  	s24 =	sadd.s32 s4, s9;
	s9 =	sadd.s32 s5, s9;
	[dreg:$0x9] =	wrdreg s23  }
0x15: {  	s18 =	sadd.s32 $0x3DE00, s0;
	s21 =	sadd.s32 s26, s4;
	[dreg:$0xa] =	wrdreg s11  }
0x16: {  	s22 =	sadd.s32 $0x100, s1;
	s0 =	simm.s32 $0x3;
	[dreg:$0xb] =	wrdreg s24  }
0x17: {  	s1 =	simm.s32 $0x4;
	s12 =	simm.s32 $0x0;
	[dreg:$0xc] =	wrdreg s9  }
0x18: {  	s20 =	sadd.s32 s26, s5;
	s23 =	simm.s32 $0x200;
	s24 =	simm.s32 $0x5  }
0x19: {  	v0 =	vimm.f32 $0.0e+00;
	s26 =	simm.s32 $0x80;
	s9 =	simm.s32 $0x8280;
	s11 =	simm.s32 $0x8300  }
.LBB2_1:
0x1a: {  	s13 =	simm.s32 $0x0;
	s14 =	simm.s32 $0x200  }
.LBB2_2:
0x1b: {  	p0 =	sne.s32 s14, $0xFE00;
	[tilespmem:s13+$0x270] =	vst v0  }
0x1c: {  	[tilespmem:s13+$0x200] =	vst v0  }
0x1d: {  	[tilespmem:s13+$0x210] =	vst v0  }
.Ltmp0:
0x1e: {  	[tilespmem:s13+$0x220] =	vst v0;
	(pc) =	sbr.rel @p0 .LBB2_2-.Ltmp0, $4  }
0x1f: {  	[tilespmem:s13+$0x230] =	vst v0  }
0x20: {  	[tilespmem:s13+$0x240] =	vst v0  }
0x21: {  	[tilespmem:s13+$0x250] =	vst v0  }
0x22: {  	[tilespmem:s13+$0x260] =	vst v0;
	s13 =	sshra.s32 s14, $0x2;
	s14 =	sadd.s32 $0x200, s14  }
0x23: {  	[tilespmem:s13+$0x270] =	vst v0  }
0x24: {  	[tilespmem:s13+$0x200] =	vst v0  }
0x25: {  	[tilespmem:s13+$0x210] =	vst v0  }
0x26: {  	[tilespmem:s13+$0x220] =	vst v0  }
0x27: {  	[tilespmem:s13+$0x230] =	vst v0  }
0x28: {  	[tilespmem:s13+$0x240] =	vst v0  }
0x29: {  	[tilespmem:s13+$0x250] =	vst v0  }
0x2a: {  	[tilespmem:s13+$0x260] =	vst v0  }
0x2b: {  	[spmem:s7] =	stream.linear.scatter [tilespmem:s23], [sflag:$0x5], $0x4000, $0x38;
	[tilespmem:$0x1CB00] =	vst v63  }
0x2c: {  	_ =	swait.ge [sflag:s24], $0x4000  }
0x2d: {  	[sflag:s24] =	ssyncset.done $0x0  }
0x2e: {  	s17 =	rddreg [dreg:$0x3];
	[sflag:s24] =	ssyncadd.s32 $0xFFFFC000  }
0x2f: {  	[spmem:s17] =	stream.linear.scatter [tilespmem:s23], [sflag:$0x5], $0x4000, $0x38;
	[tilespmem:$0x1CB00] =	vst v63  }
0x30: {  	_ =	swait.ge [sflag:s24], $0x4000  }
0x31: {  	[sflag:s24] =	ssyncset.done $0x0  }
0x32: {  	s14 =	rddreg [dreg:$0x4];
	[sflag:s24] =	ssyncadd.s32 $0xFFFFC000  }
0x33: {  	[spmem:s14] =	stream.linear.scatter [tilespmem:s23], [sflag:$0x5], $0x4000, $0x38;
	[tilespmem:$0x1CB00] =	vst v63  }
0x34: {  	_ =	swait.ge [sflag:s24], $0x4000  }
0x35: {  	[sflag:s24] =	ssyncset.done $0x0  }
0x36: {  	s15 =	rddreg [dreg:$0x5];
	[sflag:s24] =	ssyncadd.s32 $0xFFFFC000  }
0x37: {  	[spmem:s15] =	stream.linear.scatter [tilespmem:s23], [sflag:$0x5], $0x4000, $0x38;
	[tilespmem:$0x1CB00] =	vst v63  }
0x38: {  	_ =	swait.ge [sflag:s24], $0x4000  }
0x39: {  	[sflag:s24] =	ssyncset.done $0x0  }
0x3a: {  	s16 =	rddreg [dreg:$0x6];
	[sflag:s24] =	ssyncadd.s32 $0xFFFFC000  }
0x3b: {  	[spmem:s16] =	stream.linear.scatter [tilespmem:s23], [sflag:$0x5], $0x4000, $0x38;
	[tilespmem:$0x1CB00] =	vst v63  }
0x3c: {  	_ =	swait.ge [sflag:s24], $0x4000  }
0x3d: {  	[sflag:s24] =	ssyncset.done $0x0  }
0x3e: {  	[sflag:s24] =	ssyncadd.s32 $0xFFFFC000  }
0x3f: {  	[bflag:$0x0] =	sbarrier.arrive $0xFFFF  }
0x40: {  	s13 =	simm.s32 $0x0;
	s14 =	rddreg [dreg:$0x7]  }
0x41: {  	[tilespmem:s13], [sflag:$0x1] =	stream.linear.gather [hbm4b:s14+s13], $0x80, $0x38;
	[tilespmem:$0x1CB00] =	vst v63  }
0x42: {  	s17 =	rddreg [dreg:$0x8]  }
0x43: {  	[tilespmem:s25], [sflag:$0x1] =	stream.linear.gather [hbm4b:s17+s13], $0x80, $0x38;
	[tilespmem:$0x1CB00] =	vst v63  }
0x44: {  	s15 =	rddreg [dreg:$0x9]  }
0x45: {  	[tilespmem:s26], [sflag:$0x2] =	stream.linear.gather [hbm4b:s15+s13], $0x80, $0x38;
	[tilespmem:$0x1CB00] =	vst v63  }
0x46: {  	s16 =	rddreg [dreg:$0xa]  }
0x47: {  	[tilespmem:s28], [sflag:$0x2] =	stream.linear.gather [hbm4b:s16+s13], $0x80, $0x38;
	[tilespmem:$0x1CB00] =	vst v63  }
0x48: {  	_ =	swait.ge [sflag:s29], $0x80  }
0x49: {  	[sflag:s29] =	ssyncset.done $0x0  }
0x4a: {  	[sflag:s29] =	ssyncadd.s32 $0xFFFFFF80  }
0x4b: {  	[tilespmem:s23], [sflag:$0x3] =	stream.indirect.gather [hbm4b:s6+s26], $0x80, s13, s26, $0xb8;
	[tilespmem:$0x1CB00] =	vst v63  }
0x4c: {  	_ =	swait.ge [sflag:s30], $0x80  }
0x4d: {  	[sflag:s30] =	ssyncset.done $0x0  }
0x4e: {  	[sflag:s30] =	ssyncadd.s32 $0xFFFFFF80  }
0x4f: {  	[tilespmem:s31], [sflag:$0x4] =	stream.indirect.gather [hbm4b:s6+s26], $0x80, s26, s26, $0xb8;
	[tilespmem:$0x1CB00] =	vst v63  }
0x50: {  	_ =	swait.ge [sflag:s0], $0x4000  }
0x51: {  	s17 =	sshrl.u32 s22, $0x3;
	[sflag:s0] =	ssyncset.done $0x0  }
0x52: {  	s15 =	sadd.s32 s4, s17;
	[sflag:s0] =	ssyncadd.s32 $0xFFFFC000  }
0x53: {  	[tilespmem:s3], [sflag:$0x1] =	stream.linear.gather [hbm4b:s15+s3], $0x80, $0x38;
	[tilespmem:$0x1CB00] =	vst v63  }
0x54: {  	_ =	swait.ge [sflag:s29], $0x80  }
0x55: {  	[sflag:s29] =	ssyncset.done $0x0  }
0x56: {  	[sflag:s29] =	ssyncadd.s32 $0xFFFFFF80  }
0x57: {  	[spmem:s2] =	stream.indirect.scatter.add.f32 [tilespmem:s23], [sflag:$0x5], $0x80, s25, s26, $0xb8;
	[tilespmem:$0x1CB00] =	vst v63  }
0x58: {  	_ =	swait.ge [sflag:s24], $0x4000  }
0x59: {  	[sflag:s24] =	ssyncset.done $0x0  }
0x5a: {  	s13 =	sadd.s32 s5, s17;
	[sflag:s24] =	ssyncadd.s32 $0xFFFFC000  }
0x5b: {  	[tilespmem:s25], [sflag:$0x1] =	stream.linear.gather [hbm4b:s13+s3], $0x80, $0x38;
	[tilespmem:$0x1CB00] =	vst v63  }
0x5c: {  	_ =	swait.ge [sflag:s1], $0x4000  }
0x5d: {  	[sflag:s1] =	ssyncset.done $0x0  }
0x5e: {  	s16 =	sadd.s32 $0x0, s21;
	[sflag:s1] =	ssyncadd.s32 $0xFFFFC000  }
0x5f: {  	[tilespmem:s26], [sflag:$0x2] =	stream.linear.gather [hbm4b:s16+s3], $0x80, $0x38;
	[tilespmem:$0x1CB00] =	vst v63  }
0x60: {  	_ =	swait.ge [sflag:s30], $0x80  }
0x61: {  	[sflag:s30] =	ssyncset.done $0x0  }
0x62: {  	[sflag:s30] =	ssyncadd.s32 $0xFFFFFF80  }
0x63: {  	[spmem:s2] =	stream.indirect.scatter.add.f32 [tilespmem:s31], [sflag:$0x5], $0x80, s28, s26, $0xb8;
	[tilespmem:$0x1CB00] =	vst v63  }
0x64: {  	_ =	swait.ge [sflag:s24], $0x4000  }
0x65: {  	[sflag:s24] =	ssyncset.done $0x0  }
0x66: {  	s17 =	sadd.s32 $0x0, s20;
	[sflag:s24] =	ssyncadd.s32 $0xFFFFC000  }
0x67: {  	[tilespmem:s28], [sflag:$0x2] =	stream.linear.gather [hbm4b:s17+s3], $0x80, $0x38;
	[tilespmem:$0x1CB00] =	vst v63  }
0x68: {  	_ =	swait.ge [sflag:s29], $0x80  }
0x69: {  	[sflag:s29] =	ssyncset.done $0x0  }
0x6a: {  	[sflag:s29] =	ssyncadd.s32 $0xFFFFFF80  }
0x6b: {  	[tilespmem:s23], [sflag:$0x3] =	stream.indirect.gather [hbm4b:s6+s26], $0x80, s3, s26, $0xb8;
	[tilespmem:$0x1CB00] =	vst v63  }
0x6c: {  	_ =	swait.ge [sflag:s30], $0x80  }
0x6d: {  	[sflag:s30] =	ssyncset.done $0x0  }
0x6e: {  	s14 =	sadd.s32 $0x100, s22;
	s13 =	simm.s32 $0x20;
	[sflag:s30] =	ssyncadd.s32 $0xFFFFFF80  }
.LBB2_4:
0x6f: {  	[tilespmem:s31], [sflag:$0x4] =	stream.indirect.gather [hbm4b:s6+s26], $0x80, s26, s26, $0xb8;
	[tilespmem:$0x1CB00] =	vst v63  }
0x70: {  	s15 =	smov.u32 s13  }
0x71: {  	p0 =	sne.s32 s13, $0x4A0;
	s13 =	sadd.s32 $0x20, s13;
	_ =	swait.ge [sflag:s0], $0x4000  }
0x72: {  	s16 =	sshrl.u32 s14, $0x3;
	[sflag:s0] =	ssyncset.done $0x0  }
0x73: {  	s17 =	sadd.s32 s4, s16;
	[sflag:s0] =	ssyncadd.s32 $0xFFFFC000  }
0x74: {  	[tilespmem:s3], [sflag:$0x1] =	stream.linear.gather [hbm4b:s17+s3], $0x80, $0x38;
	[tilespmem:$0x1CB00] =	vst v63  }
0x75: {  	_ =	swait.ge [sflag:s29], $0x80  }
0x76: {  	[sflag:s29] =	ssyncset.done $0x0  }
0x77: {  	[sflag:s29] =	ssyncadd.s32 $0xFFFFFF80  }
0x78: {  	[spmem:s2] =	stream.indirect.scatter.add.f32 [tilespmem:s23], [sflag:$0x5], $0x80, s25, s26, $0xb8;
	[tilespmem:$0x1CB00] =	vst v63  }
0x79: {  	_ =	swait.ge [sflag:s24], $0x4000  }
0x7a: {  	[sflag:s24] =	ssyncset.done $0x0  }
0x7b: {  	s16 =	sadd.s32 s5, s16;
	[sflag:s24] =	ssyncadd.s32 $0xFFFFC000  }
0x7c: {  	[tilespmem:s25], [sflag:$0x1] =	stream.linear.gather [hbm4b:s16+s3], $0x80, $0x38;
	[tilespmem:$0x1CB00] =	vst v63  }
0x7d: {  	_ =	swait.ge [sflag:s1], $0x4000  }
0x7e: {  	[sflag:s1] =	ssyncset.done $0x0  }
0x7f: {  	s16 =	sadd.s32 s15, s21;
	[sflag:s1] =	ssyncadd.s32 $0xFFFFC000  }
0x80: {  	[tilespmem:s26], [sflag:$0x2] =	stream.linear.gather [hbm4b:s16+s3], $0x80, $0x38;
	[tilespmem:$0x1CB00] =	vst v63  }
0x81: {  	_ =	swait.ge [sflag:s30], $0x80  }
0x82: {  	[sflag:s30] =	ssyncset.done $0x0  }
0x83: {  	[sflag:s30] =	ssyncadd.s32 $0xFFFFFF80  }
0x84: {  	[spmem:s2] =	stream.indirect.scatter.add.f32 [tilespmem:s31], [sflag:$0x5], $0x80, s28, s26, $0xb8;
	[tilespmem:$0x1CB00] =	vst v63  }
0x85: {  	_ =	swait.ge [sflag:s24], $0x4000  }
0x86: {  	[sflag:s24] =	ssyncset.done $0x0  }
0x87: {  	s15 =	sadd.s32 s15, s20;
	[sflag:s24] =	ssyncadd.s32 $0xFFFFC000  }
0x88: {  	[tilespmem:s28], [sflag:$0x2] =	stream.linear.gather [hbm4b:s15+s3], $0x80, $0x38;
	[tilespmem:$0x1CB00] =	vst v63  }
0x89: {  	_ =	swait.ge [sflag:s29], $0x80  }
0x8a: {  	[sflag:s29] =	ssyncset.done $0x0  }
.Ltmp1:
0x8b: {  	[sflag:s29] =	ssyncadd.s32 $0xFFFFFF80;
	(pc) =	sbr.rel @p0 .LBB2_4-.Ltmp1, $4  }
0x8c: {  	[tilespmem:s23], [sflag:$0x3] =	stream.indirect.gather [hbm4b:s6+s26], $0x80, s3, s26, $0xb8;
	[tilespmem:$0x1CB00] =	vst v63  }
0x8d: {  	_ =	swait.ge [sflag:s30], $0x80  }
0x8e: {  	[sflag:s30] =	ssyncset.done $0x0  }
0x8f: {  	s14 =	sadd.s32 $0x100, s14;
	[sflag:s30] =	ssyncadd.s32 $0xFFFFFF80  }
0x90: {  	[tilespmem:s31], [sflag:$0x4] =	stream.indirect.gather [hbm4b:s6+s26], $0x80, s26, s26, $0xb8;
	[tilespmem:$0x1CB00] =	vst v63  }
0x91: {  	_ =	swait.ge [sflag:s0], $0x4000  }
0x92: {  	[sflag:s0] =	ssyncset.done $0x0  }
0x93: {  	[sflag:s0] =	ssyncadd.s32 $0xFFFFC000  }
0x94: {  	_ =	swait.ge [sflag:s29], $0x80  }
0x95: {  	[sflag:s29] =	ssyncset.done $0x0  }
0x96: {  	[sflag:s29] =	ssyncadd.s32 $0xFFFFFF80  }
0x97: {  	[spmem:s2] =	stream.indirect.scatter.add.f32 [tilespmem:s23], [sflag:$0x5], $0x80, s25, s26, $0xb8;
	[tilespmem:$0x1CB00] =	vst v63  }
0x98: {  	_ =	swait.ge [sflag:s24], $0x4000  }
0x99: {  	[sflag:s24] =	ssyncset.done $0x0  }
0x9a: {  	[sflag:s24] =	ssyncadd.s32 $0xFFFFC000  }
0x9b: {  	_ =	swait.ge [sflag:s1], $0x4000  }
0x9c: {  	[sflag:s1] =	ssyncset.done $0x0  }
0x9d: {  	[sflag:s1] =	ssyncadd.s32 $0xFFFFC000  }
0x9e: {  	_ =	swait.ge [sflag:s30], $0x80  }
0x9f: {  	[sflag:s30] =	ssyncset.done $0x0  }
0xa0: {  	[sflag:s30] =	ssyncadd.s32 $0xFFFFFF80  }
0xa1: {  	[spmem:s2] =	stream.indirect.scatter.add.f32 [tilespmem:s31], [sflag:$0x5], $0x80, s28, s26, $0xb8;
	[tilespmem:$0x1CB00] =	vst v63  }
0xa2: {  	_ =	swait.ge [sflag:s24], $0x4000  }
0xa3: {  	[sflag:s24] =	ssyncset.done $0x0  }
0xa4: {  	s13 =	rddreg [dreg:$0xb];
	[sflag:s24] =	ssyncadd.s32 $0xFFFFC000  }
0xa5: {  	[tilespmem:s8], [sflag:$0x5] =	stream.linear.gather [hbm4b:s13+s3], $0x10, $0x38;
	[tilespmem:$0x1CB00] =	vst v63  }
0xa6: {  	_ =	swait.ge [sflag:s24], $0x10  }
0xa7: {  	[sflag:s24] =	ssyncset.done $0x0  }
0xa8: {  	s16 =	rddreg [dreg:$0xc];
	[sflag:s24] =	ssyncadd.s32 $0xFFFFFFF0  }
0xa9: {  	[tilespmem:s9], [sflag:$0x5] =	stream.linear.gather [hbm4b:s16+s3], $0x10, $0x38;
	[tilespmem:$0x1CB00] =	vst v63  }
0xaa: {  	_ =	swait.ge [sflag:s24], $0x10  }
0xab: {  	[sflag:s24] =	ssyncset.done $0x0  }
0xac: {  	[sflag:s24] =	ssyncadd.s32 $0xFFFFFFF0  }
0xad: {  	[tilespmem:s11], [sflag:$0x3] =	stream.indirect.gather [hbm4b:s6+s10], $0x80, s8, s10, $0xb8;
	[tilespmem:$0x1CB00] =	vst v63  }
0xae: {  	_ =	swait.ge [sflag:s0], $0x800  }
0xaf: {  	[sflag:s0] =	ssyncset.done $0x0  }
0xb0: {  	[sflag:s0] =	ssyncadd.s32 $0xFFFFF800  }
0xb1: {  	[spmem:s2] =	stream.indirect.scatter.add.f32 [tilespmem:s11], [sflag:$0x5], $0x80, s9, s10, $0xb8;
	[tilespmem:$0x1CB00] =	vst v63  }
0xb2: {  	s17 =	stileid.u32;
	_ =	swait.ge [sflag:s24], $0x800  }
0xb3: {  	s14 =	sshrl.u32 s7, $0x3;
	s12 =	sadd.s32 $0x1, s12;
	[sflag:s24] =	ssyncset.done $0x0  }
0xb4: {  	p0 =	sne.s32 s12, s19;
	s13 =	sshll.u32 s17, $0x6;
	[sflag:s24] =	ssyncadd.s32 $0xFFFFF800  }
.Ltmp2:
0xb5: {  	s13 =	sor.u32 $0x1C05, s13;
	[bflag:$0x0] =	sbarrier.arrive $0xFFFF;
	(pc) =	sbr.rel @p0 .LBB2_1-.Ltmp2, $4  }
0xb6: {  	[hbm:s18], [sflag:s13] =	dma.local [spmem:s14], $0x2800  }
0xb7: {  	_ =	swait.ge [sflag:s24], $0x2800  }
0xb8: {  	[sflag:s24] =	ssyncset.done $0x0  }
0xb9: {  	[sflag:s24] =	ssyncadd.s32 $0xFFFFD800  }
0xba: {  	_ =	sfence.sel $0x180000  }
0xbb: {  	[bflag:$0x0] =	sbarrier.arrive $0xFFFF  }
0xbc: {  	_ =	strace $0x90000050  }
0xbd: {  	s0 =	stileid.u32;
	[bflag:$0x2] =	sbarrier.arrive $0xFFFF  }
0xbe: {  	p0 =	sne.s32 s0, $0x0;
	s0 =	rddreg [dreg:$0x2]  }
0xbf: {  	s0 =	sadd.s32 @!p0 $0x100000, s0  }
0xc0: {  	[sflag:s0] =	ssyncadd.tile.s32 @!p0 $0x1;
	_ =	shalt  }
.Lfunc_end2:
_tile_overlayer_lowered:
.L_overlay_start_2:
0xc1: {  	(tag) =	ssettag $0x2  }
0xc2: {  	s0 =	rddreg [dreg:$0x0];
	s2 =	stileid.u32  }
0xc3: {  	s1 =	rddreg [dreg:$0x1];
	p0 =	sne.s32 s2, $0x0  }
0xc4: {  	s3 =	rddreg [dreg:$0x2];
	[bflag:$0x3] =	sbarrier.arrive $0xFFFF;
	s2 =	simm.s32 @!p0 $0x1C05  }
0xc5: {  	[timem:s3], [sflag:s2] =	dma.local @!p0 [hbm:s0], s1  }
0xc6: {  	s0 =	simm.s32 @!p0 $0x5  }
0xc7: {  	_ =	swait.ge @!p0 [sflag:s0], s1  }
0xc8: {  	s1 =	ssub.s32 @!p0 $0x0, s1;
	[sflag:s0] =	ssyncset.done @!p0 $0x0  }
0xc9: {  	[sflag:s0] =	ssyncadd.s32 @!p0 s1  }
0xca: {  	[bflag:$0x3] =	sbarrier.arrive $0xFFFF  }
0xcb: {  	_ =	shalt  }

</sc_bundles>
